<compile_context>
chip_gen: v7x
topology: tpu7x:2x2x1
jax: 0.10.2.dev20260603
libtpu: 0.0.44.dev20260713+nightly
codegen_flags: <defaults>
</compile_context>

<pallas_src>
import functools

import numpy as np
import ml_dtypes

import jax
import jax.numpy as jnp
from jax import lax
from jax.experimental import pallas as pl
from jax.experimental.pallas import tpu as pltpu
from jax.experimental.pallas import tpu_sc as plsc


@functools.lru_cache(maxsize=None)
def _knn_table(H, W, k_nb):
    N = H * W
    hs = np.float32(-1.0) + np.arange(H, dtype=np.float32) * (
        np.float32(2.0) / np.float32(H - 1))
    ws = np.float32(-1.0) + np.arange(W, dtype=np.float32) * (
        np.float32(2.0) / np.float32(W - 1))
    hh = np.broadcast_to(hs[:, None], (H, W))
    ww = np.broadcast_to(ws[None, :], (H, W))
    coords = np.stack([hh.reshape(-1), ww.reshape(-1)], axis=1).astype(np.float32)
    sq = (coords * coords).sum(axis=1, dtype=np.float32)
    cb = coords.astype(ml_dtypes.bfloat16).astype(np.float32)
    dot = (cb[:, 0:1] * cb[None, :, 0] + cb[:, 1:2] * cb[None, :, 1])
    dot = dot.astype(np.float32).reshape(N, N)
    d2 = ((sq[:, None] + sq[None, :]).astype(np.float32)
          - np.float32(2.0) * dot).astype(np.float32)
    dist = np.sqrt(np.maximum(d2, np.float32(0.0))).astype(np.float32)
    bits = dist.view(np.uint32).astype(np.uint64)
    key = (bits << np.uint64(32)) | np.arange(N, dtype=np.uint64)[None, :]
    part = np.argpartition(key, k_nb - 1, axis=1)[:, :k_nb]
    return np.sort(part, axis=1).astype(np.int32)


def _proj_kernel(x_ref, wq_ref, wk_ref, wv_ref, bq_ref, bk_ref, bv_ref,
                 q_ref, kv_ref):
    xb = x_ref[0].astype(jnp.bfloat16)

    def mm(w_r, b_r):
        w = w_r[...].astype(jnp.bfloat16)
        o = lax.dot_general(xb, w, (((0,), (1,)), ((), ())),
                            preferred_element_type=jnp.float32)
        return o + b_r[...]

    q_ref[0] = mm(wq_ref, bq_ref)
    kb = lax.bitcast_convert_type(
        mm(wk_ref, bk_ref).astype(jnp.bfloat16), jnp.uint16).astype(jnp.uint32)
    vb = lax.bitcast_convert_type(
        mm(wv_ref, bv_ref).astype(jnp.bfloat16), jnp.uint16).astype(jnp.uint32)
    kv_ref[0] = lax.bitcast_convert_type((vb << 16) | kb, jnp.int32)


def _tc_project(xf, Wq, Wk, Wv, bq, bk, bv):
    B, C, N = xf.shape
    CP = Wq.shape[0]
    spec_w = pl.BlockSpec((CP, C), lambda b: (0, 0))
    spec_b = pl.BlockSpec((1, CP), lambda b: (0, 0))
    spec_o = pl.BlockSpec((1, N, CP), lambda b: (b, 0, 0))
    out = pl.pallas_call(
        _proj_kernel,
        grid=(B,),
        in_specs=[pl.BlockSpec((1, C, N), lambda b: (b, 0, 0)),
                  spec_w, spec_w, spec_w, spec_b, spec_b, spec_b],
        out_specs=[spec_o, spec_o],
        out_shape=[jax.ShapeDtypeStruct((B, N, CP), jnp.float32),
                   jax.ShapeDtypeStruct((B, N, CP), jnp.int32)],
    )(xf, Wq, Wk, Wv, bq, bk, bv)
    return out


def _sc_attend(q_rows, kv_rows, nbr, pos_tab, C):
    M, CP = q_rows.shape
    KVP = kv_rows.shape[1]
    posN = pos_tab.shape[0]
    info = plsc.get_sparse_core_info()
    NW = info.num_cores * info.num_subcores
    per_w = M // NW
    QC = 32
    n_ch = per_w // QC
    NV = C // 16
    K = 8
    mesh = plsc.VectorSubcoreMesh(core_axis_name="c", subcore_axis_name="s")

    n_pairs = n_ch // 2

    def body(q_hbm, kv_hbm, idx_hbm, pos_hbm, out_hbm,
             idxbuf0, qbuf0, kvbuf0, posbuf0, obuf0,
             idxbuf1, qbuf1, kvbuf1, posbuf1, obuf1,
             semk0, semq0, semp0, semo0, semk1, semq1, semp1, semo1):
        cid = lax.axis_index("c")
        sid = lax.axis_index("s")
        wid = sid * info.num_cores + cid
        base = wid * per_w
        lane = lax.iota(jnp.int32, 16)
        himask = jnp.full((16,), -65536, jnp.int32)
        bufs0 = (idxbuf0, qbuf0, kvbuf0, posbuf0, obuf0,
                 semk0, semq0, semp0, semo0)
        bufs1 = (idxbuf1, qbuf1, kvbuf1, posbuf1, obuf1,
                 semk1, semq1, semp1, semo1)

        def issue(t, bufs):
            idxb, qb, kvb, pb, ob, skv, sq, sp, so = bufs
            q0 = base + t * QC
            pltpu.sync_copy(idx_hbm.at[pl.ds(q0 * K, QC * K)], idxb)
            for h in range(QC * K // 128):
                pltpu.async_copy(
                    kv_hbm.at[idxb.at[pl.ds(h * 128, 128)]],
                    kvb.at[pl.ds(h * 128, 128)], skv)
            pltpu.async_copy(q_hbm.at[pl.ds(q0, QC)], qb, sq)
            pltpu.async_copy(pos_hbm.at[pl.ds(q0 % posN, QC)], pb, sp)

        def wait_bufs(t, bufs):
            idxb, qb, kvb, pb, ob, skv, sq, sp, so = bufs
            q0 = base + t * QC
            for h in range(QC * K // 128):
                pltpu.make_async_copy(
                    kv_hbm.at[idxb.at[pl.ds(h * 128, 128)]],
                    kvb.at[pl.ds(h * 128, 128)], skv).wait()
            pltpu.make_async_copy(q_hbm.at[pl.ds(q0, QC)], qb, sq).wait()
            pltpu.make_async_copy(
                pos_hbm.at[pl.ds(q0 % posN, QC)], pb, sp).wait()

        def wait_out(t, bufs):
            idxb, qb, kvb, pb, ob, skv, sq, sp, so = bufs
            q0 = base + t * QC
            pltpu.make_async_copy(ob, out_hbm.at[pl.ds(q0, QC)], so).wait()

        def compute(t, bufs):
            idxb, qb, kvb, pb, ob, skv, sq, sp, so = bufs
            q0 = base + t * QC

            @pl.when(t >= 2)
            def _():
                wait_out(t - 2, bufs)

            def qstep(i, c2):
                r0 = i * K
                qv = [qb[i, pl.ds(c * 16, 16)] * jnp.float32(1.0 / np.sqrt(C))
                      for c in range(NV)]
                esum = jnp.zeros((16,), jnp.float32)
                acc = [jnp.zeros((16,), jnp.float32) for _ in range(NV)]
                for j in range(K):
                    u = [kvb[r0 + j, pl.ds(c * 16, 16)] for c in range(NV)]
                    t0 = None
                    for c in range(NV):
                        kf = plsc.bitcast(
                            lax.shift_left(u[c], 16), jnp.float32)
                        p = qv[c] * kf
                        t0 = p if t0 is None else t0 + p
                    ej = jnp.exp(jnp.broadcast_to(jnp.sum(t0), (16,)))
                    esum = esum + ej
                    for c in range(NV):
                        vf = plsc.bitcast(
                            jnp.bitwise_and(u[c], himask), jnp.float32)
                        acc[c] = acc[c] + ej * vf
                invs = jnp.ones((16,), jnp.float32) / esum
                for c in range(NV):
                    ob[i, pl.ds(c * 16, 16)] = (
                        pb[i, pl.ds(c * 16, 16)] + acc[c] * invs)
                return c2

            lax.fori_loop(0, QC, qstep, 0)
            pltpu.async_copy(ob, out_hbm.at[pl.ds(q0, QC)], so)

        issue(0, bufs0)

        def pair(t2, carry):
            t = t2 * 2
            issue(t + 1, bufs1)
            wait_bufs(t, bufs0)
            compute(t, bufs0)

            @pl.when(t2 < n_pairs - 1)
            def _():
                issue(t + 2, bufs0)

            wait_bufs(t + 1, bufs1)
            compute(t + 1, bufs1)
            return carry

        lax.fori_loop(0, n_pairs, pair, 0)
        wait_out(n_ch - 2, bufs0)
        wait_out(n_ch - 1, bufs1)

    dbl = lambda s, d: pltpu.VMEM(s, d)
    kern = pl.kernel(
        body,
        out_type=jax.ShapeDtypeStruct((M, CP), jnp.float32),
        mesh=mesh,
        compiler_params=pltpu.CompilerParams(needs_layout_passes=False),
        scratch_types=[
            dbl((QC * K,), jnp.int32),
            dbl((QC, CP), jnp.float32),
            dbl((QC * K, KVP), jnp.int32),
            dbl((QC, CP), jnp.float32),
            dbl((QC, CP), jnp.float32),
            dbl((QC * K,), jnp.int32),
            dbl((QC, CP), jnp.float32),
            dbl((QC * K, KVP), jnp.int32),
            dbl((QC, CP), jnp.float32),
            dbl((QC, CP), jnp.float32),
            pltpu.SemaphoreType.DMA,
            pltpu.SemaphoreType.DMA,
            pltpu.SemaphoreType.DMA,
            pltpu.SemaphoreType.DMA,
            pltpu.SemaphoreType.DMA,
            pltpu.SemaphoreType.DMA,
            pltpu.SemaphoreType.DMA,
            pltpu.SemaphoreType.DMA,
        ],
    )
    return kern(q_rows, kv_rows, nbr, pos_tab)


def kernel(x, W_qkv, b_qkv, pos_enc):
    B, C, H, W = x.shape
    N = H * W
    k_nb = 8
    tk = _knn_table(H, W, k_nb)
    nbr_np = np.concatenate([tk + b * N for b in range(B)], axis=0)
    nbr = jnp.asarray(nbr_np.reshape(-1).astype(np.int32))

    xf = x.reshape(B, C, N)
    CP = 128
    pad = ((0, CP - C), (0, 0))
    Wq = jnp.pad(W_qkv[0:C], pad)
    Wk = jnp.pad(W_qkv[C:2 * C], pad)
    Wv = jnp.pad(W_qkv[2 * C:3 * C], pad)
    bq = jnp.pad(b_qkv[0:C], (0, CP - C)).reshape(1, CP)
    bk = jnp.pad(b_qkv[C:2 * C], (0, CP - C)).reshape(1, CP)
    bv = jnp.pad(b_qkv[2 * C:3 * C], (0, CP - C)).reshape(1, CP)
    q3, kv3 = _tc_project(xf, Wq, Wk, Wv, bq, bk, bv)

    pos_vec = pos_enc.reshape(C)
    pos_tab = jnp.pad(
        jnp.broadcast_to(pos_vec[:, None], (C, N)).reshape(N, C),
        ((0, 0), (0, CP - C)))

    out_rows = _sc_attend(q3.reshape(B * N, CP),
                          kv3.reshape(B * N, CP), nbr, pos_tab, C)
    return out_rows[:, :C].reshape(B, C, H, W)

# --- scband reference (transcript-rebuilt; emitter-appended) ---
"""Pipeline reference for scband-coordinate-sparse-attention-20323785244775 (READ-ONLY COPY).

The authoritative reference and input builder live on the scoring server;
editing this copy changes nothing except your own understanding.
"""

import jax, jax.numpy as jnp
import numpy as np


def setup_inputs(seed: int = 0) -> dict:
    key = jax.random.key(seed)
    k1, k2, k3, k4 = jax.random.split(key, 4)
    B, C, H, W = 2, 96, 64, 64
    x = jax.random.normal(k1, (B, C, H, W), dtype=jnp.float32)
    W_qkv = jax.random.normal(k2, (3 * C, C), dtype=jnp.float32) * (1.0 / np.sqrt(C))
    b_qkv = jax.random.normal(k3, (3 * C,), dtype=jnp.float32) * 0.01
    pos_enc = jax.random.normal(k4, (1, C, 1, 1), dtype=jnp.float32)
    return {"x": x, "W_qkv": W_qkv, "b_qkv": b_qkv, "pos_enc": pos_enc}


def reference(x, W_qkv, b_qkv, pos_enc):
    B, C, H, W = x.shape
    k_nb = 8
    N = H * W
    # coordinate grid (identical across batch in the torch module)
    h_grid = jnp.linspace(-1.0, 1.0, H)
    w_grid = jnp.linspace(-1.0, 1.0, W)
    hh = jnp.broadcast_to(h_grid[:, None], (H, W))
    ww = jnp.broadcast_to(w_grid[None, :], (H, W))
    coords = jnp.stack([hh.reshape(-1), ww.reshape(-1)], axis=1)  # [N, 2]
    # pairwise euclidean distance (cdist)
    sq = jnp.sum(coords * coords, axis=1)
    d2 = sq[:, None] + sq[None, :] - 2.0 * (coords @ coords.T)
    dist = jnp.sqrt(jnp.maximum(d2, 0.0))  # [N, N]
    # k smallest distances -> neighbor indices
    _, topk_idx = jax.lax.top_k(-dist, k_nb)  # [N, k]
    # 1x1 conv to qkv
    xf = x.reshape(B, C, N)
    qkv = jnp.einsum('oc,bcn->bon', W_qkv, xf) + b_qkv[None, :, None]  # [B, 3C, N]
    qkv = qkv.reshape(B, 3, C, N).transpose(1, 0, 3, 2)  # [3, B, N, C]
    q, k, v = qkv[0], qkv[1], qkv[2]  # each [B, N, C]
    # gather neighbor keys/values
    k_sel = k[:, topk_idx, :]  # [B, N, k, C]
    v_sel = v[:, topk_idx, :]  # [B, N, k, C]
    attn = jnp.einsum('bnc,bnkc->bnk', q, k_sel) / (float(C) ** 0.5)
    attn = jax.nn.softmax(attn, axis=-1)
    output = jnp.einsum('bnk,bnkc->bnc', attn, v_sel)  # [B, N, C]
    # faithful to torch: raw view of [B, N, C] into [B, C, H, W]
    return output.reshape(B, C, H, W) + pos_enc

if __name__ == "__main__":
    import jax
    _d = setup_inputs()
    print(jax.jit(kernel)(*tuple(_d.values())))

</pallas_src>

<mosaic_0001>
#map = affine_map<(d0, d1) -> (0, 0)>
#map1 = affine_map<(d0, d1) -> (0)>
module attributes {stable_mosaic.version = 14 : i64} {
  func.func @body(%arg0: i32, %arg1: i32, %arg2: memref<8192x128xf32, #tpu.memory_space<hbm>>, %arg3: memref<8192x128xi32, #tpu.memory_space<hbm>>, %arg4: memref<65536xi32, #tpu.memory_space<hbm>>, %arg5: memref<4096x128xf32, #tpu.memory_space<hbm>>, %arg6: memref<8192x128xf32, #tpu.memory_space<hbm>>, %arg7: memref<256xi32, #tpu.memory_space<vmem>>, %arg8: memref<32x128xf32, #tpu.memory_space<vmem>>, %arg9: memref<256x128xi32, #tpu.memory_space<vmem>>, %arg10: memref<32x128xf32, #tpu.memory_space<vmem>>, %arg11: memref<32x128xf32, #tpu.memory_space<vmem>>, %arg12: memref<256xi32, #tpu.memory_space<vmem>>, %arg13: memref<32x128xf32, #tpu.memory_space<vmem>>, %arg14: memref<256x128xi32, #tpu.memory_space<vmem>>, %arg15: memref<32x128xf32, #tpu.memory_space<vmem>>, %arg16: memref<32x128xf32, #tpu.memory_space<vmem>>, %arg17: memref<!tpu.dma_semaphore, #tpu.memory_space<semaphore_mem>>, %arg18: memref<!tpu.dma_semaphore, #tpu.memory_space<semaphore_mem>>, %arg19: memref<!tpu.dma_semaphore, #tpu.memory_space<semaphore_mem>>, %arg20: memref<!tpu.dma_semaphore, #tpu.memory_space<semaphore_mem>>, %arg21: memref<!tpu.dma_semaphore, #tpu.memory_space<semaphore_mem>>, %arg22: memref<!tpu.dma_semaphore, #tpu.memory_space<semaphore_mem>>, %arg23: memref<!tpu.dma_semaphore, #tpu.memory_space<semaphore_mem>>, %arg24: memref<!tpu.dma_semaphore, #tpu.memory_space<semaphore_mem>>) attributes {dimension_semantics = [#tpu.dimension_semantics<core_parallel>, #tpu.dimension_semantics<subcore_parallel>], iteration_bounds = array<i64: 2, 16>, scalar_prefetch = 0 : i64, scratch_operands = 18 : i64, tpu.core_type = #tpu.core_type<sc_vector_subcore>, window_params = [{transform_indices = #map}, {transform_indices = #map}, {transform_indices = #map1}, {transform_indices = #map}, {transform_indices = #map}]} {
    %mul3A = arith.constant 2 : i32
    %mul3A_0 = arith.muli %arg1, %mul3A : i32
    %add3A = arith.addi %mul3A_0, %arg0 : i32
    %mul3A_1 = arith.constant 256 : i32
    %mul3A_2 = arith.muli %add3A, %mul3A_1 : i32
    %iota3A = tpu.iota {dimensions = array<i32: 0>} : vector<16xi32>
    %broadcast_in_dim3A = arith.constant -65536 : i32
    %broadcast_in_dim3A_3 = vector.broadcast %broadcast_in_dim3A : i32 to vector<16xi32>
    %add3A_4 = arith.constant 0 : i32
    %add3A_5 = arith.addi %mul3A_2, %add3A_4 : i32
    %mul3A_6 = arith.constant 8 : i32
    %mul3A_7 = arith.muli %add3A_5, %mul3A_6 : i32
    "tpu.region"() ({
      %run_scoped3A = tpu.sem_alloc : memref<!tpu.dma_semaphore, #tpu.memory_space<semaphore_mem>>
      %dma_start3A_56 = tpu.memref_slice %arg4[%mul3A_7] : memref<65536xi32, #tpu.memory_space<hbm>> -> memref<256xi32, #tpu.memory_space<hbm>>
      %dma_start3A_57 = tpu.memref_slice %arg4[%mul3A_7] : memref<65536xi32, #tpu.memory_space<hbm>> -> memref<256xi32, #tpu.memory_space<hbm>>
      tpu.enqueue_dma source(%dma_start3A_57 : memref<256xi32, #tpu.memory_space<hbm>>) target(%arg7 : memref<256xi32, #tpu.memory_space<vmem>>) target_semaphore(%run_scoped3A : memref<!tpu.dma_semaphore, #tpu.memory_space<semaphore_mem>>)
      %dma_wait3A_58 = tpu.memref_slice %arg4[%mul3A_7] : memref<65536xi32, #tpu.memory_space<hbm>> -> memref<256xi32, #tpu.memory_space<hbm>>
      %dma_wait3A_59 = tpu.memref_slice %arg4[%mul3A_7] : memref<65536xi32, #tpu.memory_space<hbm>> -> memref<256xi32, #tpu.memory_space<hbm>>
      tpu.wait_dma2 semaphore(%run_scoped3A : memref<!tpu.dma_semaphore, #tpu.memory_space<semaphore_mem>>) src(%dma_wait3A_59 : memref<256xi32, #tpu.memory_space<hbm>>) dst(%arg7 : memref<256xi32, #tpu.memory_space<vmem>>)
      tpu.yield
    }) : () -> ()
    %dma_start3A = arith.constant 0 : i32
    %dma_start3A_8 = arith.constant 0 : i32
    %dma_start3A_9 = tpu.memref_slice %arg9[%dma_start3A, %dma_start3A_8] : memref<256x128xi32, #tpu.memory_space<vmem>> -> memref<128x128xi32, #tpu.memory_space<vmem>>
    %dma_start3A_10 = arith.constant 0 : i32
    %dma_start3A_11 = tpu.memref_slice %arg7[%dma_start3A_10] : memref<256xi32, #tpu.memory_space<vmem>> -> memref<128xi32, #tpu.memory_space<vmem>>
    %dma_start3A_12 = arith.constant 0 : i32
    %dma_start3A_13 = arith.constant 0 : i32
    %dma_start3A_14 = tpu.memref_slice %arg3[%dma_start3A_12, %dma_start3A_13] : memref<8192x128xi32, #tpu.memory_space<hbm>> -> memref<8192x128xi32, #tpu.memory_space<hbm>>
    tpu.enqueue_indirect_dma source(%dma_start3A_14 : memref<8192x128xi32, #tpu.memory_space<hbm>>) target(%dma_start3A_9 : memref<128x128xi32, #tpu.memory_space<vmem>>) offsets(%dma_start3A_11 : memref<128xi32, #tpu.memory_space<vmem>>) semaphore(%arg17 : memref<!tpu.dma_semaphore, #tpu.memory_space<semaphore_mem>>)
    %dma_start3A_15 = arith.constant 128 : i32
    %dma_start3A_16 = arith.constant 0 : i32
    %dma_start3A_17 = tpu.memref_slice %arg9[%dma_start3A_15, %dma_start3A_16] : memref<256x128xi32, #tpu.memory_space<vmem>> -> memref<128x128xi32, #tpu.memory_space<vmem>>
    %dma_start3A_18 = arith.constant 128 : i32
    %dma_start3A_19 = tpu.memref_slice %arg7[%dma_start3A_18] : memref<256xi32, #tpu.memory_space<vmem>> -> memref<128xi32, #tpu.memory_space<vmem>>
    %dma_start3A_20 = arith.constant 0 : i32
    %dma_start3A_21 = arith.constant 0 : i32
    %dma_start3A_22 = tpu.memref_slice %arg3[%dma_start3A_20, %dma_start3A_21] : memref<8192x128xi32, #tpu.memory_space<hbm>> -> memref<8192x128xi32, #tpu.memory_space<hbm>>
    tpu.enqueue_indirect_dma source(%dma_start3A_22 : memref<8192x128xi32, #tpu.memory_space<hbm>>) target(%dma_start3A_17 : memref<128x128xi32, #tpu.memory_space<vmem>>) offsets(%dma_start3A_19 : memref<128xi32, #tpu.memory_space<vmem>>) semaphore(%arg17 : memref<!tpu.dma_semaphore, #tpu.memory_space<semaphore_mem>>)
    %dma_start3A_23 = arith.constant 0 : i32
    %dma_start3A_24 = tpu.memref_slice %arg2[%add3A_5, %dma_start3A_23] : memref<8192x128xf32, #tpu.memory_space<hbm>> -> memref<32x128xf32, #tpu.memory_space<hbm>>
    %dma_start3A_25 = arith.constant 0 : i32
    %dma_start3A_26 = tpu.memref_slice %arg2[%add3A_5, %dma_start3A_25] : memref<8192x128xf32, #tpu.memory_space<hbm>> -> memref<32x128xf32, #tpu.memory_space<hbm>>
    tpu.enqueue_dma source(%dma_start3A_26 : memref<32x128xf32, #tpu.memory_space<hbm>>) target(%arg8 : memref<32x128xf32, #tpu.memory_space<vmem>>) target_semaphore(%arg18 : memref<!tpu.dma_semaphore, #tpu.memory_space<semaphore_mem>>)
    %jit3A = arith.constant 4096 : i32
    %eq3A = arith.constant 0 : i32
    %eq3A_27 = arith.cmpi eq, %jit3A, %eq3A : i32
    %jit3A_28 = arith.constant 1 : i32
    %select_n3A = arith.select %eq3A_27, %jit3A_28, %jit3A : i32
    %rem3A = arith.remsi %add3A_5, %select_n3A : i32
    %ne3A = arith.constant 0 : i32
    %ne3A_29 = arith.cmpi ne, %rem3A, %ne3A : i32
    %lt3A = arith.constant 0 : i32
    %lt3A_30 = arith.cmpi slt, %rem3A, %lt3A : i32
    %lt3A_31 = arith.constant 0 : i32
    %lt3A_32 = arith.cmpi slt, %select_n3A, %lt3A_31 : i32
    %ne3A_33 = arith.xori %lt3A_30, %lt3A_32 : i1
    %and3A = arith.andi %ne3A_33, %ne3A_29 : i1
    %add3A_34 = arith.addi %rem3A, %select_n3A : i32
    %select_n3A_35 = arith.select %and3A, %add3A_34, %rem3A : i32
    %dma_start3A_36 = arith.constant 0 : i32
    %dma_start3A_37 = tpu.memref_slice %arg5[%select_n3A_35, %dma_start3A_36] : memref<4096x128xf32, #tpu.memory_space<hbm>> -> memref<32x128xf32, #tpu.memory_space<hbm>>
    %dma_start3A_38 = arith.constant 0 : i32
    %dma_start3A_39 = tpu.memref_slice %arg5[%select_n3A_35, %dma_start3A_38] : memref<4096x128xf32, #tpu.memory_space<hbm>> -> memref<32x128xf32, #tpu.memory_space<hbm>>
    tpu.enqueue_dma source(%dma_start3A_39 : memref<32x128xf32, #tpu.memory_space<hbm>>) target(%arg10 : memref<32x128xf32, #tpu.memory_space<vmem>>) target_semaphore(%arg19 : memref<!tpu.dma_semaphore, #tpu.memory_space<semaphore_mem>>)
    %scan3A = arith.constant 0 : i32
    %scan3A_40 = arith.constant 0 : i32
    %scan3A_41 = arith.constant 4 : i32
    %scan3A_42 = arith.addi %scan3A_40, %scan3A_41 : i32
    %scan3A_43 = arith.constant 1 : i32
    scf.for %scan3A_56 = %scan3A_40 to %scan3A_42 step %scan3A_43  : i32 {
      %mul3A_57 = arith.constant 2 : i32
      %mul3A_58 = arith.muli %scan3A_56, %mul3A_57 : i32
      %add3A_59 = arith.constant 1 : i32
      %add3A_60 = arith.addi %mul3A_58, %add3A_59 : i32
      %mul3A_61 = arith.constant 32 : i32
      %mul3A_62 = arith.muli %add3A_60, %mul3A_61 : i32
      %add3A_63 = arith.addi %mul3A_2, %mul3A_62 : i32
      %mul3A_64 = arith.constant 8 : i32
      %mul3A_65 = arith.muli %add3A_63, %mul3A_64 : i32
      "tpu.region"() ({
        %run_scoped3A = tpu.sem_alloc : memref<!tpu.dma_semaphore, #tpu.memory_space<semaphore_mem>>
        %dma_start3A_234 = tpu.memref_slice %arg4[%mul3A_65] : memref<65536xi32, #tpu.memory_space<hbm>> -> memref<256xi32, #tpu.memory_space<hbm>>
        %dma_start3A_235 = tpu.memref_slice %arg4[%mul3A_65] : memref<65536xi32, #tpu.memory_space<hbm>> -> memref<256xi32, #tpu.memory_space<hbm>>
        tpu.enqueue_dma source(%dma_start3A_235 : memref<256xi32, #tpu.memory_space<hbm>>) target(%arg12 : memref<256xi32, #tpu.memory_space<vmem>>) target_semaphore(%run_scoped3A : memref<!tpu.dma_semaphore, #tpu.memory_space<semaphore_mem>>)
        %dma_wait3A_236 = tpu.memref_slice %arg4[%mul3A_65] : memref<65536xi32, #tpu.memory_space<hbm>> -> memref<256xi32, #tpu.memory_space<hbm>>
        %dma_wait3A_237 = tpu.memref_slice %arg4[%mul3A_65] : memref<65536xi32, #tpu.memory_space<hbm>> -> memref<256xi32, #tpu.memory_space<hbm>>
        tpu.wait_dma2 semaphore(%run_scoped3A : memref<!tpu.dma_semaphore, #tpu.memory_space<semaphore_mem>>) src(%dma_wait3A_237 : memref<256xi32, #tpu.memory_space<hbm>>) dst(%arg12 : memref<256xi32, #tpu.memory_space<vmem>>)
        tpu.yield
      }) : () -> ()
      %dma_start3A_66 = arith.constant 0 : i32
      %dma_start3A_67 = arith.constant 0 : i32
      %dma_start3A_68 = tpu.memref_slice %arg14[%dma_start3A_66, %dma_start3A_67] : memref<256x128xi32, #tpu.memory_space<vmem>> -> memref<128x128xi32, #tpu.memory_space<vmem>>
      %dma_start3A_69 = arith.constant 0 : i32
      %dma_start3A_70 = tpu.memref_slice %arg12[%dma_start3A_69] : memref<256xi32, #tpu.memory_space<vmem>> -> memref<128xi32, #tpu.memory_space<vmem>>
      %dma_start3A_71 = arith.constant 0 : i32
      %dma_start3A_72 = arith.constant 0 : i32
      %dma_start3A_73 = tpu.memref_slice %arg3[%dma_start3A_71, %dma_start3A_72] : memref<8192x128xi32, #tpu.memory_space<hbm>> -> memref<8192x128xi32, #tpu.memory_space<hbm>>
      tpu.enqueue_indirect_dma source(%dma_start3A_73 : memref<8192x128xi32, #tpu.memory_space<hbm>>) target(%dma_start3A_68 : memref<128x128xi32, #tpu.memory_space<vmem>>) offsets(%dma_start3A_70 : memref<128xi32, #tpu.memory_space<vmem>>) semaphore(%arg21 : memref<!tpu.dma_semaphore, #tpu.memory_space<semaphore_mem>>)
      %dma_start3A_74 = arith.constant 128 : i32
      %dma_start3A_75 = arith.constant 0 : i32
      %dma_start3A_76 = tpu.memref_slice %arg14[%dma_start3A_74, %dma_start3A_75] : memref<256x128xi32, #tpu.memory_space<vmem>> -> memref<128x128xi32, #tpu.memory_space<vmem>>
      %dma_start3A_77 = arith.constant 128 : i32
      %dma_start3A_78 = tpu.memref_slice %arg12[%dma_start3A_77] : memref<256xi32, #tpu.memory_space<vmem>> -> memref<128xi32, #tpu.memory_space<vmem>>
      %dma_start3A_79 = arith.constant 0 : i32
      %dma_start3A_80 = arith.constant 0 : i32
      %dma_start3A_81 = tpu.memref_slice %arg3[%dma_start3A_79, %dma_start3A_80] : memref<8192x128xi32, #tpu.memory_space<hbm>> -> memref<8192x128xi32, #tpu.memory_space<hbm>>
      tpu.enqueue_indirect_dma source(%dma_start3A_81 : memref<8192x128xi32, #tpu.memory_space<hbm>>) target(%dma_start3A_76 : memref<128x128xi32, #tpu.memory_space<vmem>>) offsets(%dma_start3A_78 : memref<128xi32, #tpu.memory_space<vmem>>) semaphore(%arg21 : memref<!tpu.dma_semaphore, #tpu.memory_space<semaphore_mem>>)
      %dma_start3A_82 = arith.constant 0 : i32
      %dma_start3A_83 = tpu.memref_slice %arg2[%add3A_63, %dma_start3A_82] : memref<8192x128xf32, #tpu.memory_space<hbm>> -> memref<32x128xf32, #tpu.memory_space<hbm>>
      %dma_start3A_84 = arith.constant 0 : i32
      %dma_start3A_85 = tpu.memref_slice %arg2[%add3A_63, %dma_start3A_84] : memref<8192x128xf32, #tpu.memory_space<hbm>> -> memref<32x128xf32, #tpu.memory_space<hbm>>
      tpu.enqueue_dma source(%dma_start3A_85 : memref<32x128xf32, #tpu.memory_space<hbm>>) target(%arg13 : memref<32x128xf32, #tpu.memory_space<vmem>>) target_semaphore(%arg22 : memref<!tpu.dma_semaphore, #tpu.memory_space<semaphore_mem>>)
      %jit3A_86 = arith.constant 4096 : i32
      %eq3A_87 = arith.constant 0 : i32
      %eq3A_88 = arith.cmpi eq, %jit3A_86, %eq3A_87 : i32
      %jit3A_89 = arith.constant 1 : i32
      %select_n3A_90 = arith.select %eq3A_88, %jit3A_89, %jit3A_86 : i32
      %rem3A_91 = arith.remsi %add3A_63, %select_n3A_90 : i32
      %ne3A_92 = arith.constant 0 : i32
      %ne3A_93 = arith.cmpi ne, %rem3A_91, %ne3A_92 : i32
      %lt3A_94 = arith.constant 0 : i32
      %lt3A_95 = arith.cmpi slt, %rem3A_91, %lt3A_94 : i32
      %lt3A_96 = arith.constant 0 : i32
      %lt3A_97 = arith.cmpi slt, %select_n3A_90, %lt3A_96 : i32
      %ne3A_98 = arith.xori %lt3A_95, %lt3A_97 : i1
      %and3A_99 = arith.andi %ne3A_98, %ne3A_93 : i1
      %add3A_100 = arith.addi %rem3A_91, %select_n3A_90 : i32
      %select_n3A_101 = arith.select %and3A_99, %add3A_100, %rem3A_91 : i32
      %dma_start3A_102 = arith.constant 0 : i32
      %dma_start3A_103 = tpu.memref_slice %arg5[%select_n3A_101, %dma_start3A_102] : memref<4096x128xf32, #tpu.memory_space<hbm>> -> memref<32x128xf32, #tpu.memory_space<hbm>>
      %dma_start3A_104 = arith.constant 0 : i32
      %dma_start3A_105 = tpu.memref_slice %arg5[%select_n3A_101, %dma_start3A_104] : memref<4096x128xf32, #tpu.memory_space<hbm>> -> memref<32x128xf32, #tpu.memory_space<hbm>>
      tpu.enqueue_dma source(%dma_start3A_105 : memref<32x128xf32, #tpu.memory_space<hbm>>) target(%arg15 : memref<32x128xf32, #tpu.memory_space<vmem>>) target_semaphore(%arg23 : memref<!tpu.dma_semaphore, #tpu.memory_space<semaphore_mem>>)
      %mul3A_106 = arith.constant 32 : i32
      %mul3A_107 = arith.muli %mul3A_58, %mul3A_106 : i32
      %add3A_108 = arith.addi %mul3A_2, %mul3A_107 : i32
      %dma_wait3A_109 = arith.constant 0 : i32
      %dma_wait3A_110 = arith.constant 0 : i32
      %dma_wait3A_111 = tpu.memref_slice %arg9[%dma_wait3A_109, %dma_wait3A_110] : memref<256x128xi32, #tpu.memory_space<vmem>> -> memref<128x128xi32, #tpu.memory_space<vmem>>
      %dma_wait3A_112 = arith.constant 0 : i32
      %dma_wait3A_113 = tpu.memref_slice %arg7[%dma_wait3A_112] : memref<256xi32, #tpu.memory_space<vmem>> -> memref<128xi32, #tpu.memory_space<vmem>>
      %dma_wait3A_114 = arith.constant 0 : i32
      %dma_wait3A_115 = arith.constant 0 : i32
      %dma_wait3A_116 = tpu.memref_slice %arg3[%dma_wait3A_114, %dma_wait3A_115] : memref<8192x128xi32, #tpu.memory_space<hbm>> -> memref<8192x128xi32, #tpu.memory_space<hbm>>
      tpu.wait_indirect_dma semaphore(%arg17 : memref<!tpu.dma_semaphore, #tpu.memory_space<semaphore_mem>>) src(%dma_wait3A_116 : memref<8192x128xi32, #tpu.memory_space<hbm>>) dst(%dma_wait3A_111 : memref<128x128xi32, #tpu.memory_space<vmem>>)
      %dma_wait3A_117 = arith.constant 128 : i32
      %dma_wait3A_118 = arith.constant 0 : i32
      %dma_wait3A_119 = tpu.memref_slice %arg9[%dma_wait3A_117, %dma_wait3A_118] : memref<256x128xi32, #tpu.memory_space<vmem>> -> memref<128x128xi32, #tpu.memory_space<vmem>>
      %dma_wait3A_120 = arith.constant 128 : i32
      %dma_wait3A_121 = tpu.memref_slice %arg7[%dma_wait3A_120] : memref<256xi32, #tpu.memory_space<vmem>> -> memref<128xi32, #tpu.memory_space<vmem>>
      %dma_wait3A_122 = arith.constant 0 : i32
      %dma_wait3A_123 = arith.constant 0 : i32
      %dma_wait3A_124 = tpu.memref_slice %arg3[%dma_wait3A_122, %dma_wait3A_123] : memref<8192x128xi32, #tpu.memory_space<hbm>> -> memref<8192x128xi32, #tpu.memory_space<hbm>>
      tpu.wait_indirect_dma semaphore(%arg17 : memref<!tpu.dma_semaphore, #tpu.memory_space<semaphore_mem>>) src(%dma_wait3A_124 : memref<8192x128xi32, #tpu.memory_space<hbm>>) dst(%dma_wait3A_119 : memref<128x128xi32, #tpu.memory_space<vmem>>)
      %dma_wait3A_125 = arith.constant 0 : i32
      %dma_wait3A_126 = tpu.memref_slice %arg2[%add3A_108, %dma_wait3A_125] : memref<8192x128xf32, #tpu.memory_space<hbm>> -> memref<32x128xf32, #tpu.memory_space<hbm>>
      %dma_wait3A_127 = arith.constant 0 : i32
      %dma_wait3A_128 = tpu.memref_slice %arg2[%add3A_108, %dma_wait3A_127] : memref<8192x128xf32, #tpu.memory_space<hbm>> -> memref<32x128xf32, #tpu.memory_space<hbm>>
      tpu.wait_dma2 semaphore(%arg18 : memref<!tpu.dma_semaphore, #tpu.memory_space<semaphore_mem>>) src(%dma_wait3A_128 : memref<32x128xf32, #tpu.memory_space<hbm>>) dst(%arg8 : memref<32x128xf32, #tpu.memory_space<vmem>>)
      %jit3A_129 = arith.constant 4096 : i32
      %eq3A_130 = arith.constant 0 : i32
      %eq3A_131 = arith.cmpi eq, %jit3A_129, %eq3A_130 : i32
      %jit3A_132 = arith.constant 1 : i32
      %select_n3A_133 = arith.select %eq3A_131, %jit3A_132, %jit3A_129 : i32
      %rem3A_134 = arith.remsi %add3A_108, %select_n3A_133 : i32
      %ne3A_135 = arith.constant 0 : i32
      %ne3A_136 = arith.cmpi ne, %rem3A_134, %ne3A_135 : i32
      %lt3A_137 = arith.constant 0 : i32
      %lt3A_138 = arith.cmpi slt, %rem3A_134, %lt3A_137 : i32
      %lt3A_139 = arith.constant 0 : i32
      %lt3A_140 = arith.cmpi slt, %select_n3A_133, %lt3A_139 : i32
      %ne3A_141 = arith.xori %lt3A_138, %lt3A_140 : i1
      %and3A_142 = arith.andi %ne3A_141, %ne3A_136 : i1
      %add3A_143 = arith.addi %rem3A_134, %select_n3A_133 : i32
      %select_n3A_144 = arith.select %and3A_142, %add3A_143, %rem3A_134 : i32
      %dma_wait3A_145 = arith.constant 0 : i32
      %dma_wait3A_146 = tpu.memref_slice %arg5[%select_n3A_144, %dma_wait3A_145] : memref<4096x128xf32, #tpu.memory_space<hbm>> -> memref<32x128xf32, #tpu.memory_space<hbm>>
      %dma_wait3A_147 = arith.constant 0 : i32
      %dma_wait3A_148 = tpu.memref_slice %arg5[%select_n3A_144, %dma_wait3A_147] : memref<4096x128xf32, #tpu.memory_space<hbm>> -> memref<32x128xf32, #tpu.memory_space<hbm>>
      tpu.wait_dma2 semaphore(%arg19 : memref<!tpu.dma_semaphore, #tpu.memory_space<semaphore_mem>>) src(%dma_wait3A_148 : memref<32x128xf32, #tpu.memory_space<hbm>>) dst(%arg10 : memref<32x128xf32, #tpu.memory_space<vmem>>)
      %mul3A_149 = arith.constant 32 : i32
      %mul3A_150 = arith.muli %mul3A_58, %mul3A_149 : i32
      %add3A_151 = arith.addi %mul3A_2, %mul3A_150 : i32
      %ge3A = arith.constant 2 : i32
      %ge3A_152 = arith.cmpi sge, %mul3A_58, %ge3A : i32
      %convert_element_type3A = arith.extui %ge3A_152 : i1 to i32
      %cond3A = arith.constant 0 : i32
      %cond3A_153 = arith.cmpi ne, %convert_element_type3A, %cond3A : i32
      scf.if %cond3A_153 {
        %sub3A = arith.constant 2 : i32
        %sub3A_234 = arith.subi %mul3A_58, %sub3A : i32
        %mul3A_235 = arith.constant 32 : i32
        %mul3A_236 = arith.muli %sub3A_234, %mul3A_235 : i32
        %add3A_237 = arith.addi %mul3A_2, %mul3A_236 : i32
        %dma_wait3A_238 = arith.constant 0 : i32
        %dma_wait3A_239 = tpu.memref_slice %arg6[%add3A_237, %dma_wait3A_238] : memref<8192x128xf32, #tpu.memory_space<hbm>> -> memref<32x128xf32, #tpu.memory_space<hbm>>
        %dma_wait3A_240 = arith.constant 0 : i32
        %dma_wait3A_241 = tpu.memref_slice %arg6[%add3A_237, %dma_wait3A_240] : memref<8192x128xf32, #tpu.memory_space<hbm>> -> memref<32x128xf32, #tpu.memory_space<hbm>>
        tpu.wait_dma2 semaphore(%arg20 : memref<!tpu.dma_semaphore, #tpu.memory_space<semaphore_mem>>) src(%arg11 : memref<32x128xf32, #tpu.memory_space<vmem>>) dst(%dma_wait3A_241 : memref<32x128xf32, #tpu.memory_space<hbm>>)
      } else {
      }
      %scan3A_154 = arith.constant 0 : i32
      %scan3A_155 = arith.constant 0 : i32
      %scan3A_156 = arith.constant 32 : i32
      %scan3A_157 = arith.addi %scan3A_155, %scan3A_156 : i32
      %scan3A_158 = arith.constant 1 : i32
      scf.for %scan3A_234 = %scan3A_155 to %scan3A_157 step %scan3A_158  : i32 {
        %mul3A_235 = arith.constant 8 : i32
        %mul3A_236 = arith.muli %scan3A_234, %mul3A_235 : i32
        %get3A = arith.index_cast %scan3A_234 : i32 to index
        %get3A_237 = arith.constant 0 : index
        %get3A_238 = tpu.vector_load %arg8[%get3A, %get3A_237] {strides = array<i32>} : memref<32x128xf32, #tpu.memory_space<vmem>>, vector<16xf32>,
        %mul3A_239 = arith.constant 0.102062076 : f32
        %mul3A_240 = vector.broadcast %mul3A_239 : f32 to vector<16xf32>
        %mul3A_241 = arith.mulf %get3A_238, %mul3A_240 : vector<16xf32>
        %get3A_242 = arith.index_cast %scan3A_234 : i32 to index
        %get3A_243 = arith.constant 16 : index
        %get3A_244 = tpu.vector_load %arg8[%get3A_242, %get3A_243] {strides = array<i32>} : memref<32x128xf32, #tpu.memory_space<vmem>>, vector<16xf32>,
        %mul3A_245 = arith.constant 0.102062076 : f32
        %mul3A_246 = vector.broadcast %mul3A_245 : f32 to vector<16xf32>
        %mul3A_247 = arith.mulf %get3A_244, %mul3A_246 : vector<16xf32>
        %get3A_248 = arith.index_cast %scan3A_234 : i32 to index
        %get3A_249 = arith.constant 32 : index
        %get3A_250 = tpu.vector_load %arg8[%get3A_248, %get3A_249] {strides = array<i32>} : memref<32x128xf32, #tpu.memory_space<vmem>>, vector<16xf32>,
        %mul3A_251 = arith.constant 0.102062076 : f32
        %mul3A_252 = vector.broadcast %mul3A_251 : f32 to vector<16xf32>
        %mul3A_253 = arith.mulf %get3A_250, %mul3A_252 : vector<16xf32>
        %get3A_254 = arith.index_cast %scan3A_234 : i32 to index
        %get3A_255 = arith.constant 48 : index
        %get3A_256 = tpu.vector_load %arg8[%get3A_254, %get3A_255] {strides = array<i32>} : memref<32x128xf32, #tpu.memory_space<vmem>>, vector<16xf32>,
        %mul3A_257 = arith.constant 0.102062076 : f32
        %mul3A_258 = vector.broadcast %mul3A_257 : f32 to vector<16xf32>
        %mul3A_259 = arith.mulf %get3A_256, %mul3A_258 : vector<16xf32>
        %get3A_260 = arith.index_cast %scan3A_234 : i32 to index
        %get3A_261 = arith.constant 64 : index
        %get3A_262 = tpu.vector_load %arg8[%get3A_260, %get3A_261] {strides = array<i32>} : memref<32x128xf32, #tpu.memory_space<vmem>>, vector<16xf32>,
        %mul3A_263 = arith.constant 0.102062076 : f32
        %mul3A_264 = vector.broadcast %mul3A_263 : f32 to vector<16xf32>
        %mul3A_265 = arith.mulf %get3A_262, %mul3A_264 : vector<16xf32>
        %get3A_266 = arith.index_cast %scan3A_234 : i32 to index
        %get3A_267 = arith.constant 80 : index
        %get3A_268 = tpu.vector_load %arg8[%get3A_266, %get3A_267] {strides = array<i32>} : memref<32x128xf32, #tpu.memory_space<vmem>>, vector<16xf32>,
        %mul3A_269 = arith.constant 0.102062076 : f32
        %mul3A_270 = vector.broadcast %mul3A_269 : f32 to vector<16xf32>
        %mul3A_271 = arith.mulf %get3A_268, %mul3A_270 : vector<16xf32>
        %broadcast_in_dim3A_272 = arith.constant 0.000000e+00 : f32
        %broadcast_in_dim3A_273 = vector.broadcast %broadcast_in_dim3A_272 : f32 to vector<16xf32>
        %broadcast_in_dim3A_274 = arith.constant 0.000000e+00 : f32
        %broadcast_in_dim3A_275 = vector.broadcast %broadcast_in_dim3A_274 : f32 to vector<16xf32>
        %broadcast_in_dim3A_276 = arith.constant 0.000000e+00 : f32
        %broadcast_in_dim3A_277 = vector.broadcast %broadcast_in_dim3A_276 : f32 to vector<16xf32>
        %broadcast_in_dim3A_278 = arith.constant 0.000000e+00 : f32
        %broadcast_in_dim3A_279 = vector.broadcast %broadcast_in_dim3A_278 : f32 to vector<16xf32>
        %broadcast_in_dim3A_280 = arith.constant 0.000000e+00 : f32
        %broadcast_in_dim3A_281 = vector.broadcast %broadcast_in_dim3A_280 : f32 to vector<16xf32>
        %broadcast_in_dim3A_282 = arith.constant 0.000000e+00 : f32
        %broadcast_in_dim3A_283 = vector.broadcast %broadcast_in_dim3A_282 : f32 to vector<16xf32>
        %broadcast_in_dim3A_284 = arith.constant 0.000000e+00 : f32
        %broadcast_in_dim3A_285 = vector.broadcast %broadcast_in_dim3A_284 : f32 to vector<16xf32>
        %add3A_286 = arith.constant 0 : i32
        %add3A_287 = arith.addi %mul3A_236, %add3A_286 : i32
        %get3A_288 = arith.index_cast %add3A_287 : i32 to index
        %get3A_289 = arith.constant 0 : index
        %get3A_290 = tpu.vector_load %arg9[%get3A_288, %get3A_289] {strides = array<i32>} : memref<256x128xi32, #tpu.memory_space<vmem>>, vector<16xi32>,
        %add3A_291 = arith.constant 0 : i32
        %add3A_292 = arith.addi %mul3A_236, %add3A_291 : i32
        %get3A_293 = arith.index_cast %add3A_292 : i32 to index
        %get3A_294 = arith.constant 16 : index
        %get3A_295 = tpu.vector_load %arg9[%get3A_293, %get3A_294] {strides = array<i32>} : memref<256x128xi32, #tpu.memory_space<vmem>>, vector<16xi32>,
        %add3A_296 = arith.constant 0 : i32
        %add3A_297 = arith.addi %mul3A_236, %add3A_296 : i32
        %get3A_298 = arith.index_cast %add3A_297 : i32 to index
        %get3A_299 = arith.constant 32 : index
        %get3A_300 = tpu.vector_load %arg9[%get3A_298, %get3A_299] {strides = array<i32>} : memref<256x128xi32, #tpu.memory_space<vmem>>, vector<16xi32>,
        %add3A_301 = arith.constant 0 : i32
        %add3A_302 = arith.addi %mul3A_236, %add3A_301 : i32
        %get3A_303 = arith.index_cast %add3A_302 : i32 to index
        %get3A_304 = arith.constant 48 : index
        %get3A_305 = tpu.vector_load %arg9[%get3A_303, %get3A_304] {strides = array<i32>} : memref<256x128xi32, #tpu.memory_space<vmem>>, vector<16xi32>,
        %add3A_306 = arith.constant 0 : i32
        %add3A_307 = arith.addi %mul3A_236, %add3A_306 : i32
        %get3A_308 = arith.index_cast %add3A_307 : i32 to index
        %get3A_309 = arith.constant 64 : index
        %get3A_310 = tpu.vector_load %arg9[%get3A_308, %get3A_309] {strides = array<i32>} : memref<256x128xi32, #tpu.memory_space<vmem>>, vector<16xi32>,
        %add3A_311 = arith.constant 0 : i32
        %add3A_312 = arith.addi %mul3A_236, %add3A_311 : i32
        %get3A_313 = arith.index_cast %add3A_312 : i32 to index
        %get3A_314 = arith.constant 80 : index
        %get3A_315 = tpu.vector_load %arg9[%get3A_313, %get3A_314] {strides = array<i32>} : memref<256x128xi32, #tpu.memory_space<vmem>>, vector<16xi32>,
        %shift_left3A = arith.constant 16 : i32
        %shift_left3A_316 = vector.broadcast %shift_left3A : i32 to vector<16xi32>
        %shift_left3A_317 = arith.shli %get3A_290, %shift_left3A_316 : vector<16xi32>
        %bitcast3A = vector.bitcast %shift_left3A_317 : vector<16xi32> to vector<16xf32>
        %mul3A_318 = arith.mulf %mul3A_241, %bitcast3A : vector<16xf32>
        %shift_left3A_319 = arith.constant 16 : i32
        %shift_left3A_320 = vector.broadcast %shift_left3A_319 : i32 to vector<16xi32>
        %shift_left3A_321 = arith.shli %get3A_295, %shift_left3A_320 : vector<16xi32>
        %bitcast3A_322 = vector.bitcast %shift_left3A_321 : vector<16xi32> to vector<16xf32>
        %mul3A_323 = arith.mulf %mul3A_247, %bitcast3A_322 : vector<16xf32>
        %add3A_324 = arith.addf %mul3A_318, %mul3A_323 : vector<16xf32>
        %shift_left3A_325 = arith.constant 16 : i32
        %shift_left3A_326 = vector.broadcast %shift_left3A_325 : i32 to vector<16xi32>
        %shift_left3A_327 = arith.shli %get3A_300, %shift_left3A_326 : vector<16xi32>
        %bitcast3A_328 = vector.bitcast %shift_left3A_327 : vector<16xi32> to vector<16xf32>
        %mul3A_329 = arith.mulf %mul3A_253, %bitcast3A_328 : vector<16xf32>
        %add3A_330 = arith.addf %add3A_324, %mul3A_329 : vector<16xf32>
        %shift_left3A_331 = arith.constant 16 : i32
        %shift_left3A_332 = vector.broadcast %shift_left3A_331 : i32 to vector<16xi32>
        %shift_left3A_333 = arith.shli %get3A_305, %shift_left3A_332 : vector<16xi32>
        %bitcast3A_334 = vector.bitcast %shift_left3A_333 : vector<16xi32> to vector<16xf32>
        %mul3A_335 = arith.mulf %mul3A_259, %bitcast3A_334 : vector<16xf32>
        %add3A_336 = arith.addf %add3A_330, %mul3A_335 : vector<16xf32>
        %shift_left3A_337 = arith.constant 16 : i32
        %shift_left3A_338 = vector.broadcast %shift_left3A_337 : i32 to vector<16xi32>
        %shift_left3A_339 = arith.shli %get3A_310, %shift_left3A_338 : vector<16xi32>
        %bitcast3A_340 = vector.bitcast %shift_left3A_339 : vector<16xi32> to vector<16xf32>
        %mul3A_341 = arith.mulf %mul3A_265, %bitcast3A_340 : vector<16xf32>
        %add3A_342 = arith.addf %add3A_336, %mul3A_341 : vector<16xf32>
        %shift_left3A_343 = arith.constant 16 : i32
        %shift_left3A_344 = vector.broadcast %shift_left3A_343 : i32 to vector<16xi32>
        %shift_left3A_345 = arith.shli %get3A_315, %shift_left3A_344 : vector<16xi32>
        %bitcast3A_346 = vector.bitcast %shift_left3A_345 : vector<16xi32> to vector<16xf32>
        %mul3A_347 = arith.mulf %mul3A_271, %bitcast3A_346 : vector<16xf32>
        %add3A_348 = arith.addf %add3A_342, %mul3A_347 : vector<16xf32>
        %reduce_sum3A = arith.constant true
        %reduce_sum3A_349 = vector.broadcast %reduce_sum3A : i1 to vector<16xi1>
        %reduce_sum3A_350 = tpu.scan <sum>, %add3A_348 masked %reduce_sum3A_349 : vector<16xf32>, vector<16xi1> -> vector<16xf32>
        %reduce_sum3A_351 = vector.extract %reduce_sum3A_350[15] : f32 from vector<16xf32>
        %broadcast_in_dim3A_352 = vector.broadcast %reduce_sum3A_351 : f32 to vector<16xf32>
        %exp3A = math.exp %broadcast_in_dim3A_352 : vector<16xf32>
        %add3A_353 = arith.addf %broadcast_in_dim3A_273, %exp3A : vector<16xf32>
        %and3A_354 = arith.andi %get3A_290, %broadcast_in_dim3A_3 : vector<16xi32>
        %bitcast3A_355 = vector.bitcast %and3A_354 : vector<16xi32> to vector<16xf32>
        %mul3A_356 = arith.mulf %exp3A, %bitcast3A_355 : vector<16xf32>
        %add3A_357 = arith.addf %broadcast_in_dim3A_275, %mul3A_356 : vector<16xf32>
        %and3A_358 = arith.andi %get3A_295, %broadcast_in_dim3A_3 : vector<16xi32>
        %bitcast3A_359 = vector.bitcast %and3A_358 : vector<16xi32> to vector<16xf32>
        %mul3A_360 = arith.mulf %exp3A, %bitcast3A_359 : vector<16xf32>
        %add3A_361 = arith.addf %broadcast_in_dim3A_277, %mul3A_360 : vector<16xf32>
        %and3A_362 = arith.andi %get3A_300, %broadcast_in_dim3A_3 : vector<16xi32>
        %bitcast3A_363 = vector.bitcast %and3A_362 : vector<16xi32> to vector<16xf32>
        %mul3A_364 = arith.mulf %exp3A, %bitcast3A_363 : vector<16xf32>
        %add3A_365 = arith.addf %broadcast_in_dim3A_279, %mul3A_364 : vector<16xf32>
        %and3A_366 = arith.andi %get3A_305, %broadcast_in_dim3A_3 : vector<16xi32>
        %bitcast3A_367 = vector.bitcast %and3A_366 : vector<16xi32> to vector<16xf32>
        %mul3A_368 = arith.mulf %exp3A, %bitcast3A_367 : vector<16xf32>
        %add3A_369 = arith.addf %broadcast_in_dim3A_281, %mul3A_368 : vector<16xf32>
        %and3A_370 = arith.andi %get3A_310, %broadcast_in_dim3A_3 : vector<16xi32>
        %bitcast3A_371 = vector.bitcast %and3A_370 : vector<16xi32> to vector<16xf32>
        %mul3A_372 = arith.mulf %exp3A, %bitcast3A_371 : vector<16xf32>
        %add3A_373 = arith.addf %broadcast_in_dim3A_283, %mul3A_372 : vector<16xf32>
        %and3A_374 = arith.andi %get3A_315, %broadcast_in_dim3A_3 : vector<16xi32>
        %bitcast3A_375 = vector.bitcast %and3A_374 : vector<16xi32> to vector<16xf32>
        %mul3A_376 = arith.mulf %exp3A, %bitcast3A_375 : vector<16xf32>
        %add3A_377 = arith.addf %broadcast_in_dim3A_285, %mul3A_376 : vector<16xf32>
        %add3A_378 = arith.constant 1 : i32
        %add3A_379 = arith.addi %mul3A_236, %add3A_378 : i32
        %get3A_380 = arith.index_cast %add3A_379 : i32 to index
        %get3A_381 = arith.constant 0 : index
        %get3A_382 = tpu.vector_load %arg9[%get3A_380, %get3A_381] {strides = array<i32>} : memref<256x128xi32, #tpu.memory_space<vmem>>, vector<16xi32>,
        %add3A_383 = arith.constant 1 : i32
        %add3A_384 = arith.addi %mul3A_236, %add3A_383 : i32
        %get3A_385 = arith.index_cast %add3A_384 : i32 to index
        %get3A_386 = arith.constant 16 : index
        %get3A_387 = tpu.vector_load %arg9[%get3A_385, %get3A_386] {strides = array<i32>} : memref<256x128xi32, #tpu.memory_space<vmem>>, vector<16xi32>,
        %add3A_388 = arith.constant 1 : i32
        %add3A_389 = arith.addi %mul3A_236, %add3A_388 : i32
        %get3A_390 = arith.index_cast %add3A_389 : i32 to index
        %get3A_391 = arith.constant 32 : index
        %get3A_392 = tpu.vector_load %arg9[%get3A_390, %get3A_391] {strides = array<i32>} : memref<256x128xi32, #tpu.memory_space<vmem>>, vector<16xi32>,
        %add3A_393 = arith.constant 1 : i32
        %add3A_394 = arith.addi %mul3A_236, %add3A_393 : i32
        %get3A_395 = arith.index_cast %add3A_394 : i32 to index
        %get3A_396 = arith.constant 48 : index
        %get3A_397 = tpu.vector_load %arg9[%get3A_395, %get3A_396] {strides = array<i32>} : memref<256x128xi32, #tpu.memory_space<vmem>>, vector<16xi32>,
        %add3A_398 = arith.constant 1 : i32
        %add3A_399 = arith.addi %mul3A_236, %add3A_398 : i32
        %get3A_400 = arith.index_cast %add3A_399 : i32 to index
        %get3A_401 = arith.constant 64 : index
        %get3A_402 = tpu.vector_load %arg9[%get3A_400, %get3A_401] {strides = array<i32>} : memref<256x128xi32, #tpu.memory_space<vmem>>, vector<16xi32>,
        %add3A_403 = arith.constant 1 : i32
        %add3A_404 = arith.addi %mul3A_236, %add3A_403 : i32
        %get3A_405 = arith.index_cast %add3A_404 : i32 to index
        %get3A_406 = arith.constant 80 : index
        %get3A_407 = tpu.vector_load %arg9[%get3A_405, %get3A_406] {strides = array<i32>} : memref<256x128xi32, #tpu.memory_space<vmem>>, vector<16xi32>,
        %shift_left3A_408 = arith.constant 16 : i32
        %shift_left3A_409 = vector.broadcast %shift_left3A_408 : i32 to vector<16xi32>
        %shift_left3A_410 = arith.shli %get3A_382, %shift_left3A_409 : vector<16xi32>
        %bitcast3A_411 = vector.bitcast %shift_left3A_410 : vector<16xi32> to vector<16xf32>
        %mul3A_412 = arith.mulf %mul3A_241, %bitcast3A_411 : vector<16xf32>
        %shift_left3A_413 = arith.constant 16 : i32
        %shift_left3A_414 = vector.broadcast %shift_left3A_413 : i32 to vector<16xi32>
        %shift_left3A_415 = arith.shli %get3A_387, %shift_left3A_414 : vector<16xi32>
        %bitcast3A_416 = vector.bitcast %shift_left3A_415 : vector<16xi32> to vector<16xf32>
        %mul3A_417 = arith.mulf %mul3A_247, %bitcast3A_416 : vector<16xf32>
        %add3A_418 = arith.addf %mul3A_412, %mul3A_417 : vector<16xf32>
        %shift_left3A_419 = arith.constant 16 : i32
        %shift_left3A_420 = vector.broadcast %shift_left3A_419 : i32 to vector<16xi32>
        %shift_left3A_421 = arith.shli %get3A_392, %shift_left3A_420 : vector<16xi32>
        %bitcast3A_422 = vector.bitcast %shift_left3A_421 : vector<16xi32> to vector<16xf32>
        %mul3A_423 = arith.mulf %mul3A_253, %bitcast3A_422 : vector<16xf32>
        %add3A_424 = arith.addf %add3A_418, %mul3A_423 : vector<16xf32>
        %shift_left3A_425 = arith.constant 16 : i32
        %shift_left3A_426 = vector.broadcast %shift_left3A_425 : i32 to vector<16xi32>
        %shift_left3A_427 = arith.shli %get3A_397, %shift_left3A_426 : vector<16xi32>
        %bitcast3A_428 = vector.bitcast %shift_left3A_427 : vector<16xi32> to vector<16xf32>
        %mul3A_429 = arith.mulf %mul3A_259, %bitcast3A_428 : vector<16xf32>
        %add3A_430 = arith.addf %add3A_424, %mul3A_429 : vector<16xf32>
        %shift_left3A_431 = arith.constant 16 : i32
        %shift_left3A_432 = vector.broadcast %shift_left3A_431 : i32 to vector<16xi32>
        %shift_left3A_433 = arith.shli %get3A_402, %shift_left3A_432 : vector<16xi32>
        %bitcast3A_434 = vector.bitcast %shift_left3A_433 : vector<16xi32> to vector<16xf32>
        %mul3A_435 = arith.mulf %mul3A_265, %bitcast3A_434 : vector<16xf32>
        %add3A_436 = arith.addf %add3A_430, %mul3A_435 : vector<16xf32>
        %shift_left3A_437 = arith.constant 16 : i32
        %shift_left3A_438 = vector.broadcast %shift_left3A_437 : i32 to vector<16xi32>
        %shift_left3A_439 = arith.shli %get3A_407, %shift_left3A_438 : vector<16xi32>
        %bitcast3A_440 = vector.bitcast %shift_left3A_439 : vector<16xi32> to vector<16xf32>
        %mul3A_441 = arith.mulf %mul3A_271, %bitcast3A_440 : vector<16xf32>
        %add3A_442 = arith.addf %add3A_436, %mul3A_441 : vector<16xf32>
        %reduce_sum3A_443 = arith.constant true
        %reduce_sum3A_444 = vector.broadcast %reduce_sum3A_443 : i1 to vector<16xi1>
        %reduce_sum3A_445 = tpu.scan <sum>, %add3A_442 masked %reduce_sum3A_444 : vector<16xf32>, vector<16xi1> -> vector<16xf32>
        %reduce_sum3A_446 = vector.extract %reduce_sum3A_445[15] : f32 from vector<16xf32>
        %broadcast_in_dim3A_447 = vector.broadcast %reduce_sum3A_446 : f32 to vector<16xf32>
        %exp3A_448 = math.exp %broadcast_in_dim3A_447 : vector<16xf32>
        %add3A_449 = arith.addf %add3A_353, %exp3A_448 : vector<16xf32>
        %and3A_450 = arith.andi %get3A_382, %broadcast_in_dim3A_3 : vector<16xi32>
        %bitcast3A_451 = vector.bitcast %and3A_450 : vector<16xi32> to vector<16xf32>
        %mul3A_452 = arith.mulf %exp3A_448, %bitcast3A_451 : vector<16xf32>
        %add3A_453 = arith.addf %add3A_357, %mul3A_452 : vector<16xf32>
        %and3A_454 = arith.andi %get3A_387, %broadcast_in_dim3A_3 : vector<16xi32>
        %bitcast3A_455 = vector.bitcast %and3A_454 : vector<16xi32> to vector<16xf32>
        %mul3A_456 = arith.mulf %exp3A_448, %bitcast3A_455 : vector<16xf32>
        %add3A_457 = arith.addf %add3A_361, %mul3A_456 : vector<16xf32>
        %and3A_458 = arith.andi %get3A_392, %broadcast_in_dim3A_3 : vector<16xi32>
        %bitcast3A_459 = vector.bitcast %and3A_458 : vector<16xi32> to vector<16xf32>
        %mul3A_460 = arith.mulf %exp3A_448, %bitcast3A_459 : vector<16xf32>
        %add3A_461 = arith.addf %add3A_365, %mul3A_460 : vector<16xf32>
        %and3A_462 = arith.andi %get3A_397, %broadcast_in_dim3A_3 : vector<16xi32>
        %bitcast3A_463 = vector.bitcast %and3A_462 : vector<16xi32> to vector<16xf32>
        %mul3A_464 = arith.mulf %exp3A_448, %bitcast3A_463 : vector<16xf32>
        %add3A_465 = arith.addf %add3A_369, %mul3A_464 : vector<16xf32>
        %and3A_466 = arith.andi %get3A_402, %broadcast_in_dim3A_3 : vector<16xi32>
        %bitcast3A_467 = vector.bitcast %and3A_466 : vector<16xi32> to vector<16xf32>
        %mul3A_468 = arith.mulf %exp3A_448, %bitcast3A_467 : vector<16xf32>
        %add3A_469 = arith.addf %add3A_373, %mul3A_468 : vector<16xf32>
        %and3A_470 = arith.andi %get3A_407, %broadcast_in_dim3A_3 : vector<16xi32>
        %bitcast3A_471 = vector.bitcast %and3A_470 : vector<16xi32> to vector<16xf32>
        %mul3A_472 = arith.mulf %exp3A_448, %bitcast3A_471 : vector<16xf32>
        %add3A_473 = arith.addf %add3A_377, %mul3A_472 : vector<16xf32>
        %add3A_474 = arith.constant 2 : i32
        %add3A_475 = arith.addi %mul3A_236, %add3A_474 : i32
        %get3A_476 = arith.index_cast %add3A_475 : i32 to index
        %get3A_477 = arith.constant 0 : index
        %get3A_478 = tpu.vector_load %arg9[%get3A_476, %get3A_477] {strides = array<i32>} : memref<256x128xi32, #tpu.memory_space<vmem>>, vector<16xi32>,
        %add3A_479 = arith.constant 2 : i32
        %add3A_480 = arith.addi %mul3A_236, %add3A_479 : i32
        %get3A_481 = arith.index_cast %add3A_480 : i32 to index
        %get3A_482 = arith.constant 16 : index
        %get3A_483 = tpu.vector_load %arg9[%get3A_481, %get3A_482] {strides = array<i32>} : memref<256x128xi32, #tpu.memory_space<vmem>>, vector<16xi32>,
        %add3A_484 = arith.constant 2 : i32
        %add3A_485 = arith.addi %mul3A_236, %add3A_484 : i32
        %get3A_486 = arith.index_cast %add3A_485 : i32 to index
        %get3A_487 = arith.constant 32 : index
        %get3A_488 = tpu.vector_load %arg9[%get3A_486, %get3A_487] {strides = array<i32>} : memref<256x128xi32, #tpu.memory_space<vmem>>, vector<16xi32>,
        %add3A_489 = arith.constant 2 : i32
        %add3A_490 = arith.addi %mul3A_236, %add3A_489 : i32
        %get3A_491 = arith.index_cast %add3A_490 : i32 to index
        %get3A_492 = arith.constant 48 : index
        %get3A_493 = tpu.vector_load %arg9[%get3A_491, %get3A_492] {strides = array<i32>} : memref<256x128xi32, #tpu.memory_space<vmem>>, vector<16xi32>,
        %add3A_494 = arith.constant 2 : i32
        %add3A_495 = arith.addi %mul3A_236, %add3A_494 : i32
        %get3A_496 = arith.index_cast %add3A_495 : i32 to index
        %get3A_497 = arith.constant 64 : index
        %get3A_498 = tpu.vector_load %arg9[%get3A_496, %get3A_497] {strides = array<i32>} : memref<256x128xi32, #tpu.memory_space<vmem>>, vector<16xi32>,
        %add3A_499 = arith.constant 2 : i32
        %add3A_500 = arith.addi %mul3A_236, %add3A_499 : i32
        %get3A_501 = arith.index_cast %add3A_500 : i32 to index
        %get3A_502 = arith.constant 80 : index
        %get3A_503 = tpu.vector_load %arg9[%get3A_501, %get3A_502] {strides = array<i32>} : memref<256x128xi32, #tpu.memory_space<vmem>>, vector<16xi32>,
        %shift_left3A_504 = arith.constant 16 : i32
        %shift_left3A_505 = vector.broadcast %shift_left3A_504 : i32 to vector<16xi32>
        %shift_left3A_506 = arith.shli %get3A_478, %shift_left3A_505 : vector<16xi32>
        %bitcast3A_507 = vector.bitcast %shift_left3A_506 : vector<16xi32> to vector<16xf32>
        %mul3A_508 = arith.mulf %mul3A_241, %bitcast3A_507 : vector<16xf32>
        %shift_left3A_509 = arith.constant 16 : i32
        %shift_left3A_510 = vector.broadcast %shift_left3A_509 : i32 to vector<16xi32>
        %shift_left3A_511 = arith.shli %get3A_483, %shift_left3A_510 : vector<16xi32>
        %bitcast3A_512 = vector.bitcast %shift_left3A_511 : vector<16xi32> to vector<16xf32>
        %mul3A_513 = arith.mulf %mul3A_247, %bitcast3A_512 : vector<16xf32>
        %add3A_514 = arith.addf %mul3A_508, %mul3A_513 : vector<16xf32>
        %shift_left3A_515 = arith.constant 16 : i32
        %shift_left3A_516 = vector.broadcast %shift_left3A_515 : i32 to vector<16xi32>
        %shift_left3A_517 = arith.shli %get3A_488, %shift_left3A_516 : vector<16xi32>
        %bitcast3A_518 = vector.bitcast %shift_left3A_517 : vector<16xi32> to vector<16xf32>
        %mul3A_519 = arith.mulf %mul3A_253, %bitcast3A_518 : vector<16xf32>
        %add3A_520 = arith.addf %add3A_514, %mul3A_519 : vector<16xf32>
        %shift_left3A_521 = arith.constant 16 : i32
        %shift_left3A_522 = vector.broadcast %shift_left3A_521 : i32 to vector<16xi32>
        %shift_left3A_523 = arith.shli %get3A_493, %shift_left3A_522 : vector<16xi32>
        %bitcast3A_524 = vector.bitcast %shift_left3A_523 : vector<16xi32> to vector<16xf32>
        %mul3A_525 = arith.mulf %mul3A_259, %bitcast3A_524 : vector<16xf32>
        %add3A_526 = arith.addf %add3A_520, %mul3A_525 : vector<16xf32>
        %shift_left3A_527 = arith.constant 16 : i32
        %shift_left3A_528 = vector.broadcast %shift_left3A_527 : i32 to vector<16xi32>
        %shift_left3A_529 = arith.shli %get3A_498, %shift_left3A_528 : vector<16xi32>
        %bitcast3A_530 = vector.bitcast %shift_left3A_529 : vector<16xi32> to vector<16xf32>
        %mul3A_531 = arith.mulf %mul3A_265, %bitcast3A_530 : vector<16xf32>
        %add3A_532 = arith.addf %add3A_526, %mul3A_531 : vector<16xf32>
        %shift_left3A_533 = arith.constant 16 : i32
        %shift_left3A_534 = vector.broadcast %shift_left3A_533 : i32 to vector<16xi32>
        %shift_left3A_535 = arith.shli %get3A_503, %shift_left3A_534 : vector<16xi32>
        %bitcast3A_536 = vector.bitcast %shift_left3A_535 : vector<16xi32> to vector<16xf32>
        %mul3A_537 = arith.mulf %mul3A_271, %bitcast3A_536 : vector<16xf32>
        %add3A_538 = arith.addf %add3A_532, %mul3A_537 : vector<16xf32>
        %reduce_sum3A_539 = arith.constant true
        %reduce_sum3A_540 = vector.broadcast %reduce_sum3A_539 : i1 to vector<16xi1>
        %reduce_sum3A_541 = tpu.scan <sum>, %add3A_538 masked %reduce_sum3A_540 : vector<16xf32>, vector<16xi1> -> vector<16xf32>
        %reduce_sum3A_542 = vector.extract %reduce_sum3A_541[15] : f32 from vector<16xf32>
        %broadcast_in_dim3A_543 = vector.broadcast %reduce_sum3A_542 : f32 to vector<16xf32>
        %exp3A_544 = math.exp %broadcast_in_dim3A_543 : vector<16xf32>
        %add3A_545 = arith.addf %add3A_449, %exp3A_544 : vector<16xf32>
        %and3A_546 = arith.andi %get3A_478, %broadcast_in_dim3A_3 : vector<16xi32>
        %bitcast3A_547 = vector.bitcast %and3A_546 : vector<16xi32> to vector<16xf32>
        %mul3A_548 = arith.mulf %exp3A_544, %bitcast3A_547 : vector<16xf32>
        %add3A_549 = arith.addf %add3A_453, %mul3A_548 : vector<16xf32>
        %and3A_550 = arith.andi %get3A_483, %broadcast_in_dim3A_3 : vector<16xi32>
        %bitcast3A_551 = vector.bitcast %and3A_550 : vector<16xi32> to vector<16xf32>
        %mul3A_552 = arith.mulf %exp3A_544, %bitcast3A_551 : vector<16xf32>
        %add3A_553 = arith.addf %add3A_457, %mul3A_552 : vector<16xf32>
        %and3A_554 = arith.andi %get3A_488, %broadcast_in_dim3A_3 : vector<16xi32>
        %bitcast3A_555 = vector.bitcast %and3A_554 : vector<16xi32> to vector<16xf32>
        %mul3A_556 = arith.mulf %exp3A_544, %bitcast3A_555 : vector<16xf32>
        %add3A_557 = arith.addf %add3A_461, %mul3A_556 : vector<16xf32>
        %and3A_558 = arith.andi %get3A_493, %broadcast_in_dim3A_3 : vector<16xi32>
        %bitcast3A_559 = vector.bitcast %and3A_558 : vector<16xi32> to vector<16xf32>
        %mul3A_560 = arith.mulf %exp3A_544, %bitcast3A_559 : vector<16xf32>
        %add3A_561 = arith.addf %add3A_465, %mul3A_560 : vector<16xf32>
        %and3A_562 = arith.andi %get3A_498, %broadcast_in_dim3A_3 : vector<16xi32>
        %bitcast3A_563 = vector.bitcast %and3A_562 : vector<16xi32> to vector<16xf32>
        %mul3A_564 = arith.mulf %exp3A_544, %bitcast3A_563 : vector<16xf32>
        %add3A_565 = arith.addf %add3A_469, %mul3A_564 : vector<16xf32>
        %and3A_566 = arith.andi %get3A_503, %broadcast_in_dim3A_3 : vector<16xi32>
        %bitcast3A_567 = vector.bitcast %and3A_566 : vector<16xi32> to vector<16xf32>
        %mul3A_568 = arith.mulf %exp3A_544, %bitcast3A_567 : vector<16xf32>
        %add3A_569 = arith.addf %add3A_473, %mul3A_568 : vector<16xf32>
        %add3A_570 = arith.constant 3 : i32
        %add3A_571 = arith.addi %mul3A_236, %add3A_570 : i32
        %get3A_572 = arith.index_cast %add3A_571 : i32 to index
        %get3A_573 = arith.constant 0 : index
        %get3A_574 = tpu.vector_load %arg9[%get3A_572, %get3A_573] {strides = array<i32>} : memref<256x128xi32, #tpu.memory_space<vmem>>, vector<16xi32>,
        %add3A_575 = arith.constant 3 : i32
        %add3A_576 = arith.addi %mul3A_236, %add3A_575 : i32
        %get3A_577 = arith.index_cast %add3A_576 : i32 to index
        %get3A_578 = arith.constant 16 : index
        %get3A_579 = tpu.vector_load %arg9[%get3A_577, %get3A_578] {strides = array<i32>} : memref<256x128xi32, #tpu.memory_space<vmem>>, vector<16xi32>,
        %add3A_580 = arith.constant 3 : i32
        %add3A_581 = arith.addi %mul3A_236, %add3A_580 : i32
        %get3A_582 = arith.index_cast %add3A_581 : i32 to index
        %get3A_583 = arith.constant 32 : index
        %get3A_584 = tpu.vector_load %arg9[%get3A_582, %get3A_583] {strides = array<i32>} : memref<256x128xi32, #tpu.memory_space<vmem>>, vector<16xi32>,
        %add3A_585 = arith.constant 3 : i32
        %add3A_586 = arith.addi %mul3A_236, %add3A_585 : i32
        %get3A_587 = arith.index_cast %add3A_586 : i32 to index
        %get3A_588 = arith.constant 48 : index
        %get3A_589 = tpu.vector_load %arg9[%get3A_587, %get3A_588] {strides = array<i32>} : memref<256x128xi32, #tpu.memory_space<vmem>>, vector<16xi32>,
        %add3A_590 = arith.constant 3 : i32
        %add3A_591 = arith.addi %mul3A_236, %add3A_590 : i32
        %get3A_592 = arith.index_cast %add3A_591 : i32 to index
        %get3A_593 = arith.constant 64 : index
        %get3A_594 = tpu.vector_load %arg9[%get3A_592, %get3A_593] {strides = array<i32>} : memref<256x128xi32, #tpu.memory_space<vmem>>, vector<16xi32>,
        %add3A_595 = arith.constant 3 : i32
        %add3A_596 = arith.addi %mul3A_236, %add3A_595 : i32
        %get3A_597 = arith.index_cast %add3A_596 : i32 to index
        %get3A_598 = arith.constant 80 : index
        %get3A_599 = tpu.vector_load %arg9[%get3A_597, %get3A_598] {strides = array<i32>} : memref<256x128xi32, #tpu.memory_space<vmem>>, vector<16xi32>,
        %shift_left3A_600 = arith.constant 16 : i32
        %shift_left3A_601 = vector.broadcast %shift_left3A_600 : i32 to vector<16xi32>
        %shift_left3A_602 = arith.shli %get3A_574, %shift_left3A_601 : vector<16xi32>
        %bitcast3A_603 = vector.bitcast %shift_left3A_602 : vector<16xi32> to vector<16xf32>
        %mul3A_604 = arith.mulf %mul3A_241, %bitcast3A_603 : vector<16xf32>
        %shift_left3A_605 = arith.constant 16 : i32
        %shift_left3A_606 = vector.broadcast %shift_left3A_605 : i32 to vector<16xi32>
        %shift_left3A_607 = arith.shli %get3A_579, %shift_left3A_606 : vector<16xi32>
        %bitcast3A_608 = vector.bitcast %shift_left3A_607 : vector<16xi32> to vector<16xf32>
        %mul3A_609 = arith.mulf %mul3A_247, %bitcast3A_608 : vector<16xf32>
        %add3A_610 = arith.addf %mul3A_604, %mul3A_609 : vector<16xf32>
        %shift_left3A_611 = arith.constant 16 : i32
        %shift_left3A_612 = vector.broadcast %shift_left3A_611 : i32 to vector<16xi32>
        %shift_left3A_613 = arith.shli %get3A_584, %shift_left3A_612 : vector<16xi32>
        %bitcast3A_614 = vector.bitcast %shift_left3A_613 : vector<16xi32> to vector<16xf32>
        %mul3A_615 = arith.mulf %mul3A_253, %bitcast3A_614 : vector<16xf32>
        %add3A_616 = arith.addf %add3A_610, %mul3A_615 : vector<16xf32>
        %shift_left3A_617 = arith.constant 16 : i32
        %shift_left3A_618 = vector.broadcast %shift_left3A_617 : i32 to vector<16xi32>
        %shift_left3A_619 = arith.shli %get3A_589, %shift_left3A_618 : vector<16xi32>
        %bitcast3A_620 = vector.bitcast %shift_left3A_619 : vector<16xi32> to vector<16xf32>
        %mul3A_621 = arith.mulf %mul3A_259, %bitcast3A_620 : vector<16xf32>
        %add3A_622 = arith.addf %add3A_616, %mul3A_621 : vector<16xf32>
        %shift_left3A_623 = arith.constant 16 : i32
        %shift_left3A_624 = vector.broadcast %shift_left3A_623 : i32 to vector<16xi32>
        %shift_left3A_625 = arith.shli %get3A_594, %shift_left3A_624 : vector<16xi32>
        %bitcast3A_626 = vector.bitcast %shift_left3A_625 : vector<16xi32> to vector<16xf32>
        %mul3A_627 = arith.mulf %mul3A_265, %bitcast3A_626 : vector<16xf32>
        %add3A_628 = arith.addf %add3A_622, %mul3A_627 : vector<16xf32>
        %shift_left3A_629 = arith.constant 16 : i32
        %shift_left3A_630 = vector.broadcast %shift_left3A_629 : i32 to vector<16xi32>
        %shift_left3A_631 = arith.shli %get3A_599, %shift_left3A_630 : vector<16xi32>
        %bitcast3A_632 = vector.bitcast %shift_left3A_631 : vector<16xi32> to vector<16xf32>
        %mul3A_633 = arith.mulf %mul3A_271, %bitcast3A_632 : vector<16xf32>
        %add3A_634 = arith.addf %add3A_628, %mul3A_633 : vector<16xf32>
        %reduce_sum3A_635 = arith.constant true
        %reduce_sum3A_636 = vector.broadcast %reduce_sum3A_635 : i1 to vector<16xi1>
        %reduce_sum3A_637 = tpu.scan <sum>, %add3A_634 masked %reduce_sum3A_636 : vector<16xf32>, vector<16xi1> -> vector<16xf32>
        %reduce_sum3A_638 = vector.extract %reduce_sum3A_637[15] : f32 from vector<16xf32>
        %broadcast_in_dim3A_639 = vector.broadcast %reduce_sum3A_638 : f32 to vector<16xf32>
        %exp3A_640 = math.exp %broadcast_in_dim3A_639 : vector<16xf32>
        %add3A_641 = arith.addf %add3A_545, %exp3A_640 : vector<16xf32>
        %and3A_642 = arith.andi %get3A_574, %broadcast_in_dim3A_3 : vector<16xi32>
        %bitcast3A_643 = vector.bitcast %and3A_642 : vector<16xi32> to vector<16xf32>
        %mul3A_644 = arith.mulf %exp3A_640, %bitcast3A_643 : vector<16xf32>
        %add3A_645 = arith.addf %add3A_549, %mul3A_644 : vector<16xf32>
        %and3A_646 = arith.andi %get3A_579, %broadcast_in_dim3A_3 : vector<16xi32>
        %bitcast3A_647 = vector.bitcast %and3A_646 : vector<16xi32> to vector<16xf32>
        %mul3A_648 = arith.mulf %exp3A_640, %bitcast3A_647 : vector<16xf32>
        %add3A_649 = arith.addf %add3A_553, %mul3A_648 : vector<16xf32>
        %and3A_650 = arith.andi %get3A_584, %broadcast_in_dim3A_3 : vector<16xi32>
        %bitcast3A_651 = vector.bitcast %and3A_650 : vector<16xi32> to vector<16xf32>
        %mul3A_652 = arith.mulf %exp3A_640, %bitcast3A_651 : vector<16xf32>
        %add3A_653 = arith.addf %add3A_557, %mul3A_652 : vector<16xf32>
        %and3A_654 = arith.andi %get3A_589, %broadcast_in_dim3A_3 : vector<16xi32>
        %bitcast3A_655 = vector.bitcast %and3A_654 : vector<16xi32> to vector<16xf32>
        %mul3A_656 = arith.mulf %exp3A_640, %bitcast3A_655 : vector<16xf32>
        %add3A_657 = arith.addf %add3A_561, %mul3A_656 : vector<16xf32>
        %and3A_658 = arith.andi %get3A_594, %broadcast_in_dim3A_3 : vector<16xi32>
        %bitcast3A_659 = vector.bitcast %and3A_658 : vector<16xi32> to vector<16xf32>
        %mul3A_660 = arith.mulf %exp3A_640, %bitcast3A_659 : vector<16xf32>
        %add3A_661 = arith.addf %add3A_565, %mul3A_660 : vector<16xf32>
        %and3A_662 = arith.andi %get3A_599, %broadcast_in_dim3A_3 : vector<16xi32>
        %bitcast3A_663 = vector.bitcast %and3A_662 : vector<16xi32> to vector<16xf32>
        %mul3A_664 = arith.mulf %exp3A_640, %bitcast3A_663 : vector<16xf32>
        %add3A_665 = arith.addf %add3A_569, %mul3A_664 : vector<16xf32>
        %add3A_666 = arith.constant 4 : i32
        %add3A_667 = arith.addi %mul3A_236, %add3A_666 : i32
        %get3A_668 = arith.index_cast %add3A_667 : i32 to index
        %get3A_669 = arith.constant 0 : index
        %get3A_670 = tpu.vector_load %arg9[%get3A_668, %get3A_669] {strides = array<i32>} : memref<256x128xi32, #tpu.memory_space<vmem>>, vector<16xi32>,
        %add3A_671 = arith.constant 4 : i32
        %add3A_672 = arith.addi %mul3A_236, %add3A_671 : i32
        %get3A_673 = arith.index_cast %add3A_672 : i32 to index
        %get3A_674 = arith.constant 16 : index
        %get3A_675 = tpu.vector_load %arg9[%get3A_673, %get3A_674] {strides = array<i32>} : memref<256x128xi32, #tpu.memory_space<vmem>>, vector<16xi32>,
        %add3A_676 = arith.constant 4 : i32
        %add3A_677 = arith.addi %mul3A_236, %add3A_676 : i32
        %get3A_678 = arith.index_cast %add3A_677 : i32 to index
        %get3A_679 = arith.constant 32 : index
        %get3A_680 = tpu.vector_load %arg9[%get3A_678, %get3A_679] {strides = array<i32>} : memref<256x128xi32, #tpu.memory_space<vmem>>, vector<16xi32>,
        %add3A_681 = arith.constant 4 : i32
        %add3A_682 = arith.addi %mul3A_236, %add3A_681 : i32
        %get3A_683 = arith.index_cast %add3A_682 : i32 to index
        %get3A_684 = arith.constant 48 : index
        %get3A_685 = tpu.vector_load %arg9[%get3A_683, %get3A_684] {strides = array<i32>} : memref<256x128xi32, #tpu.memory_space<vmem>>, vector<16xi32>,
        %add3A_686 = arith.constant 4 : i32
        %add3A_687 = arith.addi %mul3A_236, %add3A_686 : i32
        %get3A_688 = arith.index_cast %add3A_687 : i32 to index
        %get3A_689 = arith.constant 64 : index
        %get3A_690 = tpu.vector_load %arg9[%get3A_688, %get3A_689] {strides = array<i32>} : memref<256x128xi32, #tpu.memory_space<vmem>>, vector<16xi32>,
        %add3A_691 = arith.constant 4 : i32
        %add3A_692 = arith.addi %mul3A_236, %add3A_691 : i32
        %get3A_693 = arith.index_cast %add3A_692 : i32 to index
        %get3A_694 = arith.constant 80 : index
        %get3A_695 = tpu.vector_load %arg9[%get3A_693, %get3A_694] {strides = array<i32>} : memref<256x128xi32, #tpu.memory_space<vmem>>, vector<16xi32>,
        %shift_left3A_696 = arith.constant 16 : i32
        %shift_left3A_697 = vector.broadcast %shift_left3A_696 : i32 to vector<16xi32>
        %shift_left3A_698 = arith.shli %get3A_670, %shift_left3A_697 : vector<16xi32>
        %bitcast3A_699 = vector.bitcast %shift_left3A_698 : vector<16xi32> to vector<16xf32>
        %mul3A_700 = arith.mulf %mul3A_241, %bitcast3A_699 : vector<16xf32>
        %shift_left3A_701 = arith.constant 16 : i32
        %shift_left3A_702 = vector.broadcast %shift_left3A_701 : i32 to vector<16xi32>
        %shift_left3A_703 = arith.shli %get3A_675, %shift_left3A_702 : vector<16xi32>
        %bitcast3A_704 = vector.bitcast %shift_left3A_703 : vector<16xi32> to vector<16xf32>
        %mul3A_705 = arith.mulf %mul3A_247, %bitcast3A_704 : vector<16xf32>
        %add3A_706 = arith.addf %mul3A_700, %mul3A_705 : vector<16xf32>
        %shift_left3A_707 = arith.constant 16 : i32
        %shift_left3A_708 = vector.broadcast %shift_left3A_707 : i32 to vector<16xi32>
        %shift_left3A_709 = arith.shli %get3A_680, %shift_left3A_708 : vector<16xi32>
        %bitcast3A_710 = vector.bitcast %shift_left3A_709 : vector<16xi32> to vector<16xf32>
        %mul3A_711 = arith.mulf %mul3A_253, %bitcast3A_710 : vector<16xf32>
        %add3A_712 = arith.addf %add3A_706, %mul3A_711 : vector<16xf32>
        %shift_left3A_713 = arith.constant 16 : i32
        %shift_left3A_714 = vector.broadcast %shift_left3A_713 : i32 to vector<16xi32>
        %shift_left3A_715 = arith.shli %get3A_685, %shift_left3A_714 : vector<16xi32>
        %bitcast3A_716 = vector.bitcast %shift_left3A_715 : vector<16xi32> to vector<16xf32>
        %mul3A_717 = arith.mulf %mul3A_259, %bitcast3A_716 : vector<16xf32>
        %add3A_718 = arith.addf %add3A_712, %mul3A_717 : vector<16xf32>
        %shift_left3A_719 = arith.constant 16 : i32
        %shift_left3A_720 = vector.broadcast %shift_left3A_719 : i32 to vector<16xi32>
        %shift_left3A_721 = arith.shli %get3A_690, %shift_left3A_720 : vector<16xi32>
        %bitcast3A_722 = vector.bitcast %shift_left3A_721 : vector<16xi32> to vector<16xf32>
        %mul3A_723 = arith.mulf %mul3A_265, %bitcast3A_722 : vector<16xf32>
        %add3A_724 = arith.addf %add3A_718, %mul3A_723 : vector<16xf32>
        %shift_left3A_725 = arith.constant 16 : i32
        %shift_left3A_726 = vector.broadcast %shift_left3A_725 : i32 to vector<16xi32>
        %shift_left3A_727 = arith.shli %get3A_695, %shift_left3A_726 : vector<16xi32>
        %bitcast3A_728 = vector.bitcast %shift_left3A_727 : vector<16xi32> to vector<16xf32>
        %mul3A_729 = arith.mulf %mul3A_271, %bitcast3A_728 : vector<16xf32>
        %add3A_730 = arith.addf %add3A_724, %mul3A_729 : vector<16xf32>
        %reduce_sum3A_731 = arith.constant true
        %reduce_sum3A_732 = vector.broadcast %reduce_sum3A_731 : i1 to vector<16xi1>
        %reduce_sum3A_733 = tpu.scan <sum>, %add3A_730 masked %reduce_sum3A_732 : vector<16xf32>, vector<16xi1> -> vector<16xf32>
        %reduce_sum3A_734 = vector.extract %reduce_sum3A_733[15] : f32 from vector<16xf32>
        %broadcast_in_dim3A_735 = vector.broadcast %reduce_sum3A_734 : f32 to vector<16xf32>
        %exp3A_736 = math.exp %broadcast_in_dim3A_735 : vector<16xf32>
        %add3A_737 = arith.addf %add3A_641, %exp3A_736 : vector<16xf32>
        %and3A_738 = arith.andi %get3A_670, %broadcast_in_dim3A_3 : vector<16xi32>
        %bitcast3A_739 = vector.bitcast %and3A_738 : vector<16xi32> to vector<16xf32>
        %mul3A_740 = arith.mulf %exp3A_736, %bitcast3A_739 : vector<16xf32>
        %add3A_741 = arith.addf %add3A_645, %mul3A_740 : vector<16xf32>
        %and3A_742 = arith.andi %get3A_675, %broadcast_in_dim3A_3 : vector<16xi32>
        %bitcast3A_743 = vector.bitcast %and3A_742 : vector<16xi32> to vector<16xf32>
        %mul3A_744 = arith.mulf %exp3A_736, %bitcast3A_743 : vector<16xf32>
        %add3A_745 = arith.addf %add3A_649, %mul3A_744 : vector<16xf32>
        %and3A_746 = arith.andi %get3A_680, %broadcast_in_dim3A_3 : vector<16xi32>
        %bitcast3A_747 = vector.bitcast %and3A_746 : vector<16xi32> to vector<16xf32>
        %mul3A_748 = arith.mulf %exp3A_736, %bitcast3A_747 : vector<16xf32>
        %add3A_749 = arith.addf %add3A_653, %mul3A_748 : vector<16xf32>
        %and3A_750 = arith.andi %get3A_685, %broadcast_in_dim3A_3 : vector<16xi32>
        %bitcast3A_751 = vector.bitcast %and3A_750 : vector<16xi32> to vector<16xf32>
        %mul3A_752 = arith.mulf %exp3A_736, %bitcast3A_751 : vector<16xf32>
        %add3A_753 = arith.addf %add3A_657, %mul3A_752 : vector<16xf32>
        %and3A_754 = arith.andi %get3A_690, %broadcast_in_dim3A_3 : vector<16xi32>
        %bitcast3A_755 = vector.bitcast %and3A_754 : vector<16xi32> to vector<16xf32>
        %mul3A_756 = arith.mulf %exp3A_736, %bitcast3A_755 : vector<16xf32>
        %add3A_757 = arith.addf %add3A_661, %mul3A_756 : vector<16xf32>
        %and3A_758 = arith.andi %get3A_695, %broadcast_in_dim3A_3 : vector<16xi32>
        %bitcast3A_759 = vector.bitcast %and3A_758 : vector<16xi32> to vector<16xf32>
        %mul3A_760 = arith.mulf %exp3A_736, %bitcast3A_759 : vector<16xf32>
        %add3A_761 = arith.addf %add3A_665, %mul3A_760 : vector<16xf32>
        %add3A_762 = arith.constant 5 : i32
        %add3A_763 = arith.addi %mul3A_236, %add3A_762 : i32
        %get3A_764 = arith.index_cast %add3A_763 : i32 to index
        %get3A_765 = arith.constant 0 : index
        %get3A_766 = tpu.vector_load %arg9[%get3A_764, %get3A_765] {strides = array<i32>} : memref<256x128xi32, #tpu.memory_space<vmem>>, vector<16xi32>,
        %add3A_767 = arith.constant 5 : i32
        %add3A_768 = arith.addi %mul3A_236, %add3A_767 : i32
        %get3A_769 = arith.index_cast %add3A_768 : i32 to index
        %get3A_770 = arith.constant 16 : index
        %get3A_771 = tpu.vector_load %arg9[%get3A_769, %get3A_770] {strides = array<i32>} : memref<256x128xi32, #tpu.memory_space<vmem>>, vector<16xi32>,
        %add3A_772 = arith.constant 5 : i32
        %add3A_773 = arith.addi %mul3A_236, %add3A_772 : i32
        %get3A_774 = arith.index_cast %add3A_773 : i32 to index
        %get3A_775 = arith.constant 32 : index
        %get3A_776 = tpu.vector_load %arg9[%get3A_774, %get3A_775] {strides = array<i32>} : memref<256x128xi32, #tpu.memory_space<vmem>>, vector<16xi32>,
        %add3A_777 = arith.constant 5 : i32
        %add3A_778 = arith.addi %mul3A_236, %add3A_777 : i32
        %get3A_779 = arith.index_cast %add3A_778 : i32 to index
        %get3A_780 = arith.constant 48 : index
        %get3A_781 = tpu.vector_load %arg9[%get3A_779, %get3A_780] {strides = array<i32>} : memref<256x128xi32, #tpu.memory_space<vmem>>, vector<16xi32>,
        %add3A_782 = arith.constant 5 : i32
        %add3A_783 = arith.addi %mul3A_236, %add3A_782 : i32
        %get3A_784 = arith.index_cast %add3A_783 : i32 to index
        %get3A_785 = arith.constant 64 : index
        %get3A_786 = tpu.vector_load %arg9[%get3A_784, %get3A_785] {strides = array<i32>} : memref<256x128xi32, #tpu.memory_space<vmem>>, vector<16xi32>,
        %add3A_787 = arith.constant 5 : i32
        %add3A_788 = arith.addi %mul3A_236, %add3A_787 : i32
        %get3A_789 = arith.index_cast %add3A_788 : i32 to index
        %get3A_790 = arith.constant 80 : index
        %get3A_791 = tpu.vector_load %arg9[%get3A_789, %get3A_790] {strides = array<i32>} : memref<256x128xi32, #tpu.memory_space<vmem>>, vector<16xi32>,
        %shift_left3A_792 = arith.constant 16 : i32
        %shift_left3A_793 = vector.broadcast %shift_left3A_792 : i32 to vector<16xi32>
        %shift_left3A_794 = arith.shli %get3A_766, %shift_left3A_793 : vector<16xi32>
        %bitcast3A_795 = vector.bitcast %shift_left3A_794 : vector<16xi32> to vector<16xf32>
        %mul3A_796 = arith.mulf %mul3A_241, %bitcast3A_795 : vector<16xf32>
        %shift_left3A_797 = arith.constant 16 : i32
        %shift_left3A_798 = vector.broadcast %shift_left3A_797 : i32 to vector<16xi32>
        %shift_left3A_799 = arith.shli %get3A_771, %shift_left3A_798 : vector<16xi32>
        %bitcast3A_800 = vector.bitcast %shift_left3A_799 : vector<16xi32> to vector<16xf32>
        %mul3A_801 = arith.mulf %mul3A_247, %bitcast3A_800 : vector<16xf32>
        %add3A_802 = arith.addf %mul3A_796, %mul3A_801 : vector<16xf32>
        %shift_left3A_803 = arith.constant 16 : i32
        %shift_left3A_804 = vector.broadcast %shift_left3A_803 : i32 to vector<16xi32>
        %shift_left3A_805 = arith.shli %get3A_776, %shift_left3A_804 : vector<16xi32>
        %bitcast3A_806 = vector.bitcast %shift_left3A_805 : vector<16xi32> to vector<16xf32>
        %mul3A_807 = arith.mulf %mul3A_253, %bitcast3A_806 : vector<16xf32>
        %add3A_808 = arith.addf %add3A_802, %mul3A_807 : vector<16xf32>
        %shift_left3A_809 = arith.constant 16 : i32
        %shift_left3A_810 = vector.broadcast %shift_left3A_809 : i32 to vector<16xi32>
        %shift_left3A_811 = arith.shli %get3A_781, %shift_left3A_810 : vector<16xi32>
        %bitcast3A_812 = vector.bitcast %shift_left3A_811 : vector<16xi32> to vector<16xf32>
        %mul3A_813 = arith.mulf %mul3A_259, %bitcast3A_812 : vector<16xf32>
        %add3A_814 = arith.addf %add3A_808, %mul3A_813 : vector<16xf32>
        %shift_left3A_815 = arith.constant 16 : i32
        %shift_left3A_816 = vector.broadcast %shift_left3A_815 : i32 to vector<16xi32>
        %shift_left3A_817 = arith.shli %get3A_786, %shift_left3A_816 : vector<16xi32>
        %bitcast3A_818 = vector.bitcast %shift_left3A_817 : vector<16xi32> to vector<16xf32>
        %mul3A_819 = arith.mulf %mul3A_265, %bitcast3A_818 : vector<16xf32>
        %add3A_820 = arith.addf %add3A_814, %mul3A_819 : vector<16xf32>
        %shift_left3A_821 = arith.constant 16 : i32
        %shift_left3A_822 = vector.broadcast %shift_left3A_821 : i32 to vector<16xi32>
        %shift_left3A_823 = arith.shli %get3A_791, %shift_left3A_822 : vector<16xi32>
        %bitcast3A_824 = vector.bitcast %shift_left3A_823 : vector<16xi32> to vector<16xf32>
        %mul3A_825 = arith.mulf %mul3A_271, %bitcast3A_824 : vector<16xf32>
        %add3A_826 = arith.addf %add3A_820, %mul3A_825 : vector<16xf32>
        %reduce_sum3A_827 = arith.constant true
        %reduce_sum3A_828 = vector.broadcast %reduce_sum3A_827 : i1 to vector<16xi1>
        %reduce_sum3A_829 = tpu.scan <sum>, %add3A_826 masked %reduce_sum3A_828 : vector<16xf32>, vector<16xi1> -> vector<16xf32>
        %reduce_sum3A_830 = vector.extract %reduce_sum3A_829[15] : f32 from vector<16xf32>
        %broadcast_in_dim3A_831 = vector.broadcast %reduce_sum3A_830 : f32 to vector<16xf32>
        %exp3A_832 = math.exp %broadcast_in_dim3A_831 : vector<16xf32>
        %add3A_833 = arith.addf %add3A_737, %exp3A_832 : vector<16xf32>
        %and3A_834 = arith.andi %get3A_766, %broadcast_in_dim3A_3 : vector<16xi32>
        %bitcast3A_835 = vector.bitcast %and3A_834 : vector<16xi32> to vector<16xf32>
        %mul3A_836 = arith.mulf %exp3A_832, %bitcast3A_835 : vector<16xf32>
        %add3A_837 = arith.addf %add3A_741, %mul3A_836 : vector<16xf32>
        %and3A_838 = arith.andi %get3A_771, %broadcast_in_dim3A_3 : vector<16xi32>
        %bitcast3A_839 = vector.bitcast %and3A_838 : vector<16xi32> to vector<16xf32>
        %mul3A_840 = arith.mulf %exp3A_832, %bitcast3A_839 : vector<16xf32>
        %add3A_841 = arith.addf %add3A_745, %mul3A_840 : vector<16xf32>
        %and3A_842 = arith.andi %get3A_776, %broadcast_in_dim3A_3 : vector<16xi32>
        %bitcast3A_843 = vector.bitcast %and3A_842 : vector<16xi32> to vector<16xf32>
        %mul3A_844 = arith.mulf %exp3A_832, %bitcast3A_843 : vector<16xf32>
        %add3A_845 = arith.addf %add3A_749, %mul3A_844 : vector<16xf32>
        %and3A_846 = arith.andi %get3A_781, %broadcast_in_dim3A_3 : vector<16xi32>
        %bitcast3A_847 = vector.bitcast %and3A_846 : vector<16xi32> to vector<16xf32>
        %mul3A_848 = arith.mulf %exp3A_832, %bitcast3A_847 : vector<16xf32>
        %add3A_849 = arith.addf %add3A_753, %mul3A_848 : vector<16xf32>
        %and3A_850 = arith.andi %get3A_786, %broadcast_in_dim3A_3 : vector<16xi32>
        %bitcast3A_851 = vector.bitcast %and3A_850 : vector<16xi32> to vector<16xf32>
        %mul3A_852 = arith.mulf %exp3A_832, %bitcast3A_851 : vector<16xf32>
        %add3A_853 = arith.addf %add3A_757, %mul3A_852 : vector<16xf32>
        %and3A_854 = arith.andi %get3A_791, %broadcast_in_dim3A_3 : vector<16xi32>
        %bitcast3A_855 = vector.bitcast %and3A_854 : vector<16xi32> to vector<16xf32>
        %mul3A_856 = arith.mulf %exp3A_832, %bitcast3A_855 : vector<16xf32>
        %add3A_857 = arith.addf %add3A_761, %mul3A_856 : vector<16xf32>
        %add3A_858 = arith.constant 6 : i32
        %add3A_859 = arith.addi %mul3A_236, %add3A_858 : i32
        %get3A_860 = arith.index_cast %add3A_859 : i32 to index
        %get3A_861 = arith.constant 0 : index
        %get3A_862 = tpu.vector_load %arg9[%get3A_860, %get3A_861] {strides = array<i32>} : memref<256x128xi32, #tpu.memory_space<vmem>>, vector<16xi32>,
        %add3A_863 = arith.constant 6 : i32
        %add3A_864 = arith.addi %mul3A_236, %add3A_863 : i32
        %get3A_865 = arith.index_cast %add3A_864 : i32 to index
        %get3A_866 = arith.constant 16 : index
        %get3A_867 = tpu.vector_load %arg9[%get3A_865, %get3A_866] {strides = array<i32>} : memref<256x128xi32, #tpu.memory_space<vmem>>, vector<16xi32>,
        %add3A_868 = arith.constant 6 : i32
        %add3A_869 = arith.addi %mul3A_236, %add3A_868 : i32
        %get3A_870 = arith.index_cast %add3A_869 : i32 to index
        %get3A_871 = arith.constant 32 : index
        %get3A_872 = tpu.vector_load %arg9[%get3A_870, %get3A_871] {strides = array<i32>} : memref<256x128xi32, #tpu.memory_space<vmem>>, vector<16xi32>,
        %add3A_873 = arith.constant 6 : i32
        %add3A_874 = arith.addi %mul3A_236, %add3A_873 : i32
        %get3A_875 = arith.index_cast %add3A_874 : i32 to index
        %get3A_876 = arith.constant 48 : index
        %get3A_877 = tpu.vector_load %arg9[%get3A_875, %get3A_876] {strides = array<i32>} : memref<256x128xi32, #tpu.memory_space<vmem>>, vector<16xi32>,
        %add3A_878 = arith.constant 6 : i32
        %add3A_879 = arith.addi %mul3A_236, %add3A_878 : i32
        %get3A_880 = arith.index_cast %add3A_879 : i32 to index
        %get3A_881 = arith.constant 64 : index
        %get3A_882 = tpu.vector_load %arg9[%get3A_880, %get3A_881] {strides = array<i32>} : memref<256x128xi32, #tpu.memory_space<vmem>>, vector<16xi32>,
        %add3A_883 = arith.constant 6 : i32
        %add3A_884 = arith.addi %mul3A_236, %add3A_883 : i32
        %get3A_885 = arith.index_cast %add3A_884 : i32 to index
        %get3A_886 = arith.constant 80 : index
        %get3A_887 = tpu.vector_load %arg9[%get3A_885, %get3A_886] {strides = array<i32>} : memref<256x128xi32, #tpu.memory_space<vmem>>, vector<16xi32>,
        %shift_left3A_888 = arith.constant 16 : i32
        %shift_left3A_889 = vector.broadcast %shift_left3A_888 : i32 to vector<16xi32>
        %shift_left3A_890 = arith.shli %get3A_862, %shift_left3A_889 : vector<16xi32>
        %bitcast3A_891 = vector.bitcast %shift_left3A_890 : vector<16xi32> to vector<16xf32>
        %mul3A_892 = arith.mulf %mul3A_241, %bitcast3A_891 : vector<16xf32>
        %shift_left3A_893 = arith.constant 16 : i32
        %shift_left3A_894 = vector.broadcast %shift_left3A_893 : i32 to vector<16xi32>
        %shift_left3A_895 = arith.shli %get3A_867, %shift_left3A_894 : vector<16xi32>
        %bitcast3A_896 = vector.bitcast %shift_left3A_895 : vector<16xi32> to vector<16xf32>
        %mul3A_897 = arith.mulf %mul3A_247, %bitcast3A_896 : vector<16xf32>
        %add3A_898 = arith.addf %mul3A_892, %mul3A_897 : vector<16xf32>
        %shift_left3A_899 = arith.constant 16 : i32
        %shift_left3A_900 = vector.broadcast %shift_left3A_899 : i32 to vector<16xi32>
        %shift_left3A_901 = arith.shli %get3A_872, %shift_left3A_900 : vector<16xi32>
        %bitcast3A_902 = vector.bitcast %shift_left3A_901 : vector<16xi32> to vector<16xf32>
        %mul3A_903 = arith.mulf %mul3A_253, %bitcast3A_902 : vector<16xf32>
        %add3A_904 = arith.addf %add3A_898, %mul3A_903 : vector<16xf32>
        %shift_left3A_905 = arith.constant 16 : i32
        %shift_left3A_906 = vector.broadcast %shift_left3A_905 : i32 to vector<16xi32>
        %shift_left3A_907 = arith.shli %get3A_877, %shift_left3A_906 : vector<16xi32>
        %bitcast3A_908 = vector.bitcast %shift_left3A_907 : vector<16xi32> to vector<16xf32>
        %mul3A_909 = arith.mulf %mul3A_259, %bitcast3A_908 : vector<16xf32>
        %add3A_910 = arith.addf %add3A_904, %mul3A_909 : vector<16xf32>
        %shift_left3A_911 = arith.constant 16 : i32
        %shift_left3A_912 = vector.broadcast %shift_left3A_911 : i32 to vector<16xi32>
        %shift_left3A_913 = arith.shli %get3A_882, %shift_left3A_912 : vector<16xi32>
        %bitcast3A_914 = vector.bitcast %shift_left3A_913 : vector<16xi32> to vector<16xf32>
        %mul3A_915 = arith.mulf %mul3A_265, %bitcast3A_914 : vector<16xf32>
        %add3A_916 = arith.addf %add3A_910, %mul3A_915 : vector<16xf32>
        %shift_left3A_917 = arith.constant 16 : i32
        %shift_left3A_918 = vector.broadcast %shift_left3A_917 : i32 to vector<16xi32>
        %shift_left3A_919 = arith.shli %get3A_887, %shift_left3A_918 : vector<16xi32>
        %bitcast3A_920 = vector.bitcast %shift_left3A_919 : vector<16xi32> to vector<16xf32>
        %mul3A_921 = arith.mulf %mul3A_271, %bitcast3A_920 : vector<16xf32>
        %add3A_922 = arith.addf %add3A_916, %mul3A_921 : vector<16xf32>
        %reduce_sum3A_923 = arith.constant true
        %reduce_sum3A_924 = vector.broadcast %reduce_sum3A_923 : i1 to vector<16xi1>
        %reduce_sum3A_925 = tpu.scan <sum>, %add3A_922 masked %reduce_sum3A_924 : vector<16xf32>, vector<16xi1> -> vector<16xf32>
        %reduce_sum3A_926 = vector.extract %reduce_sum3A_925[15] : f32 from vector<16xf32>
        %broadcast_in_dim3A_927 = vector.broadcast %reduce_sum3A_926 : f32 to vector<16xf32>
        %exp3A_928 = math.exp %broadcast_in_dim3A_927 : vector<16xf32>
        %add3A_929 = arith.addf %add3A_833, %exp3A_928 : vector<16xf32>
        %and3A_930 = arith.andi %get3A_862, %broadcast_in_dim3A_3 : vector<16xi32>
        %bitcast3A_931 = vector.bitcast %and3A_930 : vector<16xi32> to vector<16xf32>
        %mul3A_932 = arith.mulf %exp3A_928, %bitcast3A_931 : vector<16xf32>
        %add3A_933 = arith.addf %add3A_837, %mul3A_932 : vector<16xf32>
        %and3A_934 = arith.andi %get3A_867, %broadcast_in_dim3A_3 : vector<16xi32>
        %bitcast3A_935 = vector.bitcast %and3A_934 : vector<16xi32> to vector<16xf32>
        %mul3A_936 = arith.mulf %exp3A_928, %bitcast3A_935 : vector<16xf32>
        %add3A_937 = arith.addf %add3A_841, %mul3A_936 : vector<16xf32>
        %and3A_938 = arith.andi %get3A_872, %broadcast_in_dim3A_3 : vector<16xi32>
        %bitcast3A_939 = vector.bitcast %and3A_938 : vector<16xi32> to vector<16xf32>
        %mul3A_940 = arith.mulf %exp3A_928, %bitcast3A_939 : vector<16xf32>
        %add3A_941 = arith.addf %add3A_845, %mul3A_940 : vector<16xf32>
        %and3A_942 = arith.andi %get3A_877, %broadcast_in_dim3A_3 : vector<16xi32>
        %bitcast3A_943 = vector.bitcast %and3A_942 : vector<16xi32> to vector<16xf32>
        %mul3A_944 = arith.mulf %exp3A_928, %bitcast3A_943 : vector<16xf32>
        %add3A_945 = arith.addf %add3A_849, %mul3A_944 : vector<16xf32>
        %and3A_946 = arith.andi %get3A_882, %broadcast_in_dim3A_3 : vector<16xi32>
        %bitcast3A_947 = vector.bitcast %and3A_946 : vector<16xi32> to vector<16xf32>
        %mul3A_948 = arith.mulf %exp3A_928, %bitcast3A_947 : vector<16xf32>
        %add3A_949 = arith.addf %add3A_853, %mul3A_948 : vector<16xf32>
        %and3A_950 = arith.andi %get3A_887, %broadcast_in_dim3A_3 : vector<16xi32>
        %bitcast3A_951 = vector.bitcast %and3A_950 : vector<16xi32> to vector<16xf32>
        %mul3A_952 = arith.mulf %exp3A_928, %bitcast3A_951 : vector<16xf32>
        %add3A_953 = arith.addf %add3A_857, %mul3A_952 : vector<16xf32>
        %add3A_954 = arith.constant 7 : i32
        %add3A_955 = arith.addi %mul3A_236, %add3A_954 : i32
        %get3A_956 = arith.index_cast %add3A_955 : i32 to index
        %get3A_957 = arith.constant 0 : index
        %get3A_958 = tpu.vector_load %arg9[%get3A_956, %get3A_957] {strides = array<i32>} : memref<256x128xi32, #tpu.memory_space<vmem>>, vector<16xi32>,
        %add3A_959 = arith.constant 7 : i32
        %add3A_960 = arith.addi %mul3A_236, %add3A_959 : i32
        %get3A_961 = arith.index_cast %add3A_960 : i32 to index
        %get3A_962 = arith.constant 16 : index
        %get3A_963 = tpu.vector_load %arg9[%get3A_961, %get3A_962] {strides = array<i32>} : memref<256x128xi32, #tpu.memory_space<vmem>>, vector<16xi32>,
        %add3A_964 = arith.constant 7 : i32
        %add3A_965 = arith.addi %mul3A_236, %add3A_964 : i32
        %get3A_966 = arith.index_cast %add3A_965 : i32 to index
        %get3A_967 = arith.constant 32 : index
        %get3A_968 = tpu.vector_load %arg9[%get3A_966, %get3A_967] {strides = array<i32>} : memref<256x128xi32, #tpu.memory_space<vmem>>, vector<16xi32>,
        %add3A_969 = arith.constant 7 : i32
        %add3A_970 = arith.addi %mul3A_236, %add3A_969 : i32
        %get3A_971 = arith.index_cast %add3A_970 : i32 to index
        %get3A_972 = arith.constant 48 : index
        %get3A_973 = tpu.vector_load %arg9[%get3A_971, %get3A_972] {strides = array<i32>} : memref<256x128xi32, #tpu.memory_space<vmem>>, vector<16xi32>,
        %add3A_974 = arith.constant 7 : i32
        %add3A_975 = arith.addi %mul3A_236, %add3A_974 : i32
        %get3A_976 = arith.index_cast %add3A_975 : i32 to index
        %get3A_977 = arith.constant 64 : index
        %get3A_978 = tpu.vector_load %arg9[%get3A_976, %get3A_977] {strides = array<i32>} : memref<256x128xi32, #tpu.memory_space<vmem>>, vector<16xi32>,
        %add3A_979 = arith.constant 7 : i32
        %add3A_980 = arith.addi %mul3A_236, %add3A_979 : i32
        %get3A_981 = arith.index_cast %add3A_980 : i32 to index
        %get3A_982 = arith.constant 80 : index
        %get3A_983 = tpu.vector_load %arg9[%get3A_981, %get3A_982] {strides = array<i32>} : memref<256x128xi32, #tpu.memory_space<vmem>>, vector<16xi32>,
        %shift_left3A_984 = arith.constant 16 : i32
        %shift_left3A_985 = vector.broadcast %shift_left3A_984 : i32 to vector<16xi32>
        %shift_left3A_986 = arith.shli %get3A_958, %shift_left3A_985 : vector<16xi32>
        %bitcast3A_987 = vector.bitcast %shift_left3A_986 : vector<16xi32> to vector<16xf32>
        %mul3A_988 = arith.mulf %mul3A_241, %bitcast3A_987 : vector<16xf32>
        %shift_left3A_989 = arith.constant 16 : i32
        %shift_left3A_990 = vector.broadcast %shift_left3A_989 : i32 to vector<16xi32>
        %shift_left3A_991 = arith.shli %get3A_963, %shift_left3A_990 : vector<16xi32>
        %bitcast3A_992 = vector.bitcast %shift_left3A_991 : vector<16xi32> to vector<16xf32>
        %mul3A_993 = arith.mulf %mul3A_247, %bitcast3A_992 : vector<16xf32>
        %add3A_994 = arith.addf %mul3A_988, %mul3A_993 : vector<16xf32>
        %shift_left3A_995 = arith.constant 16 : i32
        %shift_left3A_996 = vector.broadcast %shift_left3A_995 : i32 to vector<16xi32>
        %shift_left3A_997 = arith.shli %get3A_968, %shift_left3A_996 : vector<16xi32>
        %bitcast3A_998 = vector.bitcast %shift_left3A_997 : vector<16xi32> to vector<16xf32>
        %mul3A_999 = arith.mulf %mul3A_253, %bitcast3A_998 : vector<16xf32>
        %add3A_1000 = arith.addf %add3A_994, %mul3A_999 : vector<16xf32>
        %shift_left3A_1001 = arith.constant 16 : i32
        %shift_left3A_1002 = vector.broadcast %shift_left3A_1001 : i32 to vector<16xi32>
        %shift_left3A_1003 = arith.shli %get3A_973, %shift_left3A_1002 : vector<16xi32>
        %bitcast3A_1004 = vector.bitcast %shift_left3A_1003 : vector<16xi32> to vector<16xf32>
        %mul3A_1005 = arith.mulf %mul3A_259, %bitcast3A_1004 : vector<16xf32>
        %add3A_1006 = arith.addf %add3A_1000, %mul3A_1005 : vector<16xf32>
        %shift_left3A_1007 = arith.constant 16 : i32
        %shift_left3A_1008 = vector.broadcast %shift_left3A_1007 : i32 to vector<16xi32>
        %shift_left3A_1009 = arith.shli %get3A_978, %shift_left3A_1008 : vector<16xi32>
        %bitcast3A_1010 = vector.bitcast %shift_left3A_1009 : vector<16xi32> to vector<16xf32>
        %mul3A_1011 = arith.mulf %mul3A_265, %bitcast3A_1010 : vector<16xf32>
        %add3A_1012 = arith.addf %add3A_1006, %mul3A_1011 : vector<16xf32>
        %shift_left3A_1013 = arith.constant 16 : i32
        %shift_left3A_1014 = vector.broadcast %shift_left3A_1013 : i32 to vector<16xi32>
        %shift_left3A_1015 = arith.shli %get3A_983, %shift_left3A_1014 : vector<16xi32>
        %bitcast3A_1016 = vector.bitcast %shift_left3A_1015 : vector<16xi32> to vector<16xf32>
        %mul3A_1017 = arith.mulf %mul3A_271, %bitcast3A_1016 : vector<16xf32>
        %add3A_1018 = arith.addf %add3A_1012, %mul3A_1017 : vector<16xf32>
        %reduce_sum3A_1019 = arith.constant true
        %reduce_sum3A_1020 = vector.broadcast %reduce_sum3A_1019 : i1 to vector<16xi1>
        %reduce_sum3A_1021 = tpu.scan <sum>, %add3A_1018 masked %reduce_sum3A_1020 : vector<16xf32>, vector<16xi1> -> vector<16xf32>
        %reduce_sum3A_1022 = vector.extract %reduce_sum3A_1021[15] : f32 from vector<16xf32>
        %broadcast_in_dim3A_1023 = vector.broadcast %reduce_sum3A_1022 : f32 to vector<16xf32>
        %exp3A_1024 = math.exp %broadcast_in_dim3A_1023 : vector<16xf32>
        %add3A_1025 = arith.addf %add3A_929, %exp3A_1024 : vector<16xf32>
        %and3A_1026 = arith.andi %get3A_958, %broadcast_in_dim3A_3 : vector<16xi32>
        %bitcast3A_1027 = vector.bitcast %and3A_1026 : vector<16xi32> to vector<16xf32>
        %mul3A_1028 = arith.mulf %exp3A_1024, %bitcast3A_1027 : vector<16xf32>
        %add3A_1029 = arith.addf %add3A_933, %mul3A_1028 : vector<16xf32>
        %and3A_1030 = arith.andi %get3A_963, %broadcast_in_dim3A_3 : vector<16xi32>
        %bitcast3A_1031 = vector.bitcast %and3A_1030 : vector<16xi32> to vector<16xf32>
        %mul3A_1032 = arith.mulf %exp3A_1024, %bitcast3A_1031 : vector<16xf32>
        %add3A_1033 = arith.addf %add3A_937, %mul3A_1032 : vector<16xf32>
        %and3A_1034 = arith.andi %get3A_968, %broadcast_in_dim3A_3 : vector<16xi32>
        %bitcast3A_1035 = vector.bitcast %and3A_1034 : vector<16xi32> to vector<16xf32>
        %mul3A_1036 = arith.mulf %exp3A_1024, %bitcast3A_1035 : vector<16xf32>
        %add3A_1037 = arith.addf %add3A_941, %mul3A_1036 : vector<16xf32>
        %and3A_1038 = arith.andi %get3A_973, %broadcast_in_dim3A_3 : vector<16xi32>
        %bitcast3A_1039 = vector.bitcast %and3A_1038 : vector<16xi32> to vector<16xf32>
        %mul3A_1040 = arith.mulf %exp3A_1024, %bitcast3A_1039 : vector<16xf32>
        %add3A_1041 = arith.addf %add3A_945, %mul3A_1040 : vector<16xf32>
        %and3A_1042 = arith.andi %get3A_978, %broadcast_in_dim3A_3 : vector<16xi32>
        %bitcast3A_1043 = vector.bitcast %and3A_1042 : vector<16xi32> to vector<16xf32>
        %mul3A_1044 = arith.mulf %exp3A_1024, %bitcast3A_1043 : vector<16xf32>
        %add3A_1045 = arith.addf %add3A_949, %mul3A_1044 : vector<16xf32>
        %and3A_1046 = arith.andi %get3A_983, %broadcast_in_dim3A_3 : vector<16xi32>
        %bitcast3A_1047 = vector.bitcast %and3A_1046 : vector<16xi32> to vector<16xf32>
        %mul3A_1048 = arith.mulf %exp3A_1024, %bitcast3A_1047 : vector<16xf32>
        %add3A_1049 = arith.addf %add3A_953, %mul3A_1048 : vector<16xf32>
        %broadcast_in_dim3A_1050 = arith.constant 1.000000e+00 : f32
        %broadcast_in_dim3A_1051 = vector.broadcast %broadcast_in_dim3A_1050 : f32 to vector<16xf32>
        %div3A = arith.divf %broadcast_in_dim3A_1051, %add3A_1025 : vector<16xf32>
        %get3A_1052 = arith.index_cast %scan3A_234 : i32 to index
        %get3A_1053 = arith.constant 0 : index
        %get3A_1054 = tpu.vector_load %arg10[%get3A_1052, %get3A_1053] {strides = array<i32>} : memref<32x128xf32, #tpu.memory_space<vmem>>, vector<16xf32>,
        %mul3A_1055 = arith.mulf %add3A_1029, %div3A : vector<16xf32>
        %add3A_1056 = arith.addf %get3A_1054, %mul3A_1055 : vector<16xf32>
        %swap3A = arith.index_cast %scan3A_234 : i32 to index
        %swap3A_1057 = arith.constant 0 : index
        %swap3A_1058 = tpu.vector_load %arg11[%swap3A, %swap3A_1057] {strides = array<i32>} : memref<32x128xf32, #tpu.memory_space<vmem>>, vector<16xf32>,
        tpu.vector_store %arg11[%swap3A, %swap3A_1057], %add3A_1056 {strides = array<i32>} : memref<32x128xf32, #tpu.memory_space<vmem>>, vector<16xf32>,
        %get3A_1059 = arith.index_cast %scan3A_234 : i32 to index
        %get3A_1060 = arith.constant 16 : index
        %get3A_1061 = tpu.vector_load %arg10[%get3A_1059, %get3A_1060] {strides = array<i32>} : memref<32x128xf32, #tpu.memory_space<vmem>>, vector<16xf32>,
        %mul3A_1062 = arith.mulf %add3A_1033, %div3A : vector<16xf32>
        %add3A_1063 = arith.addf %get3A_1061, %mul3A_1062 : vector<16xf32>
        %swap3A_1064 = arith.index_cast %scan3A_234 : i32 to index
        %swap3A_1065 = arith.constant 16 : index
        %swap3A_1066 = tpu.vector_load %arg11[%swap3A_1064, %swap3A_1065] {strides = array<i32>} : memref<32x128xf32, #tpu.memory_space<vmem>>, vector<16xf32>,
        tpu.vector_store %arg11[%swap3A_1064, %swap3A_1065], %add3A_1063 {strides = array<i32>} : memref<32x128xf32, #tpu.memory_space<vmem>>, vector<16xf32>,
        %get3A_1067 = arith.index_cast %scan3A_234 : i32 to index
        %get3A_1068 = arith.constant 32 : index
        %get3A_1069 = tpu.vector_load %arg10[%get3A_1067, %get3A_1068] {strides = array<i32>} : memref<32x128xf32, #tpu.memory_space<vmem>>, vector<16xf32>,
        %mul3A_1070 = arith.mulf %add3A_1037, %div3A : vector<16xf32>
        %add3A_1071 = arith.addf %get3A_1069, %mul3A_1070 : vector<16xf32>
        %swap3A_1072 = arith.index_cast %scan3A_234 : i32 to index
        %swap3A_1073 = arith.constant 32 : index
        %swap3A_1074 = tpu.vector_load %arg11[%swap3A_1072, %swap3A_1073] {strides = array<i32>} : memref<32x128xf32, #tpu.memory_space<vmem>>, vector<16xf32>,
        tpu.vector_store %arg11[%swap3A_1072, %swap3A_1073], %add3A_1071 {strides = array<i32>} : memref<32x128xf32, #tpu.memory_space<vmem>>, vector<16xf32>,
        %get3A_1075 = arith.index_cast %scan3A_234 : i32 to index
        %get3A_1076 = arith.constant 48 : index
        %get3A_1077 = tpu.vector_load %arg10[%get3A_1075, %get3A_1076] {strides = array<i32>} : memref<32x128xf32, #tpu.memory_space<vmem>>, vector<16xf32>,
        %mul3A_1078 = arith.mulf %add3A_1041, %div3A : vector<16xf32>
        %add3A_1079 = arith.addf %get3A_1077, %mul3A_1078 : vector<16xf32>
        %swap3A_1080 = arith.index_cast %scan3A_234 : i32 to index
        %swap3A_1081 = arith.constant 48 : index
        %swap3A_1082 = tpu.vector_load %arg11[%swap3A_1080, %swap3A_1081] {strides = array<i32>} : memref<32x128xf32, #tpu.memory_space<vmem>>, vector<16xf32>,
        tpu.vector_store %arg11[%swap3A_1080, %swap3A_1081], %add3A_1079 {strides = array<i32>} : memref<32x128xf32, #tpu.memory_space<vmem>>, vector<16xf32>,
        %get3A_1083 = arith.index_cast %scan3A_234 : i32 to index
        %get3A_1084 = arith.constant 64 : index
        %get3A_1085 = tpu.vector_load %arg10[%get3A_1083, %get3A_1084] {strides = array<i32>} : memref<32x128xf32, #tpu.memory_space<vmem>>, vector<16xf32>,
        %mul3A_1086 = arith.mulf %add3A_1045, %div3A : vector<16xf32>
        %add3A_1087 = arith.addf %get3A_1085, %mul3A_1086 : vector<16xf32>
        %swap3A_1088 = arith.index_cast %scan3A_234 : i32 to index
        %swap3A_1089 = arith.constant 64 : index
        %swap3A_1090 = tpu.vector_load %arg11[%swap3A_1088, %swap3A_1089] {strides = array<i32>} : memref<32x128xf32, #tpu.memory_space<vmem>>, vector<16xf32>,
        tpu.vector_store %arg11[%swap3A_1088, %swap3A_1089], %add3A_1087 {strides = array<i32>} : memref<32x128xf32, #tpu.memory_space<vmem>>, vector<16xf32>,
        %get3A_1091 = arith.index_cast %scan3A_234 : i32 to index
        %get3A_1092 = arith.constant 80 : index
        %get3A_1093 = tpu.vector_load %arg10[%get3A_1091, %get3A_1092] {strides = array<i32>} : memref<32x128xf32, #tpu.memory_space<vmem>>, vector<16xf32>,
        %mul3A_1094 = arith.mulf %add3A_1049, %div3A : vector<16xf32>
        %add3A_1095 = arith.addf %get3A_1093, %mul3A_1094 : vector<16xf32>
        %swap3A_1096 = arith.index_cast %scan3A_234 : i32 to index
        %swap3A_1097 = arith.constant 80 : index
        %swap3A_1098 = tpu.vector_load %arg11[%swap3A_1096, %swap3A_1097] {strides = array<i32>} : memref<32x128xf32, #tpu.memory_space<vmem>>, vector<16xf32>,
        tpu.vector_store %arg11[%swap3A_1096, %swap3A_1097], %add3A_1095 {strides = array<i32>} : memref<32x128xf32, #tpu.memory_space<vmem>>, vector<16xf32>,
      }
      %scan3A_159 = arith.constant 32 : i32
      %dma_start3A_160 = arith.constant 0 : i32
      %dma_start3A_161 = tpu.memref_slice %arg6[%add3A_151, %dma_start3A_160] : memref<8192x128xf32, #tpu.memory_space<hbm>> -> memref<32x128xf32, #tpu.memory_space<hbm>>
      %dma_start3A_162 = arith.constant 0 : i32
      %dma_start3A_163 = tpu.memref_slice %arg6[%add3A_151, %dma_start3A_162] : memref<8192x128xf32, #tpu.memory_space<hbm>> -> memref<32x128xf32, #tpu.memory_space<hbm>>
      tpu.enqueue_dma source(%arg11 : memref<32x128xf32, #tpu.memory_space<vmem>>) target(%dma_start3A_163 : memref<32x128xf32, #tpu.memory_space<hbm>>) target_semaphore(%arg20 : memref<!tpu.dma_semaphore, #tpu.memory_space<semaphore_mem>>)
      %lt3A_164 = arith.constant 3 : i32
      %lt3A_165 = arith.cmpi slt, %scan3A_56, %lt3A_164 : i32
      %convert_element_type3A_166 = arith.extui %lt3A_165 : i1 to i32
      %cond3A_167 = arith.constant 0 : i32
      %cond3A_168 = arith.cmpi ne, %convert_element_type3A_166, %cond3A_167 : i32
      scf.if %cond3A_168 {
        %add3A_234 = arith.constant 2 : i32
        %add3A_235 = arith.addi %mul3A_58, %add3A_234 : i32
        %mul3A_236 = arith.constant 32 : i32
        %mul3A_237 = arith.muli %add3A_235, %mul3A_236 : i32
        %add3A_238 = arith.addi %mul3A_2, %mul3A_237 : i32
        %mul3A_239 = arith.constant 8 : i32
        %mul3A_240 = arith.muli %add3A_238, %mul3A_239 : i32
        "tpu.region"() ({
          %run_scoped3A = tpu.sem_alloc : memref<!tpu.dma_semaphore, #tpu.memory_space<semaphore_mem>>
          %dma_start3A_281 = tpu.memref_slice %arg4[%mul3A_240] : memref<65536xi32, #tpu.memory_space<hbm>> -> memref<256xi32, #tpu.memory_space<hbm>>
          %dma_start3A_282 = tpu.memref_slice %arg4[%mul3A_240] : memref<65536xi32, #tpu.memory_space<hbm>> -> memref<256xi32, #tpu.memory_space<hbm>>
          tpu.enqueue_dma source(%dma_start3A_282 : memref<256xi32, #tpu.memory_space<hbm>>) target(%arg7 : memref<256xi32, #tpu.memory_space<vmem>>) target_semaphore(%run_scoped3A : memref<!tpu.dma_semaphore, #tpu.memory_space<semaphore_mem>>)
          %dma_wait3A_283 = tpu.memref_slice %arg4[%mul3A_240] : memref<65536xi32, #tpu.memory_space<hbm>> -> memref<256xi32, #tpu.memory_space<hbm>>
          %dma_wait3A_284 = tpu.memref_slice %arg4[%mul3A_240] : memref<65536xi32, #tpu.memory_space<hbm>> -> memref<256xi32, #tpu.memory_space<hbm>>
          tpu.wait_dma2 semaphore(%run_scoped3A : memref<!tpu.dma_semaphore, #tpu.memory_space<semaphore_mem>>) src(%dma_wait3A_284 : memref<256xi32, #tpu.memory_space<hbm>>) dst(%arg7 : memref<256xi32, #tpu.memory_space<vmem>>)
          tpu.yield
        }) : () -> ()
        %dma_start3A_241 = arith.constant 0 : i32
        %dma_start3A_242 = arith.constant 0 : i32
        %dma_start3A_243 = tpu.memref_slice %arg9[%dma_start3A_241, %dma_start3A_242] : memref<256x128xi32, #tpu.memory_space<vmem>> -> memref<128x128xi32, #tpu.memory_space<vmem>>
        %dma_start3A_244 = arith.constant 0 : i32
        %dma_start3A_245 = tpu.memref_slice %arg7[%dma_start3A_244] : memref<256xi32, #tpu.memory_space<vmem>> -> memref<128xi32, #tpu.memory_space<vmem>>
        %dma_start3A_246 = arith.constant 0 : i32
        %dma_start3A_247 = arith.constant 0 : i32
        %dma_start3A_248 = tpu.memref_slice %arg3[%dma_start3A_246, %dma_start3A_247] : memref<8192x128xi32, #tpu.memory_space<hbm>> -> memref<8192x128xi32, #tpu.memory_space<hbm>>
        tpu.enqueue_indirect_dma source(%dma_start3A_248 : memref<8192x128xi32, #tpu.memory_space<hbm>>) target(%dma_start3A_243 : memref<128x128xi32, #tpu.memory_space<vmem>>) offsets(%dma_start3A_245 : memref<128xi32, #tpu.memory_space<vmem>>) semaphore(%arg17 : memref<!tpu.dma_semaphore, #tpu.memory_space<semaphore_mem>>)
        %dma_start3A_249 = arith.constant 128 : i32
        %dma_start3A_250 = arith.constant 0 : i32
        %dma_start3A_251 = tpu.memref_slice %arg9[%dma_start3A_249, %dma_start3A_250] : memref<256x128xi32, #tpu.memory_space<vmem>> -> memref<128x128xi32, #tpu.memory_space<vmem>>
        %dma_start3A_252 = arith.constant 128 : i32
        %dma_start3A_253 = tpu.memref_slice %arg7[%dma_start3A_252] : memref<256xi32, #tpu.memory_space<vmem>> -> memref<128xi32, #tpu.memory_space<vmem>>
        %dma_start3A_254 = arith.constant 0 : i32
        %dma_start3A_255 = arith.constant 0 : i32
        %dma_start3A_256 = tpu.memref_slice %arg3[%dma_start3A_254, %dma_start3A_255] : memref<8192x128xi32, #tpu.memory_space<hbm>> -> memref<8192x128xi32, #tpu.memory_space<hbm>>
        tpu.enqueue_indirect_dma source(%dma_start3A_256 : memref<8192x128xi32, #tpu.memory_space<hbm>>) target(%dma_start3A_251 : memref<128x128xi32, #tpu.memory_space<vmem>>) offsets(%dma_start3A_253 : memref<128xi32, #tpu.memory_space<vmem>>) semaphore(%arg17 : memref<!tpu.dma_semaphore, #tpu.memory_space<semaphore_mem>>)
        %dma_start3A_257 = arith.constant 0 : i32
        %dma_start3A_258 = tpu.memref_slice %arg2[%add3A_238, %dma_start3A_257] : memref<8192x128xf32, #tpu.memory_space<hbm>> -> memref<32x128xf32, #tpu.memory_space<hbm>>
        %dma_start3A_259 = arith.constant 0 : i32
        %dma_start3A_260 = tpu.memref_slice %arg2[%add3A_238, %dma_start3A_259] : memref<8192x128xf32, #tpu.memory_space<hbm>> -> memref<32x128xf32, #tpu.memory_space<hbm>>
        tpu.enqueue_dma source(%dma_start3A_260 : memref<32x128xf32, #tpu.memory_space<hbm>>) target(%arg8 : memref<32x128xf32, #tpu.memory_space<vmem>>) target_semaphore(%arg18 : memref<!tpu.dma_semaphore, #tpu.memory_space<semaphore_mem>>)
        %jit3A_261 = arith.constant 4096 : i32
        %eq3A_262 = arith.constant 0 : i32
        %eq3A_263 = arith.cmpi eq, %jit3A_261, %eq3A_262 : i32
        %jit3A_264 = arith.constant 1 : i32
        %select_n3A_265 = arith.select %eq3A_263, %jit3A_264, %jit3A_261 : i32
        %rem3A_266 = arith.remsi %add3A_238, %select_n3A_265 : i32
        %ne3A_267 = arith.constant 0 : i32
        %ne3A_268 = arith.cmpi ne, %rem3A_266, %ne3A_267 : i32
        %lt3A_269 = arith.constant 0 : i32
        %lt3A_270 = arith.cmpi slt, %rem3A_266, %lt3A_269 : i32
        %lt3A_271 = arith.constant 0 : i32
        %lt3A_272 = arith.cmpi slt, %select_n3A_265, %lt3A_271 : i32
        %ne3A_273 = arith.xori %lt3A_270, %lt3A_272 : i1
        %and3A_274 = arith.andi %ne3A_273, %ne3A_268 : i1
        %add3A_275 = arith.addi %rem3A_266, %select_n3A_265 : i32
        %select_n3A_276 = arith.select %and3A_274, %add3A_275, %rem3A_266 : i32
        %dma_start3A_277 = arith.constant 0 : i32
        %dma_start3A_278 = tpu.memref_slice %arg5[%select_n3A_276, %dma_start3A_277] : memref<4096x128xf32, #tpu.memory_space<hbm>> -> memref<32x128xf32, #tpu.memory_space<hbm>>
        %dma_start3A_279 = arith.constant 0 : i32
        %dma_start3A_280 = tpu.memref_slice %arg5[%select_n3A_276, %dma_start3A_279] : memref<4096x128xf32, #tpu.memory_space<hbm>> -> memref<32x128xf32, #tpu.memory_space<hbm>>
        tpu.enqueue_dma source(%dma_start3A_280 : memref<32x128xf32, #tpu.memory_space<hbm>>) target(%arg10 : memref<32x128xf32, #tpu.memory_space<vmem>>) target_semaphore(%arg19 : memref<!tpu.dma_semaphore, #tpu.memory_space<semaphore_mem>>)
      } else {
      }
      %add3A_169 = arith.constant 1 : i32
      %add3A_170 = arith.addi %mul3A_58, %add3A_169 : i32
      %mul3A_171 = arith.constant 32 : i32
      %mul3A_172 = arith.muli %add3A_170, %mul3A_171 : i32
      %add3A_173 = arith.addi %mul3A_2, %mul3A_172 : i32
      %dma_wait3A_174 = arith.constant 0 : i32
      %dma_wait3A_175 = arith.constant 0 : i32
      %dma_wait3A_176 = tpu.memref_slice %arg14[%dma_wait3A_174, %dma_wait3A_175] : memref<256x128xi32, #tpu.memory_space<vmem>> -> memref<128x128xi32, #tpu.memory_space<vmem>>
      %dma_wait3A_177 = arith.constant 0 : i32
      %dma_wait3A_178 = tpu.memref_slice %arg12[%dma_wait3A_177] : memref<256xi32, #tpu.memory_space<vmem>> -> memref<128xi32, #tpu.memory_space<vmem>>
      %dma_wait3A_179 = arith.constant 0 : i32
      %dma_wait3A_180 = arith.constant 0 : i32
      %dma_wait3A_181 = tpu.memref_slice %arg3[%dma_wait3A_179, %dma_wait3A_180] : memref<8192x128xi32, #tpu.memory_space<hbm>> -> memref<8192x128xi32, #tpu.memory_space<hbm>>
      tpu.wait_indirect_dma semaphore(%arg21 : memref<!tpu.dma_semaphore, #tpu.memory_space<semaphore_mem>>) src(%dma_wait3A_181 : memref<8192x128xi32, #tpu.memory_space<hbm>>) dst(%dma_wait3A_176 : memref<128x128xi32, #tpu.memory_space<vmem>>)
      %dma_wait3A_182 = arith.constant 128 : i32
      %dma_wait3A_183 = arith.constant 0 : i32
      %dma_wait3A_184 = tpu.memref_slice %arg14[%dma_wait3A_182, %dma_wait3A_183] : memref<256x128xi32, #tpu.memory_space<vmem>> -> memref<128x128xi32, #tpu.memory_space<vmem>>
      %dma_wait3A_185 = arith.constant 128 : i32
      %dma_wait3A_186 = tpu.memref_slice %arg12[%dma_wait3A_185] : memref<256xi32, #tpu.memory_space<vmem>> -> memref<128xi32, #tpu.memory_space<vmem>>
      %dma_wait3A_187 = arith.constant 0 : i32
      %dma_wait3A_188 = arith.constant 0 : i32
      %dma_wait3A_189 = tpu.memref_slice %arg3[%dma_wait3A_187, %dma_wait3A_188] : memref<8192x128xi32, #tpu.memory_space<hbm>> -> memref<8192x128xi32, #tpu.memory_space<hbm>>
      tpu.wait_indirect_dma semaphore(%arg21 : memref<!tpu.dma_semaphore, #tpu.memory_space<semaphore_mem>>) src(%dma_wait3A_189 : memref<8192x128xi32, #tpu.memory_space<hbm>>) dst(%dma_wait3A_184 : memref<128x128xi32, #tpu.memory_space<vmem>>)
      %dma_wait3A_190 = arith.constant 0 : i32
      %dma_wait3A_191 = tpu.memref_slice %arg2[%add3A_173, %dma_wait3A_190] : memref<8192x128xf32, #tpu.memory_space<hbm>> -> memref<32x128xf32, #tpu.memory_space<hbm>>
      %dma_wait3A_192 = arith.constant 0 : i32
      %dma_wait3A_193 = tpu.memref_slice %arg2[%add3A_173, %dma_wait3A_192] : memref<8192x128xf32, #tpu.memory_space<hbm>> -> memref<32x128xf32, #tpu.memory_space<hbm>>
      tpu.wait_dma2 semaphore(%arg22 : memref<!tpu.dma_semaphore, #tpu.memory_space<semaphore_mem>>) src(%dma_wait3A_193 : memref<32x128xf32, #tpu.memory_space<hbm>>) dst(%arg13 : memref<32x128xf32, #tpu.memory_space<vmem>>)
      %jit3A_194 = arith.constant 4096 : i32
      %eq3A_195 = arith.constant 0 : i32
      %eq3A_196 = arith.cmpi eq, %jit3A_194, %eq3A_195 : i32
      %jit3A_197 = arith.constant 1 : i32
      %select_n3A_198 = arith.select %eq3A_196, %jit3A_197, %jit3A_194 : i32
      %rem3A_199 = arith.remsi %add3A_173, %select_n3A_198 : i32
      %ne3A_200 = arith.constant 0 : i32
      %ne3A_201 = arith.cmpi ne, %rem3A_199, %ne3A_200 : i32
      %lt3A_202 = arith.constant 0 : i32
      %lt3A_203 = arith.cmpi slt, %rem3A_199, %lt3A_202 : i32
      %lt3A_204 = arith.constant 0 : i32
      %lt3A_205 = arith.cmpi slt, %select_n3A_198, %lt3A_204 : i32
      %ne3A_206 = arith.xori %lt3A_203, %lt3A_205 : i1
      %and3A_207 = arith.andi %ne3A_206, %ne3A_201 : i1
      %add3A_208 = arith.addi %rem3A_199, %select_n3A_198 : i32
      %select_n3A_209 = arith.select %and3A_207, %add3A_208, %rem3A_199 : i32
      %dma_wait3A_210 = arith.constant 0 : i32
      %dma_wait3A_211 = tpu.memref_slice %arg5[%select_n3A_209, %dma_wait3A_210] : memref<4096x128xf32, #tpu.memory_space<hbm>> -> memref<32x128xf32, #tpu.memory_space<hbm>>
      %dma_wait3A_212 = arith.constant 0 : i32
      %dma_wait3A_213 = tpu.memref_slice %arg5[%select_n3A_209, %dma_wait3A_212] : memref<4096x128xf32, #tpu.memory_space<hbm>> -> memref<32x128xf32, #tpu.memory_space<hbm>>
      tpu.wait_dma2 semaphore(%arg23 : memref<!tpu.dma_semaphore, #tpu.memory_space<semaphore_mem>>) src(%dma_wait3A_213 : memref<32x128xf32, #tpu.memory_space<hbm>>) dst(%arg15 : memref<32x128xf32, #tpu.memory_space<vmem>>)
      %add3A_214 = arith.constant 1 : i32
      %add3A_215 = arith.addi %mul3A_58, %add3A_214 : i32
      %mul3A_216 = arith.constant 32 : i32
      %mul3A_217 = arith.muli %add3A_215, %mul3A_216 : i32
      %add3A_218 = arith.addi %mul3A_2, %mul3A_217 : i32
      %ge3A_219 = arith.constant 2 : i32
      %ge3A_220 = arith.cmpi sge, %add3A_215, %ge3A_219 : i32
      %convert_element_type3A_221 = arith.extui %ge3A_220 : i1 to i32
      %cond3A_222 = arith.constant 0 : i32
      %cond3A_223 = arith.cmpi ne, %convert_element_type3A_221, %cond3A_222 : i32
      scf.if %cond3A_223 {
        %sub3A = arith.constant 2 : i32
        %sub3A_234 = arith.subi %add3A_215, %sub3A : i32
        %mul3A_235 = arith.constant 32 : i32
        %mul3A_236 = arith.muli %sub3A_234, %mul3A_235 : i32
        %add3A_237 = arith.addi %mul3A_2, %mul3A_236 : i32
        %dma_wait3A_238 = arith.constant 0 : i32
        %dma_wait3A_239 = tpu.memref_slice %arg6[%add3A_237, %dma_wait3A_238] : memref<8192x128xf32, #tpu.memory_space<hbm>> -> memref<32x128xf32, #tpu.memory_space<hbm>>
        %dma_wait3A_240 = arith.constant 0 : i32
        %dma_wait3A_241 = tpu.memref_slice %arg6[%add3A_237, %dma_wait3A_240] : memref<8192x128xf32, #tpu.memory_space<hbm>> -> memref<32x128xf32, #tpu.memory_space<hbm>>
        tpu.wait_dma2 semaphore(%arg24 : memref<!tpu.dma_semaphore, #tpu.memory_space<semaphore_mem>>) src(%arg16 : memref<32x128xf32, #tpu.memory_space<vmem>>) dst(%dma_wait3A_241 : memref<32x128xf32, #tpu.memory_space<hbm>>)
      } else {
      }
      %scan3A_224 = arith.constant 0 : i32
      %scan3A_225 = arith.constant 0 : i32
      %scan3A_226 = arith.constant 32 : i32
      %scan3A_227 = arith.addi %scan3A_225, %scan3A_226 : i32
      %scan3A_228 = arith.constant 1 : i32
      scf.for %scan3A_234 = %scan3A_225 to %scan3A_227 step %scan3A_228  : i32 {
        %mul3A_235 = arith.constant 8 : i32
        %mul3A_236 = arith.muli %scan3A_234, %mul3A_235 : i32
        %get3A = arith.index_cast %scan3A_234 : i32 to index
        %get3A_237 = arith.constant 0 : index
        %get3A_238 = tpu.vector_load %arg13[%get3A, %get3A_237] {strides = array<i32>} : memref<32x128xf32, #tpu.memory_space<vmem>>, vector<16xf32>,
        %mul3A_239 = arith.constant 0.102062076 : f32
        %mul3A_240 = vector.broadcast %mul3A_239 : f32 to vector<16xf32>
        %mul3A_241 = arith.mulf %get3A_238, %mul3A_240 : vector<16xf32>
        %get3A_242 = arith.index_cast %scan3A_234 : i32 to index
        %get3A_243 = arith.constant 16 : index
        %get3A_244 = tpu.vector_load %arg13[%get3A_242, %get3A_243] {strides = array<i32>} : memref<32x128xf32, #tpu.memory_space<vmem>>, vector<16xf32>,
        %mul3A_245 = arith.constant 0.102062076 : f32
        %mul3A_246 = vector.broadcast %mul3A_245 : f32 to vector<16xf32>
        %mul3A_247 = arith.mulf %get3A_244, %mul3A_246 : vector<16xf32>
        %get3A_248 = arith.index_cast %scan3A_234 : i32 to index
        %get3A_249 = arith.constant 32 : index
        %get3A_250 = tpu.vector_load %arg13[%get3A_248, %get3A_249] {strides = array<i32>} : memref<32x128xf32, #tpu.memory_space<vmem>>, vector<16xf32>,
        %mul3A_251 = arith.constant 0.102062076 : f32
        %mul3A_252 = vector.broadcast %mul3A_251 : f32 to vector<16xf32>
        %mul3A_253 = arith.mulf %get3A_250, %mul3A_252 : vector<16xf32>
        %get3A_254 = arith.index_cast %scan3A_234 : i32 to index
        %get3A_255 = arith.constant 48 : index
        %get3A_256 = tpu.vector_load %arg13[%get3A_254, %get3A_255] {strides = array<i32>} : memref<32x128xf32, #tpu.memory_space<vmem>>, vector<16xf32>,
        %mul3A_257 = arith.constant 0.102062076 : f32
        %mul3A_258 = vector.broadcast %mul3A_257 : f32 to vector<16xf32>
        %mul3A_259 = arith.mulf %get3A_256, %mul3A_258 : vector<16xf32>
        %get3A_260 = arith.index_cast %scan3A_234 : i32 to index
        %get3A_261 = arith.constant 64 : index
        %get3A_262 = tpu.vector_load %arg13[%get3A_260, %get3A_261] {strides = array<i32>} : memref<32x128xf32, #tpu.memory_space<vmem>>, vector<16xf32>,
        %mul3A_263 = arith.constant 0.102062076 : f32
        %mul3A_264 = vector.broadcast %mul3A_263 : f32 to vector<16xf32>
        %mul3A_265 = arith.mulf %get3A_262, %mul3A_264 : vector<16xf32>
        %get3A_266 = arith.index_cast %scan3A_234 : i32 to index
        %get3A_267 = arith.constant 80 : index
        %get3A_268 = tpu.vector_load %arg13[%get3A_266, %get3A_267] {strides = array<i32>} : memref<32x128xf32, #tpu.memory_space<vmem>>, vector<16xf32>,
        %mul3A_269 = arith.constant 0.102062076 : f32
        %mul3A_270 = vector.broadcast %mul3A_269 : f32 to vector<16xf32>
        %mul3A_271 = arith.mulf %get3A_268, %mul3A_270 : vector<16xf32>
        %broadcast_in_dim3A_272 = arith.constant 0.000000e+00 : f32
        %broadcast_in_dim3A_273 = vector.broadcast %broadcast_in_dim3A_272 : f32 to vector<16xf32>
        %broadcast_in_dim3A_274 = arith.constant 0.000000e+00 : f32
        %broadcast_in_dim3A_275 = vector.broadcast %broadcast_in_dim3A_274 : f32 to vector<16xf32>
        %broadcast_in_dim3A_276 = arith.constant 0.000000e+00 : f32
        %broadcast_in_dim3A_277 = vector.broadcast %broadcast_in_dim3A_276 : f32 to vector<16xf32>
        %broadcast_in_dim3A_278 = arith.constant 0.000000e+00 : f32
        %broadcast_in_dim3A_279 = vector.broadcast %broadcast_in_dim3A_278 : f32 to vector<16xf32>
        %broadcast_in_dim3A_280 = arith.constant 0.000000e+00 : f32
        %broadcast_in_dim3A_281 = vector.broadcast %broadcast_in_dim3A_280 : f32 to vector<16xf32>
        %broadcast_in_dim3A_282 = arith.constant 0.000000e+00 : f32
        %broadcast_in_dim3A_283 = vector.broadcast %broadcast_in_dim3A_282 : f32 to vector<16xf32>
        %broadcast_in_dim3A_284 = arith.constant 0.000000e+00 : f32
        %broadcast_in_dim3A_285 = vector.broadcast %broadcast_in_dim3A_284 : f32 to vector<16xf32>
        %add3A_286 = arith.constant 0 : i32
        %add3A_287 = arith.addi %mul3A_236, %add3A_286 : i32
        %get3A_288 = arith.index_cast %add3A_287 : i32 to index
        %get3A_289 = arith.constant 0 : index
        %get3A_290 = tpu.vector_load %arg14[%get3A_288, %get3A_289] {strides = array<i32>} : memref<256x128xi32, #tpu.memory_space<vmem>>, vector<16xi32>,
        %add3A_291 = arith.constant 0 : i32
        %add3A_292 = arith.addi %mul3A_236, %add3A_291 : i32
        %get3A_293 = arith.index_cast %add3A_292 : i32 to index
        %get3A_294 = arith.constant 16 : index
        %get3A_295 = tpu.vector_load %arg14[%get3A_293, %get3A_294] {strides = array<i32>} : memref<256x128xi32, #tpu.memory_space<vmem>>, vector<16xi32>,
        %add3A_296 = arith.constant 0 : i32
        %add3A_297 = arith.addi %mul3A_236, %add3A_296 : i32
        %get3A_298 = arith.index_cast %add3A_297 : i32 to index
        %get3A_299 = arith.constant 32 : index
        %get3A_300 = tpu.vector_load %arg14[%get3A_298, %get3A_299] {strides = array<i32>} : memref<256x128xi32, #tpu.memory_space<vmem>>, vector<16xi32>,
        %add3A_301 = arith.constant 0 : i32
        %add3A_302 = arith.addi %mul3A_236, %add3A_301 : i32
        %get3A_303 = arith.index_cast %add3A_302 : i32 to index
        %get3A_304 = arith.constant 48 : index
        %get3A_305 = tpu.vector_load %arg14[%get3A_303, %get3A_304] {strides = array<i32>} : memref<256x128xi32, #tpu.memory_space<vmem>>, vector<16xi32>,
        %add3A_306 = arith.constant 0 : i32
        %add3A_307 = arith.addi %mul3A_236, %add3A_306 : i32
        %get3A_308 = arith.index_cast %add3A_307 : i32 to index
        %get3A_309 = arith.constant 64 : index
        %get3A_310 = tpu.vector_load %arg14[%get3A_308, %get3A_309] {strides = array<i32>} : memref<256x128xi32, #tpu.memory_space<vmem>>, vector<16xi32>,
        %add3A_311 = arith.constant 0 : i32
        %add3A_312 = arith.addi %mul3A_236, %add3A_311 : i32
        %get3A_313 = arith.index_cast %add3A_312 : i32 to index
        %get3A_314 = arith.constant 80 : index
        %get3A_315 = tpu.vector_load %arg14[%get3A_313, %get3A_314] {strides = array<i32>} : memref<256x128xi32, #tpu.memory_space<vmem>>, vector<16xi32>,
        %shift_left3A = arith.constant 16 : i32
        %shift_left3A_316 = vector.broadcast %shift_left3A : i32 to vector<16xi32>
        %shift_left3A_317 = arith.shli %get3A_290, %shift_left3A_316 : vector<16xi32>
        %bitcast3A = vector.bitcast %shift_left3A_317 : vector<16xi32> to vector<16xf32>
        %mul3A_318 = arith.mulf %mul3A_241, %bitcast3A : vector<16xf32>
        %shift_left3A_319 = arith.constant 16 : i32
        %shift_left3A_320 = vector.broadcast %shift_left3A_319 : i32 to vector<16xi32>
        %shift_left3A_321 = arith.shli %get3A_295, %shift_left3A_320 : vector<16xi32>
        %bitcast3A_322 = vector.bitcast %shift_left3A_321 : vector<16xi32> to vector<16xf32>
        %mul3A_323 = arith.mulf %mul3A_247, %bitcast3A_322 : vector<16xf32>
        %add3A_324 = arith.addf %mul3A_318, %mul3A_323 : vector<16xf32>
        %shift_left3A_325 = arith.constant 16 : i32
        %shift_left3A_326 = vector.broadcast %shift_left3A_325 : i32 to vector<16xi32>
        %shift_left3A_327 = arith.shli %get3A_300, %shift_left3A_326 : vector<16xi32>
        %bitcast3A_328 = vector.bitcast %shift_left3A_327 : vector<16xi32> to vector<16xf32>
        %mul3A_329 = arith.mulf %mul3A_253, %bitcast3A_328 : vector<16xf32>
        %add3A_330 = arith.addf %add3A_324, %mul3A_329 : vector<16xf32>
        %shift_left3A_331 = arith.constant 16 : i32
        %shift_left3A_332 = vector.broadcast %shift_left3A_331 : i32 to vector<16xi32>
        %shift_left3A_333 = arith.shli %get3A_305, %shift_left3A_332 : vector<16xi32>
        %bitcast3A_334 = vector.bitcast %shift_left3A_333 : vector<16xi32> to vector<16xf32>
        %mul3A_335 = arith.mulf %mul3A_259, %bitcast3A_334 : vector<16xf32>
        %add3A_336 = arith.addf %add3A_330, %mul3A_335 : vector<16xf32>
        %shift_left3A_337 = arith.constant 16 : i32
        %shift_left3A_338 = vector.broadcast %shift_left3A_337 : i32 to vector<16xi32>
        %shift_left3A_339 = arith.shli %get3A_310, %shift_left3A_338 : vector<16xi32>
        %bitcast3A_340 = vector.bitcast %shift_left3A_339 : vector<16xi32> to vector<16xf32>
        %mul3A_341 = arith.mulf %mul3A_265, %bitcast3A_340 : vector<16xf32>
        %add3A_342 = arith.addf %add3A_336, %mul3A_341 : vector<16xf32>
        %shift_left3A_343 = arith.constant 16 : i32
        %shift_left3A_344 = vector.broadcast %shift_left3A_343 : i32 to vector<16xi32>
        %shift_left3A_345 = arith.shli %get3A_315, %shift_left3A_344 : vector<16xi32>
        %bitcast3A_346 = vector.bitcast %shift_left3A_345 : vector<16xi32> to vector<16xf32>
        %mul3A_347 = arith.mulf %mul3A_271, %bitcast3A_346 : vector<16xf32>
        %add3A_348 = arith.addf %add3A_342, %mul3A_347 : vector<16xf32>
        %reduce_sum3A = arith.constant true
        %reduce_sum3A_349 = vector.broadcast %reduce_sum3A : i1 to vector<16xi1>
        %reduce_sum3A_350 = tpu.scan <sum>, %add3A_348 masked %reduce_sum3A_349 : vector<16xf32>, vector<16xi1> -> vector<16xf32>
        %reduce_sum3A_351 = vector.extract %reduce_sum3A_350[15] : f32 from vector<16xf32>
        %broadcast_in_dim3A_352 = vector.broadcast %reduce_sum3A_351 : f32 to vector<16xf32>
        %exp3A = math.exp %broadcast_in_dim3A_352 : vector<16xf32>
        %add3A_353 = arith.addf %broadcast_in_dim3A_273, %exp3A : vector<16xf32>
        %and3A_354 = arith.andi %get3A_290, %broadcast_in_dim3A_3 : vector<16xi32>
        %bitcast3A_355 = vector.bitcast %and3A_354 : vector<16xi32> to vector<16xf32>
        %mul3A_356 = arith.mulf %exp3A, %bitcast3A_355 : vector<16xf32>
        %add3A_357 = arith.addf %broadcast_in_dim3A_275, %mul3A_356 : vector<16xf32>
        %and3A_358 = arith.andi %get3A_295, %broadcast_in_dim3A_3 : vector<16xi32>
        %bitcast3A_359 = vector.bitcast %and3A_358 : vector<16xi32> to vector<16xf32>
        %mul3A_360 = arith.mulf %exp3A, %bitcast3A_359 : vector<16xf32>
        %add3A_361 = arith.addf %broadcast_in_dim3A_277, %mul3A_360 : vector<16xf32>
        %and3A_362 = arith.andi %get3A_300, %broadcast_in_dim3A_3 : vector<16xi32>
        %bitcast3A_363 = vector.bitcast %and3A_362 : vector<16xi32> to vector<16xf32>
        %mul3A_364 = arith.mulf %exp3A, %bitcast3A_363 : vector<16xf32>
        %add3A_365 = arith.addf %broadcast_in_dim3A_279, %mul3A_364 : vector<16xf32>
        %and3A_366 = arith.andi %get3A_305, %broadcast_in_dim3A_3 : vector<16xi32>
        %bitcast3A_367 = vector.bitcast %and3A_366 : vector<16xi32> to vector<16xf32>
        %mul3A_368 = arith.mulf %exp3A, %bitcast3A_367 : vector<16xf32>
        %add3A_369 = arith.addf %broadcast_in_dim3A_281, %mul3A_368 : vector<16xf32>
        %and3A_370 = arith.andi %get3A_310, %broadcast_in_dim3A_3 : vector<16xi32>
        %bitcast3A_371 = vector.bitcast %and3A_370 : vector<16xi32> to vector<16xf32>
        %mul3A_372 = arith.mulf %exp3A, %bitcast3A_371 : vector<16xf32>
        %add3A_373 = arith.addf %broadcast_in_dim3A_283, %mul3A_372 : vector<16xf32>
        %and3A_374 = arith.andi %get3A_315, %broadcast_in_dim3A_3 : vector<16xi32>
        %bitcast3A_375 = vector.bitcast %and3A_374 : vector<16xi32> to vector<16xf32>
        %mul3A_376 = arith.mulf %exp3A, %bitcast3A_375 : vector<16xf32>
        %add3A_377 = arith.addf %broadcast_in_dim3A_285, %mul3A_376 : vector<16xf32>
        %add3A_378 = arith.constant 1 : i32
        %add3A_379 = arith.addi %mul3A_236, %add3A_378 : i32
        %get3A_380 = arith.index_cast %add3A_379 : i32 to index
        %get3A_381 = arith.constant 0 : index
        %get3A_382 = tpu.vector_load %arg14[%get3A_380, %get3A_381] {strides = array<i32>} : memref<256x128xi32, #tpu.memory_space<vmem>>, vector<16xi32>,
        %add3A_383 = arith.constant 1 : i32
        %add3A_384 = arith.addi %mul3A_236, %add3A_383 : i32
        %get3A_385 = arith.index_cast %add3A_384 : i32 to index
        %get3A_386 = arith.constant 16 : index
        %get3A_387 = tpu.vector_load %arg14[%get3A_385, %get3A_386] {strides = array<i32>} : memref<256x128xi32, #tpu.memory_space<vmem>>, vector<16xi32>,
        %add3A_388 = arith.constant 1 : i32
        %add3A_389 = arith.addi %mul3A_236, %add3A_388 : i32
        %get3A_390 = arith.index_cast %add3A_389 : i32 to index
        %get3A_391 = arith.constant 32 : index
        %get3A_392 = tpu.vector_load %arg14[%get3A_390, %get3A_391] {strides = array<i32>} : memref<256x128xi32, #tpu.memory_space<vmem>>, vector<16xi32>,
        %add3A_393 = arith.constant 1 : i32
        %add3A_394 = arith.addi %mul3A_236, %add3A_393 : i32
        %get3A_395 = arith.index_cast %add3A_394 : i32 to index
        %get3A_396 = arith.constant 48 : index
        %get3A_397 = tpu.vector_load %arg14[%get3A_395, %get3A_396] {strides = array<i32>} : memref<256x128xi32, #tpu.memory_space<vmem>>, vector<16xi32>,
        %add3A_398 = arith.constant 1 : i32
        %add3A_399 = arith.addi %mul3A_236, %add3A_398 : i32
        %get3A_400 = arith.index_cast %add3A_399 : i32 to index
        %get3A_401 = arith.constant 64 : index
        %get3A_402 = tpu.vector_load %arg14[%get3A_400, %get3A_401] {strides = array<i32>} : memref<256x128xi32, #tpu.memory_space<vmem>>, vector<16xi32>,
        %add3A_403 = arith.constant 1 : i32
        %add3A_404 = arith.addi %mul3A_236, %add3A_403 : i32
        %get3A_405 = arith.index_cast %add3A_404 : i32 to index
        %get3A_406 = arith.constant 80 : index
        %get3A_407 = tpu.vector_load %arg14[%get3A_405, %get3A_406] {strides = array<i32>} : memref<256x128xi32, #tpu.memory_space<vmem>>, vector<16xi32>,
        %shift_left3A_408 = arith.constant 16 : i32
        %shift_left3A_409 = vector.broadcast %shift_left3A_408 : i32 to vector<16xi32>
        %shift_left3A_410 = arith.shli %get3A_382, %shift_left3A_409 : vector<16xi32>
        %bitcast3A_411 = vector.bitcast %shift_left3A_410 : vector<16xi32> to vector<16xf32>
        %mul3A_412 = arith.mulf %mul3A_241, %bitcast3A_411 : vector<16xf32>
        %shift_left3A_413 = arith.constant 16 : i32
        %shift_left3A_414 = vector.broadcast %shift_left3A_413 : i32 to vector<16xi32>
        %shift_left3A_415 = arith.shli %get3A_387, %shift_left3A_414 : vector<16xi32>
        %bitcast3A_416 = vector.bitcast %shift_left3A_415 : vector<16xi32> to vector<16xf32>
        %mul3A_417 = arith.mulf %mul3A_247, %bitcast3A_416 : vector<16xf32>
        %add3A_418 = arith.addf %mul3A_412, %mul3A_417 : vector<16xf32>
        %shift_left3A_419 = arith.constant 16 : i32
        %shift_left3A_420 = vector.broadcast %shift_left3A_419 : i32 to vector<16xi32>
        %shift_left3A_421 = arith.shli %get3A_392, %shift_left3A_420 : vector<16xi32>
        %bitcast3A_422 = vector.bitcast %shift_left3A_421 : vector<16xi32> to vector<16xf32>
        %mul3A_423 = arith.mulf %mul3A_253, %bitcast3A_422 : vector<16xf32>
        %add3A_424 = arith.addf %add3A_418, %mul3A_423 : vector<16xf32>
        %shift_left3A_425 = arith.constant 16 : i32
        %shift_left3A_426 = vector.broadcast %shift_left3A_425 : i32 to vector<16xi32>
        %shift_left3A_427 = arith.shli %get3A_397, %shift_left3A_426 : vector<16xi32>
        %bitcast3A_428 = vector.bitcast %shift_left3A_427 : vector<16xi32> to vector<16xf32>
        %mul3A_429 = arith.mulf %mul3A_259, %bitcast3A_428 : vector<16xf32>
        %add3A_430 = arith.addf %add3A_424, %mul3A_429 : vector<16xf32>
        %shift_left3A_431 = arith.constant 16 : i32
        %shift_left3A_432 = vector.broadcast %shift_left3A_431 : i32 to vector<16xi32>
        %shift_left3A_433 = arith.shli %get3A_402, %shift_left3A_432 : vector<16xi32>
        %bitcast3A_434 = vector.bitcast %shift_left3A_433 : vector<16xi32> to vector<16xf32>
        %mul3A_435 = arith.mulf %mul3A_265, %bitcast3A_434 : vector<16xf32>
        %add3A_436 = arith.addf %add3A_430, %mul3A_435 : vector<16xf32>
        %shift_left3A_437 = arith.constant 16 : i32
        %shift_left3A_438 = vector.broadcast %shift_left3A_437 : i32 to vector<16xi32>
        %shift_left3A_439 = arith.shli %get3A_407, %shift_left3A_438 : vector<16xi32>
        %bitcast3A_440 = vector.bitcast %shift_left3A_439 : vector<16xi32> to vector<16xf32>
        %mul3A_441 = arith.mulf %mul3A_271, %bitcast3A_440 : vector<16xf32>
        %add3A_442 = arith.addf %add3A_436, %mul3A_441 : vector<16xf32>
        %reduce_sum3A_443 = arith.constant true
        %reduce_sum3A_444 = vector.broadcast %reduce_sum3A_443 : i1 to vector<16xi1>
        %reduce_sum3A_445 = tpu.scan <sum>, %add3A_442 masked %reduce_sum3A_444 : vector<16xf32>, vector<16xi1> -> vector<16xf32>
        %reduce_sum3A_446 = vector.extract %reduce_sum3A_445[15] : f32 from vector<16xf32>
        %broadcast_in_dim3A_447 = vector.broadcast %reduce_sum3A_446 : f32 to vector<16xf32>
        %exp3A_448 = math.exp %broadcast_in_dim3A_447 : vector<16xf32>
        %add3A_449 = arith.addf %add3A_353, %exp3A_448 : vector<16xf32>
        %and3A_450 = arith.andi %get3A_382, %broadcast_in_dim3A_3 : vector<16xi32>
        %bitcast3A_451 = vector.bitcast %and3A_450 : vector<16xi32> to vector<16xf32>
        %mul3A_452 = arith.mulf %exp3A_448, %bitcast3A_451 : vector<16xf32>
        %add3A_453 = arith.addf %add3A_357, %mul3A_452 : vector<16xf32>
        %and3A_454 = arith.andi %get3A_387, %broadcast_in_dim3A_3 : vector<16xi32>
        %bitcast3A_455 = vector.bitcast %and3A_454 : vector<16xi32> to vector<16xf32>
        %mul3A_456 = arith.mulf %exp3A_448, %bitcast3A_455 : vector<16xf32>
        %add3A_457 = arith.addf %add3A_361, %mul3A_456 : vector<16xf32>
        %and3A_458 = arith.andi %get3A_392, %broadcast_in_dim3A_3 : vector<16xi32>
        %bitcast3A_459 = vector.bitcast %and3A_458 : vector<16xi32> to vector<16xf32>
        %mul3A_460 = arith.mulf %exp3A_448, %bitcast3A_459 : vector<16xf32>
        %add3A_461 = arith.addf %add3A_365, %mul3A_460 : vector<16xf32>
        %and3A_462 = arith.andi %get3A_397, %broadcast_in_dim3A_3 : vector<16xi32>
        %bitcast3A_463 = vector.bitcast %and3A_462 : vector<16xi32> to vector<16xf32>
        %mul3A_464 = arith.mulf %exp3A_448, %bitcast3A_463 : vector<16xf32>
        %add3A_465 = arith.addf %add3A_369, %mul3A_464 : vector<16xf32>
        %and3A_466 = arith.andi %get3A_402, %broadcast_in_dim3A_3 : vector<16xi32>
        %bitcast3A_467 = vector.bitcast %and3A_466 : vector<16xi32> to vector<16xf32>
        %mul3A_468 = arith.mulf %exp3A_448, %bitcast3A_467 : vector<16xf32>
        %add3A_469 = arith.addf %add3A_373, %mul3A_468 : vector<16xf32>
        %and3A_470 = arith.andi %get3A_407, %broadcast_in_dim3A_3 : vector<16xi32>
        %bitcast3A_471 = vector.bitcast %and3A_470 : vector<16xi32> to vector<16xf32>
        %mul3A_472 = arith.mulf %exp3A_448, %bitcast3A_471 : vector<16xf32>
        %add3A_473 = arith.addf %add3A_377, %mul3A_472 : vector<16xf32>
        %add3A_474 = arith.constant 2 : i32
        %add3A_475 = arith.addi %mul3A_236, %add3A_474 : i32
        %get3A_476 = arith.index_cast %add3A_475 : i32 to index
        %get3A_477 = arith.constant 0 : index
        %get3A_478 = tpu.vector_load %arg14[%get3A_476, %get3A_477] {strides = array<i32>} : memref<256x128xi32, #tpu.memory_space<vmem>>, vector<16xi32>,
        %add3A_479 = arith.constant 2 : i32
        %add3A_480 = arith.addi %mul3A_236, %add3A_479 : i32
        %get3A_481 = arith.index_cast %add3A_480 : i32 to index
        %get3A_482 = arith.constant 16 : index
        %get3A_483 = tpu.vector_load %arg14[%get3A_481, %get3A_482] {strides = array<i32>} : memref<256x128xi32, #tpu.memory_space<vmem>>, vector<16xi32>,
        %add3A_484 = arith.constant 2 : i32
        %add3A_485 = arith.addi %mul3A_236, %add3A_484 : i32
        %get3A_486 = arith.index_cast %add3A_485 : i32 to index
        %get3A_487 = arith.constant 32 : index
        %get3A_488 = tpu.vector_load %arg14[%get3A_486, %get3A_487] {strides = array<i32>} : memref<256x128xi32, #tpu.memory_space<vmem>>, vector<16xi32>,
        %add3A_489 = arith.constant 2 : i32
        %add3A_490 = arith.addi %mul3A_236, %add3A_489 : i32
        %get3A_491 = arith.index_cast %add3A_490 : i32 to index
        %get3A_492 = arith.constant 48 : index
        %get3A_493 = tpu.vector_load %arg14[%get3A_491, %get3A_492] {strides = array<i32>} : memref<256x128xi32, #tpu.memory_space<vmem>>, vector<16xi32>,
        %add3A_494 = arith.constant 2 : i32
        %add3A_495 = arith.addi %mul3A_236, %add3A_494 : i32
        %get3A_496 = arith.index_cast %add3A_495 : i32 to index
        %get3A_497 = arith.constant 64 : index
        %get3A_498 = tpu.vector_load %arg14[%get3A_496, %get3A_497] {strides = array<i32>} : memref<256x128xi32, #tpu.memory_space<vmem>>, vector<16xi32>,
        %add3A_499 = arith.constant 2 : i32
        %add3A_500 = arith.addi %mul3A_236, %add3A_499 : i32
        %get3A_501 = arith.index_cast %add3A_500 : i32 to index
        %get3A_502 = arith.constant 80 : index
        %get3A_503 = tpu.vector_load %arg14[%get3A_501, %get3A_502] {strides = array<i32>} : memref<256x128xi32, #tpu.memory_space<vmem>>, vector<16xi32>,
        %shift_left3A_504 = arith.constant 16 : i32
        %shift_left3A_505 = vector.broadcast %shift_left3A_504 : i32 to vector<16xi32>
        %shift_left3A_506 = arith.shli %get3A_478, %shift_left3A_505 : vector<16xi32>
        %bitcast3A_507 = vector.bitcast %shift_left3A_506 : vector<16xi32> to vector<16xf32>
        %mul3A_508 = arith.mulf %mul3A_241, %bitcast3A_507 : vector<16xf32>
        %shift_left3A_509 = arith.constant 16 : i32
        %shift_left3A_510 = vector.broadcast %shift_left3A_509 : i32 to vector<16xi32>
        %shift_left3A_511 = arith.shli %get3A_483, %shift_left3A_510 : vector<16xi32>
        %bitcast3A_512 = vector.bitcast %shift_left3A_511 : vector<16xi32> to vector<16xf32>
        %mul3A_513 = arith.mulf %mul3A_247, %bitcast3A_512 : vector<16xf32>
        %add3A_514 = arith.addf %mul3A_508, %mul3A_513 : vector<16xf32>
        %shift_left3A_515 = arith.constant 16 : i32
        %shift_left3A_516 = vector.broadcast %shift_left3A_515 : i32 to vector<16xi32>
        %shift_left3A_517 = arith.shli %get3A_488, %shift_left3A_516 : vector<16xi32>
        %bitcast3A_518 = vector.bitcast %shift_left3A_517 : vector<16xi32> to vector<16xf32>
        %mul3A_519 = arith.mulf %mul3A_253, %bitcast3A_518 : vector<16xf32>
        %add3A_520 = arith.addf %add3A_514, %mul3A_519 : vector<16xf32>
        %shift_left3A_521 = arith.constant 16 : i32
        %shift_left3A_522 = vector.broadcast %shift_left3A_521 : i32 to vector<16xi32>
        %shift_left3A_523 = arith.shli %get3A_493, %shift_left3A_522 : vector<16xi32>
        %bitcast3A_524 = vector.bitcast %shift_left3A_523 : vector<16xi32> to vector<16xf32>
        %mul3A_525 = arith.mulf %mul3A_259, %bitcast3A_524 : vector<16xf32>
        %add3A_526 = arith.addf %add3A_520, %mul3A_525 : vector<16xf32>
        %shift_left3A_527 = arith.constant 16 : i32
        %shift_left3A_528 = vector.broadcast %shift_left3A_527 : i32 to vector<16xi32>
        %shift_left3A_529 = arith.shli %get3A_498, %shift_left3A_528 : vector<16xi32>
        %bitcast3A_530 = vector.bitcast %shift_left3A_529 : vector<16xi32> to vector<16xf32>
        %mul3A_531 = arith.mulf %mul3A_265, %bitcast3A_530 : vector<16xf32>
        %add3A_532 = arith.addf %add3A_526, %mul3A_531 : vector<16xf32>
        %shift_left3A_533 = arith.constant 16 : i32
        %shift_left3A_534 = vector.broadcast %shift_left3A_533 : i32 to vector<16xi32>
        %shift_left3A_535 = arith.shli %get3A_503, %shift_left3A_534 : vector<16xi32>
        %bitcast3A_536 = vector.bitcast %shift_left3A_535 : vector<16xi32> to vector<16xf32>
        %mul3A_537 = arith.mulf %mul3A_271, %bitcast3A_536 : vector<16xf32>
        %add3A_538 = arith.addf %add3A_532, %mul3A_537 : vector<16xf32>
        %reduce_sum3A_539 = arith.constant true
        %reduce_sum3A_540 = vector.broadcast %reduce_sum3A_539 : i1 to vector<16xi1>
        %reduce_sum3A_541 = tpu.scan <sum>, %add3A_538 masked %reduce_sum3A_540 : vector<16xf32>, vector<16xi1> -> vector<16xf32>
        %reduce_sum3A_542 = vector.extract %reduce_sum3A_541[15] : f32 from vector<16xf32>
        %broadcast_in_dim3A_543 = vector.broadcast %reduce_sum3A_542 : f32 to vector<16xf32>
        %exp3A_544 = math.exp %broadcast_in_dim3A_543 : vector<16xf32>
        %add3A_545 = arith.addf %add3A_449, %exp3A_544 : vector<16xf32>
        %and3A_546 = arith.andi %get3A_478, %broadcast_in_dim3A_3 : vector<16xi32>
        %bitcast3A_547 = vector.bitcast %and3A_546 : vector<16xi32> to vector<16xf32>
        %mul3A_548 = arith.mulf %exp3A_544, %bitcast3A_547 : vector<16xf32>
        %add3A_549 = arith.addf %add3A_453, %mul3A_548 : vector<16xf32>
        %and3A_550 = arith.andi %get3A_483, %broadcast_in_dim3A_3 : vector<16xi32>
        %bitcast3A_551 = vector.bitcast %and3A_550 : vector<16xi32> to vector<16xf32>
        %mul3A_552 = arith.mulf %exp3A_544, %bitcast3A_551 : vector<16xf32>
        %add3A_553 = arith.addf %add3A_457, %mul3A_552 : vector<16xf32>
        %and3A_554 = arith.andi %get3A_488, %broadcast_in_dim3A_3 : vector<16xi32>
        %bitcast3A_555 = vector.bitcast %and3A_554 : vector<16xi32> to vector<16xf32>
        %mul3A_556 = arith.mulf %exp3A_544, %bitcast3A_555 : vector<16xf32>
        %add3A_557 = arith.addf %add3A_461, %mul3A_556 : vector<16xf32>
        %and3A_558 = arith.andi %get3A_493, %broadcast_in_dim3A_3 : vector<16xi32>
        %bitcast3A_559 = vector.bitcast %and3A_558 : vector<16xi32> to vector<16xf32>
        %mul3A_560 = arith.mulf %exp3A_544, %bitcast3A_559 : vector<16xf32>
        %add3A_561 = arith.addf %add3A_465, %mul3A_560 : vector<16xf32>
        %and3A_562 = arith.andi %get3A_498, %broadcast_in_dim3A_3 : vector<16xi32>
        %bitcast3A_563 = vector.bitcast %and3A_562 : vector<16xi32> to vector<16xf32>
        %mul3A_564 = arith.mulf %exp3A_544, %bitcast3A_563 : vector<16xf32>
        %add3A_565 = arith.addf %add3A_469, %mul3A_564 : vector<16xf32>
        %and3A_566 = arith.andi %get3A_503, %broadcast_in_dim3A_3 : vector<16xi32>
        %bitcast3A_567 = vector.bitcast %and3A_566 : vector<16xi32> to vector<16xf32>
        %mul3A_568 = arith.mulf %exp3A_544, %bitcast3A_567 : vector<16xf32>
        %add3A_569 = arith.addf %add3A_473, %mul3A_568 : vector<16xf32>
        %add3A_570 = arith.constant 3 : i32
        %add3A_571 = arith.addi %mul3A_236, %add3A_570 : i32
        %get3A_572 = arith.index_cast %add3A_571 : i32 to index
        %get3A_573 = arith.constant 0 : index
        %get3A_574 = tpu.vector_load %arg14[%get3A_572, %get3A_573] {strides = array<i32>} : memref<256x128xi32, #tpu.memory_space<vmem>>, vector<16xi32>,
        %add3A_575 = arith.constant 3 : i32
        %add3A_576 = arith.addi %mul3A_236, %add3A_575 : i32
        %get3A_577 = arith.index_cast %add3A_576 : i32 to index
        %get3A_578 = arith.constant 16 : index
        %get3A_579 = tpu.vector_load %arg14[%get3A_577, %get3A_578] {strides = array<i32>} : memref<256x128xi32, #tpu.memory_space<vmem>>, vector<16xi32>,
        %add3A_580 = arith.constant 3 : i32
        %add3A_581 = arith.addi %mul3A_236, %add3A_580 : i32
        %get3A_582 = arith.index_cast %add3A_581 : i32 to index
        %get3A_583 = arith.constant 32 : index
        %get3A_584 = tpu.vector_load %arg14[%get3A_582, %get3A_583] {strides = array<i32>} : memref<256x128xi32, #tpu.memory_space<vmem>>, vector<16xi32>,
        %add3A_585 = arith.constant 3 : i32
        %add3A_586 = arith.addi %mul3A_236, %add3A_585 : i32
        %get3A_587 = arith.index_cast %add3A_586 : i32 to index
        %get3A_588 = arith.constant 48 : index
        %get3A_589 = tpu.vector_load %arg14[%get3A_587, %get3A_588] {strides = array<i32>} : memref<256x128xi32, #tpu.memory_space<vmem>>, vector<16xi32>,
        %add3A_590 = arith.constant 3 : i32
        %add3A_591 = arith.addi %mul3A_236, %add3A_590 : i32
        %get3A_592 = arith.index_cast %add3A_591 : i32 to index
        %get3A_593 = arith.constant 64 : index
        %get3A_594 = tpu.vector_load %arg14[%get3A_592, %get3A_593] {strides = array<i32>} : memref<256x128xi32, #tpu.memory_space<vmem>>, vector<16xi32>,
        %add3A_595 = arith.constant 3 : i32
        %add3A_596 = arith.addi %mul3A_236, %add3A_595 : i32
        %get3A_597 = arith.index_cast %add3A_596 : i32 to index
        %get3A_598 = arith.constant 80 : index
        %get3A_599 = tpu.vector_load %arg14[%get3A_597, %get3A_598] {strides = array<i32>} : memref<256x128xi32, #tpu.memory_space<vmem>>, vector<16xi32>,
        %shift_left3A_600 = arith.constant 16 : i32
        %shift_left3A_601 = vector.broadcast %shift_left3A_600 : i32 to vector<16xi32>
        %shift_left3A_602 = arith.shli %get3A_574, %shift_left3A_601 : vector<16xi32>
        %bitcast3A_603 = vector.bitcast %shift_left3A_602 : vector<16xi32> to vector<16xf32>
        %mul3A_604 = arith.mulf %mul3A_241, %bitcast3A_603 : vector<16xf32>
        %shift_left3A_605 = arith.constant 16 : i32
        %shift_left3A_606 = vector.broadcast %shift_left3A_605 : i32 to vector<16xi32>
        %shift_left3A_607 = arith.shli %get3A_579, %shift_left3A_606 : vector<16xi32>
        %bitcast3A_608 = vector.bitcast %shift_left3A_607 : vector<16xi32> to vector<16xf32>
        %mul3A_609 = arith.mulf %mul3A_247, %bitcast3A_608 : vector<16xf32>
        %add3A_610 = arith.addf %mul3A_604, %mul3A_609 : vector<16xf32>
        %shift_left3A_611 = arith.constant 16 : i32
        %shift_left3A_612 = vector.broadcast %shift_left3A_611 : i32 to vector<16xi32>
        %shift_left3A_613 = arith.shli %get3A_584, %shift_left3A_612 : vector<16xi32>
        %bitcast3A_614 = vector.bitcast %shift_left3A_613 : vector<16xi32> to vector<16xf32>
        %mul3A_615 = arith.mulf %mul3A_253, %bitcast3A_614 : vector<16xf32>
        %add3A_616 = arith.addf %add3A_610, %mul3A_615 : vector<16xf32>
        %shift_left3A_617 = arith.constant 16 : i32
        %shift_left3A_618 = vector.broadcast %shift_left3A_617 : i32 to vector<16xi32>
        %shift_left3A_619 = arith.shli %get3A_589, %shift_left3A_618 : vector<16xi32>
        %bitcast3A_620 = vector.bitcast %shift_left3A_619 : vector<16xi32> to vector<16xf32>
        %mul3A_621 = arith.mulf %mul3A_259, %bitcast3A_620 : vector<16xf32>
        %add3A_622 = arith.addf %add3A_616, %mul3A_621 : vector<16xf32>
        %shift_left3A_623 = arith.constant 16 : i32
        %shift_left3A_624 = vector.broadcast %shift_left3A_623 : i32 to vector<16xi32>
        %shift_left3A_625 = arith.shli %get3A_594, %shift_left3A_624 : vector<16xi32>
        %bitcast3A_626 = vector.bitcast %shift_left3A_625 : vector<16xi32> to vector<16xf32>
        %mul3A_627 = arith.mulf %mul3A_265, %bitcast3A_626 : vector<16xf32>
        %add3A_628 = arith.addf %add3A_622, %mul3A_627 : vector<16xf32>
        %shift_left3A_629 = arith.constant 16 : i32
        %shift_left3A_630 = vector.broadcast %shift_left3A_629 : i32 to vector<16xi32>
        %shift_left3A_631 = arith.shli %get3A_599, %shift_left3A_630 : vector<16xi32>
        %bitcast3A_632 = vector.bitcast %shift_left3A_631 : vector<16xi32> to vector<16xf32>
        %mul3A_633 = arith.mulf %mul3A_271, %bitcast3A_632 : vector<16xf32>
        %add3A_634 = arith.addf %add3A_628, %mul3A_633 : vector<16xf32>
        %reduce_sum3A_635 = arith.constant true
        %reduce_sum3A_636 = vector.broadcast %reduce_sum3A_635 : i1 to vector<16xi1>
        %reduce_sum3A_637 = tpu.scan <sum>, %add3A_634 masked %reduce_sum3A_636 : vector<16xf32>, vector<16xi1> -> vector<16xf32>
        %reduce_sum3A_638 = vector.extract %reduce_sum3A_637[15] : f32 from vector<16xf32>
        %broadcast_in_dim3A_639 = vector.broadcast %reduce_sum3A_638 : f32 to vector<16xf32>
        %exp3A_640 = math.exp %broadcast_in_dim3A_639 : vector<16xf32>
        %add3A_641 = arith.addf %add3A_545, %exp3A_640 : vector<16xf32>
        %and3A_642 = arith.andi %get3A_574, %broadcast_in_dim3A_3 : vector<16xi32>
        %bitcast3A_643 = vector.bitcast %and3A_642 : vector<16xi32> to vector<16xf32>
        %mul3A_644 = arith.mulf %exp3A_640, %bitcast3A_643 : vector<16xf32>
        %add3A_645 = arith.addf %add3A_549, %mul3A_644 : vector<16xf32>
        %and3A_646 = arith.andi %get3A_579, %broadcast_in_dim3A_3 : vector<16xi32>
        %bitcast3A_647 = vector.bitcast %and3A_646 : vector<16xi32> to vector<16xf32>
        %mul3A_648 = arith.mulf %exp3A_640, %bitcast3A_647 : vector<16xf32>
        %add3A_649 = arith.addf %add3A_553, %mul3A_648 : vector<16xf32>
        %and3A_650 = arith.andi %get3A_584, %broadcast_in_dim3A_3 : vector<16xi32>
        %bitcast3A_651 = vector.bitcast %and3A_650 : vector<16xi32> to vector<16xf32>
        %mul3A_652 = arith.mulf %exp3A_640, %bitcast3A_651 : vector<16xf32>
        %add3A_653 = arith.addf %add3A_557, %mul3A_652 : vector<16xf32>
        %and3A_654 = arith.andi %get3A_589, %broadcast_in_dim3A_3 : vector<16xi32>
        %bitcast3A_655 = vector.bitcast %and3A_654 : vector<16xi32> to vector<16xf32>
        %mul3A_656 = arith.mulf %exp3A_640, %bitcast3A_655 : vector<16xf32>
        %add3A_657 = arith.addf %add3A_561, %mul3A_656 : vector<16xf32>
        %and3A_658 = arith.andi %get3A_594, %broadcast_in_dim3A_3 : vector<16xi32>
        %bitcast3A_659 = vector.bitcast %and3A_658 : vector<16xi32> to vector<16xf32>
        %mul3A_660 = arith.mulf %exp3A_640, %bitcast3A_659 : vector<16xf32>
        %add3A_661 = arith.addf %add3A_565, %mul3A_660 : vector<16xf32>
        %and3A_662 = arith.andi %get3A_599, %broadcast_in_dim3A_3 : vector<16xi32>
        %bitcast3A_663 = vector.bitcast %and3A_662 : vector<16xi32> to vector<16xf32>
        %mul3A_664 = arith.mulf %exp3A_640, %bitcast3A_663 : vector<16xf32>
        %add3A_665 = arith.addf %add3A_569, %mul3A_664 : vector<16xf32>
        %add3A_666 = arith.constant 4 : i32
        %add3A_667 = arith.addi %mul3A_236, %add3A_666 : i32
        %get3A_668 = arith.index_cast %add3A_667 : i32 to index
        %get3A_669 = arith.constant 0 : index
        %get3A_670 = tpu.vector_load %arg14[%get3A_668, %get3A_669] {strides = array<i32>} : memref<256x128xi32, #tpu.memory_space<vmem>>, vector<16xi32>,
        %add3A_671 = arith.constant 4 : i32
        %add3A_672 = arith.addi %mul3A_236, %add3A_671 : i32
        %get3A_673 = arith.index_cast %add3A_672 : i32 to index
        %get3A_674 = arith.constant 16 : index
        %get3A_675 = tpu.vector_load %arg14[%get3A_673, %get3A_674] {strides = array<i32>} : memref<256x128xi32, #tpu.memory_space<vmem>>, vector<16xi32>,
        %add3A_676 = arith.constant 4 : i32
        %add3A_677 = arith.addi %mul3A_236, %add3A_676 : i32
        %get3A_678 = arith.index_cast %add3A_677 : i32 to index
        %get3A_679 = arith.constant 32 : index
        %get3A_680 = tpu.vector_load %arg14[%get3A_678, %get3A_679] {strides = array<i32>} : memref<256x128xi32, #tpu.memory_space<vmem>>, vector<16xi32>,
        %add3A_681 = arith.constant 4 : i32
        %add3A_682 = arith.addi %mul3A_236, %add3A_681 : i32
        %get3A_683 = arith.index_cast %add3A_682 : i32 to index
        %get3A_684 = arith.constant 48 : index
        %get3A_685 = tpu.vector_load %arg14[%get3A_683, %get3A_684] {strides = array<i32>} : memref<256x128xi32, #tpu.memory_space<vmem>>, vector<16xi32>,
        %add3A_686 = arith.constant 4 : i32
        %add3A_687 = arith.addi %mul3A_236, %add3A_686 : i32
        %get3A_688 = arith.index_cast %add3A_687 : i32 to index
        %get3A_689 = arith.constant 64 : index
        %get3A_690 = tpu.vector_load %arg14[%get3A_688, %get3A_689] {strides = array<i32>} : memref<256x128xi32, #tpu.memory_space<vmem>>, vector<16xi32>,
        %add3A_691 = arith.constant 4 : i32
        %add3A_692 = arith.addi %mul3A_236, %add3A_691 : i32
        %get3A_693 = arith.index_cast %add3A_692 : i32 to index
        %get3A_694 = arith.constant 80 : index
        %get3A_695 = tpu.vector_load %arg14[%get3A_693, %get3A_694] {strides = array<i32>} : memref<256x128xi32, #tpu.memory_space<vmem>>, vector<16xi32>,
        %shift_left3A_696 = arith.constant 16 : i32
        %shift_left3A_697 = vector.broadcast %shift_left3A_696 : i32 to vector<16xi32>
        %shift_left3A_698 = arith.shli %get3A_670, %shift_left3A_697 : vector<16xi32>
        %bitcast3A_699 = vector.bitcast %shift_left3A_698 : vector<16xi32> to vector<16xf32>
        %mul3A_700 = arith.mulf %mul3A_241, %bitcast3A_699 : vector<16xf32>
        %shift_left3A_701 = arith.constant 16 : i32
        %shift_left3A_702 = vector.broadcast %shift_left3A_701 : i32 to vector<16xi32>
        %shift_left3A_703 = arith.shli %get3A_675, %shift_left3A_702 : vector<16xi32>
        %bitcast3A_704 = vector.bitcast %shift_left3A_703 : vector<16xi32> to vector<16xf32>
        %mul3A_705 = arith.mulf %mul3A_247, %bitcast3A_704 : vector<16xf32>
        %add3A_706 = arith.addf %mul3A_700, %mul3A_705 : vector<16xf32>
        %shift_left3A_707 = arith.constant 16 : i32
        %shift_left3A_708 = vector.broadcast %shift_left3A_707 : i32 to vector<16xi32>
        %shift_left3A_709 = arith.shli %get3A_680, %shift_left3A_708 : vector<16xi32>
        %bitcast3A_710 = vector.bitcast %shift_left3A_709 : vector<16xi32> to vector<16xf32>
        %mul3A_711 = arith.mulf %mul3A_253, %bitcast3A_710 : vector<16xf32>
        %add3A_712 = arith.addf %add3A_706, %mul3A_711 : vector<16xf32>
        %shift_left3A_713 = arith.constant 16 : i32
        %shift_left3A_714 = vector.broadcast %shift_left3A_713 : i32 to vector<16xi32>
        %shift_left3A_715 = arith.shli %get3A_685, %shift_left3A_714 : vector<16xi32>
        %bitcast3A_716 = vector.bitcast %shift_left3A_715 : vector<16xi32> to vector<16xf32>
        %mul3A_717 = arith.mulf %mul3A_259, %bitcast3A_716 : vector<16xf32>
        %add3A_718 = arith.addf %add3A_712, %mul3A_717 : vector<16xf32>
        %shift_left3A_719 = arith.constant 16 : i32
        %shift_left3A_720 = vector.broadcast %shift_left3A_719 : i32 to vector<16xi32>
        %shift_left3A_721 = arith.shli %get3A_690, %shift_left3A_720 : vector<16xi32>
        %bitcast3A_722 = vector.bitcast %shift_left3A_721 : vector<16xi32> to vector<16xf32>
        %mul3A_723 = arith.mulf %mul3A_265, %bitcast3A_722 : vector<16xf32>
        %add3A_724 = arith.addf %add3A_718, %mul3A_723 : vector<16xf32>
        %shift_left3A_725 = arith.constant 16 : i32
        %shift_left3A_726 = vector.broadcast %shift_left3A_725 : i32 to vector<16xi32>
        %shift_left3A_727 = arith.shli %get3A_695, %shift_left3A_726 : vector<16xi32>
        %bitcast3A_728 = vector.bitcast %shift_left3A_727 : vector<16xi32> to vector<16xf32>
        %mul3A_729 = arith.mulf %mul3A_271, %bitcast3A_728 : vector<16xf32>
        %add3A_730 = arith.addf %add3A_724, %mul3A_729 : vector<16xf32>
        %reduce_sum3A_731 = arith.constant true
        %reduce_sum3A_732 = vector.broadcast %reduce_sum3A_731 : i1 to vector<16xi1>
        %reduce_sum3A_733 = tpu.scan <sum>, %add3A_730 masked %reduce_sum3A_732 : vector<16xf32>, vector<16xi1> -> vector<16xf32>
        %reduce_sum3A_734 = vector.extract %reduce_sum3A_733[15] : f32 from vector<16xf32>
        %broadcast_in_dim3A_735 = vector.broadcast %reduce_sum3A_734 : f32 to vector<16xf32>
        %exp3A_736 = math.exp %broadcast_in_dim3A_735 : vector<16xf32>
        %add3A_737 = arith.addf %add3A_641, %exp3A_736 : vector<16xf32>
        %and3A_738 = arith.andi %get3A_670, %broadcast_in_dim3A_3 : vector<16xi32>
        %bitcast3A_739 = vector.bitcast %and3A_738 : vector<16xi32> to vector<16xf32>
        %mul3A_740 = arith.mulf %exp3A_736, %bitcast3A_739 : vector<16xf32>
        %add3A_741 = arith.addf %add3A_645, %mul3A_740 : vector<16xf32>
        %and3A_742 = arith.andi %get3A_675, %broadcast_in_dim3A_3 : vector<16xi32>
        %bitcast3A_743 = vector.bitcast %and3A_742 : vector<16xi32> to vector<16xf32>
        %mul3A_744 = arith.mulf %exp3A_736, %bitcast3A_743 : vector<16xf32>
        %add3A_745 = arith.addf %add3A_649, %mul3A_744 : vector<16xf32>
        %and3A_746 = arith.andi %get3A_680, %broadcast_in_dim3A_3 : vector<16xi32>
        %bitcast3A_747 = vector.bitcast %and3A_746 : vector<16xi32> to vector<16xf32>
        %mul3A_748 = arith.mulf %exp3A_736, %bitcast3A_747 : vector<16xf32>
        %add3A_749 = arith.addf %add3A_653, %mul3A_748 : vector<16xf32>
        %and3A_750 = arith.andi %get3A_685, %broadcast_in_dim3A_3 : vector<16xi32>
        %bitcast3A_751 = vector.bitcast %and3A_750 : vector<16xi32> to vector<16xf32>
        %mul3A_752 = arith.mulf %exp3A_736, %bitcast3A_751 : vector<16xf32>
        %add3A_753 = arith.addf %add3A_657, %mul3A_752 : vector<16xf32>
        %and3A_754 = arith.andi %get3A_690, %broadcast_in_dim3A_3 : vector<16xi32>
        %bitcast3A_755 = vector.bitcast %and3A_754 : vector<16xi32> to vector<16xf32>
        %mul3A_756 = arith.mulf %exp3A_736, %bitcast3A_755 : vector<16xf32>
        %add3A_757 = arith.addf %add3A_661, %mul3A_756 : vector<16xf32>
        %and3A_758 = arith.andi %get3A_695, %broadcast_in_dim3A_3 : vector<16xi32>
        %bitcast3A_759 = vector.bitcast %and3A_758 : vector<16xi32> to vector<16xf32>
        %mul3A_760 = arith.mulf %exp3A_736, %bitcast3A_759 : vector<16xf32>
        %add3A_761 = arith.addf %add3A_665, %mul3A_760 : vector<16xf32>
        %add3A_762 = arith.constant 5 : i32
        %add3A_763 = arith.addi %mul3A_236, %add3A_762 : i32
        %get3A_764 = arith.index_cast %add3A_763 : i32 to index
        %get3A_765 = arith.constant 0 : index
        %get3A_766 = tpu.vector_load %arg14[%get3A_764, %get3A_765] {strides = array<i32>} : memref<256x128xi32, #tpu.memory_space<vmem>>, vector<16xi32>,
        %add3A_767 = arith.constant 5 : i32
        %add3A_768 = arith.addi %mul3A_236, %add3A_767 : i32
        %get3A_769 = arith.index_cast %add3A_768 : i32 to index
        %get3A_770 = arith.constant 16 : index
        %get3A_771 = tpu.vector_load %arg14[%get3A_769, %get3A_770] {strides = array<i32>} : memref<256x128xi32, #tpu.memory_space<vmem>>, vector<16xi32>,
        %add3A_772 = arith.constant 5 : i32
        %add3A_773 = arith.addi %mul3A_236, %add3A_772 : i32
        %get3A_774 = arith.index_cast %add3A_773 : i32 to index
        %get3A_775 = arith.constant 32 : index
        %get3A_776 = tpu.vector_load %arg14[%get3A_774, %get3A_775] {strides = array<i32>} : memref<256x128xi32, #tpu.memory_space<vmem>>, vector<16xi32>,
        %add3A_777 = arith.constant 5 : i32
        %add3A_778 = arith.addi %mul3A_236, %add3A_777 : i32
        %get3A_779 = arith.index_cast %add3A_778 : i32 to index
        %get3A_780 = arith.constant 48 : index
        %get3A_781 = tpu.vector_load %arg14[%get3A_779, %get3A_780] {strides = array<i32>} : memref<256x128xi32, #tpu.memory_space<vmem>>, vector<16xi32>,
        %add3A_782 = arith.constant 5 : i32
        %add3A_783 = arith.addi %mul3A_236, %add3A_782 : i32
        %get3A_784 = arith.index_cast %add3A_783 : i32 to index
        %get3A_785 = arith.constant 64 : index
        %get3A_786 = tpu.vector_load %arg14[%get3A_784, %get3A_785] {strides = array<i32>} : memref<256x128xi32, #tpu.memory_space<vmem>>, vector<16xi32>,
        %add3A_787 = arith.constant 5 : i32
        %add3A_788 = arith.addi %mul3A_236, %add3A_787 : i32
        %get3A_789 = arith.index_cast %add3A_788 : i32 to index
        %get3A_790 = arith.constant 80 : index
        %get3A_791 = tpu.vector_load %arg14[%get3A_789, %get3A_790] {strides = array<i32>} : memref<256x128xi32, #tpu.memory_space<vmem>>, vector<16xi32>,
        %shift_left3A_792 = arith.constant 16 : i32
        %shift_left3A_793 = vector.broadcast %shift_left3A_792 : i32 to vector<16xi32>
        %shift_left3A_794 = arith.shli %get3A_766, %shift_left3A_793 : vector<16xi32>
        %bitcast3A_795 = vector.bitcast %shift_left3A_794 : vector<16xi32> to vector<16xf32>
        %mul3A_796 = arith.mulf %mul3A_241, %bitcast3A_795 : vector<16xf32>
        %shift_left3A_797 = arith.constant 16 : i32
        %shift_left3A_798 = vector.broadcast %shift_left3A_797 : i32 to vector<16xi32>
        %shift_left3A_799 = arith.shli %get3A_771, %shift_left3A_798 : vector<16xi32>
        %bitcast3A_800 = vector.bitcast %shift_left3A_799 : vector<16xi32> to vector<16xf32>
        %mul3A_801 = arith.mulf %mul3A_247, %bitcast3A_800 : vector<16xf32>
        %add3A_802 = arith.addf %mul3A_796, %mul3A_801 : vector<16xf32>
        %shift_left3A_803 = arith.constant 16 : i32
        %shift_left3A_804 = vector.broadcast %shift_left3A_803 : i32 to vector<16xi32>
        %shift_left3A_805 = arith.shli %get3A_776, %shift_left3A_804 : vector<16xi32>
        %bitcast3A_806 = vector.bitcast %shift_left3A_805 : vector<16xi32> to vector<16xf32>
        %mul3A_807 = arith.mulf %mul3A_253, %bitcast3A_806 : vector<16xf32>
        %add3A_808 = arith.addf %add3A_802, %mul3A_807 : vector<16xf32>
        %shift_left3A_809 = arith.constant 16 : i32
        %shift_left3A_810 = vector.broadcast %shift_left3A_809 : i32 to vector<16xi32>
        %shift_left3A_811 = arith.shli %get3A_781, %shift_left3A_810 : vector<16xi32>
        %bitcast3A_812 = vector.bitcast %shift_left3A_811 : vector<16xi32> to vector<16xf32>
        %mul3A_813 = arith.mulf %mul3A_259, %bitcast3A_812 : vector<16xf32>
        %add3A_814 = arith.addf %add3A_808, %mul3A_813 : vector<16xf32>
        %shift_left3A_815 = arith.constant 16 : i32
        %shift_left3A_816 = vector.broadcast %shift_left3A_815 : i32 to vector<16xi32>
        %shift_left3A_817 = arith.shli %get3A_786, %shift_left3A_816 : vector<16xi32>
        %bitcast3A_818 = vector.bitcast %shift_left3A_817 : vector<16xi32> to vector<16xf32>
        %mul3A_819 = arith.mulf %mul3A_265, %bitcast3A_818 : vector<16xf32>
        %add3A_820 = arith.addf %add3A_814, %mul3A_819 : vector<16xf32>
        %shift_left3A_821 = arith.constant 16 : i32
        %shift_left3A_822 = vector.broadcast %shift_left3A_821 : i32 to vector<16xi32>
        %shift_left3A_823 = arith.shli %get3A_791, %shift_left3A_822 : vector<16xi32>
        %bitcast3A_824 = vector.bitcast %shift_left3A_823 : vector<16xi32> to vector<16xf32>
        %mul3A_825 = arith.mulf %mul3A_271, %bitcast3A_824 : vector<16xf32>
        %add3A_826 = arith.addf %add3A_820, %mul3A_825 : vector<16xf32>
        %reduce_sum3A_827 = arith.constant true
        %reduce_sum3A_828 = vector.broadcast %reduce_sum3A_827 : i1 to vector<16xi1>
        %reduce_sum3A_829 = tpu.scan <sum>, %add3A_826 masked %reduce_sum3A_828 : vector<16xf32>, vector<16xi1> -> vector<16xf32>
        %reduce_sum3A_830 = vector.extract %reduce_sum3A_829[15] : f32 from vector<16xf32>
        %broadcast_in_dim3A_831 = vector.broadcast %reduce_sum3A_830 : f32 to vector<16xf32>
        %exp3A_832 = math.exp %broadcast_in_dim3A_831 : vector<16xf32>
        %add3A_833 = arith.addf %add3A_737, %exp3A_832 : vector<16xf32>
        %and3A_834 = arith.andi %get3A_766, %broadcast_in_dim3A_3 : vector<16xi32>
        %bitcast3A_835 = vector.bitcast %and3A_834 : vector<16xi32> to vector<16xf32>
        %mul3A_836 = arith.mulf %exp3A_832, %bitcast3A_835 : vector<16xf32>
        %add3A_837 = arith.addf %add3A_741, %mul3A_836 : vector<16xf32>
        %and3A_838 = arith.andi %get3A_771, %broadcast_in_dim3A_3 : vector<16xi32>
        %bitcast3A_839 = vector.bitcast %and3A_838 : vector<16xi32> to vector<16xf32>
        %mul3A_840 = arith.mulf %exp3A_832, %bitcast3A_839 : vector<16xf32>
        %add3A_841 = arith.addf %add3A_745, %mul3A_840 : vector<16xf32>
        %and3A_842 = arith.andi %get3A_776, %broadcast_in_dim3A_3 : vector<16xi32>
        %bitcast3A_843 = vector.bitcast %and3A_842 : vector<16xi32> to vector<16xf32>
        %mul3A_844 = arith.mulf %exp3A_832, %bitcast3A_843 : vector<16xf32>
        %add3A_845 = arith.addf %add3A_749, %mul3A_844 : vector<16xf32>
        %and3A_846 = arith.andi %get3A_781, %broadcast_in_dim3A_3 : vector<16xi32>
        %bitcast3A_847 = vector.bitcast %and3A_846 : vector<16xi32> to vector<16xf32>
        %mul3A_848 = arith.mulf %exp3A_832, %bitcast3A_847 : vector<16xf32>
        %add3A_849 = arith.addf %add3A_753, %mul3A_848 : vector<16xf32>
        %and3A_850 = arith.andi %get3A_786, %broadcast_in_dim3A_3 : vector<16xi32>
        %bitcast3A_851 = vector.bitcast %and3A_850 : vector<16xi32> to vector<16xf32>
        %mul3A_852 = arith.mulf %exp3A_832, %bitcast3A_851 : vector<16xf32>
        %add3A_853 = arith.addf %add3A_757, %mul3A_852 : vector<16xf32>
        %and3A_854 = arith.andi %get3A_791, %broadcast_in_dim3A_3 : vector<16xi32>
        %bitcast3A_855 = vector.bitcast %and3A_854 : vector<16xi32> to vector<16xf32>
        %mul3A_856 = arith.mulf %exp3A_832, %bitcast3A_855 : vector<16xf32>
        %add3A_857 = arith.addf %add3A_761, %mul3A_856 : vector<16xf32>
        %add3A_858 = arith.constant 6 : i32
        %add3A_859 = arith.addi %mul3A_236, %add3A_858 : i32
        %get3A_860 = arith.index_cast %add3A_859 : i32 to index
        %get3A_861 = arith.constant 0 : index
        %get3A_862 = tpu.vector_load %arg14[%get3A_860, %get3A_861] {strides = array<i32>} : memref<256x128xi32, #tpu.memory_space<vmem>>, vector<16xi32>,
        %add3A_863 = arith.constant 6 : i32
        %add3A_864 = arith.addi %mul3A_236, %add3A_863 : i32
        %get3A_865 = arith.index_cast %add3A_864 : i32 to index
        %get3A_866 = arith.constant 16 : index
        %get3A_867 = tpu.vector_load %arg14[%get3A_865, %get3A_866] {strides = array<i32>} : memref<256x128xi32, #tpu.memory_space<vmem>>, vector<16xi32>,
        %add3A_868 = arith.constant 6 : i32
        %add3A_869 = arith.addi %mul3A_236, %add3A_868 : i32
        %get3A_870 = arith.index_cast %add3A_869 : i32 to index
        %get3A_871 = arith.constant 32 : index
        %get3A_872 = tpu.vector_load %arg14[%get3A_870, %get3A_871] {strides = array<i32>} : memref<256x128xi32, #tpu.memory_space<vmem>>, vector<16xi32>,
        %add3A_873 = arith.constant 6 : i32
        %add3A_874 = arith.addi %mul3A_236, %add3A_873 : i32
        %get3A_875 = arith.index_cast %add3A_874 : i32 to index
        %get3A_876 = arith.constant 48 : index
        %get3A_877 = tpu.vector_load %arg14[%get3A_875, %get3A_876] {strides = array<i32>} : memref<256x128xi32, #tpu.memory_space<vmem>>, vector<16xi32>,
        %add3A_878 = arith.constant 6 : i32
        %add3A_879 = arith.addi %mul3A_236, %add3A_878 : i32
        %get3A_880 = arith.index_cast %add3A_879 : i32 to index
        %get3A_881 = arith.constant 64 : index
        %get3A_882 = tpu.vector_load %arg14[%get3A_880, %get3A_881] {strides = array<i32>} : memref<256x128xi32, #tpu.memory_space<vmem>>, vector<16xi32>,
        %add3A_883 = arith.constant 6 : i32
        %add3A_884 = arith.addi %mul3A_236, %add3A_883 : i32
        %get3A_885 = arith.index_cast %add3A_884 : i32 to index
        %get3A_886 = arith.constant 80 : index
        %get3A_887 = tpu.vector_load %arg14[%get3A_885, %get3A_886] {strides = array<i32>} : memref<256x128xi32, #tpu.memory_space<vmem>>, vector<16xi32>,
        %shift_left3A_888 = arith.constant 16 : i32
        %shift_left3A_889 = vector.broadcast %shift_left3A_888 : i32 to vector<16xi32>
        %shift_left3A_890 = arith.shli %get3A_862, %shift_left3A_889 : vector<16xi32>
        %bitcast3A_891 = vector.bitcast %shift_left3A_890 : vector<16xi32> to vector<16xf32>
        %mul3A_892 = arith.mulf %mul3A_241, %bitcast3A_891 : vector<16xf32>
        %shift_left3A_893 = arith.constant 16 : i32
        %shift_left3A_894 = vector.broadcast %shift_left3A_893 : i32 to vector<16xi32>
        %shift_left3A_895 = arith.shli %get3A_867, %shift_left3A_894 : vector<16xi32>
        %bitcast3A_896 = vector.bitcast %shift_left3A_895 : vector<16xi32> to vector<16xf32>
        %mul3A_897 = arith.mulf %mul3A_247, %bitcast3A_896 : vector<16xf32>
        %add3A_898 = arith.addf %mul3A_892, %mul3A_897 : vector<16xf32>
        %shift_left3A_899 = arith.constant 16 : i32
        %shift_left3A_900 = vector.broadcast %shift_left3A_899 : i32 to vector<16xi32>
        %shift_left3A_901 = arith.shli %get3A_872, %shift_left3A_900 : vector<16xi32>
        %bitcast3A_902 = vector.bitcast %shift_left3A_901 : vector<16xi32> to vector<16xf32>
        %mul3A_903 = arith.mulf %mul3A_253, %bitcast3A_902 : vector<16xf32>
        %add3A_904 = arith.addf %add3A_898, %mul3A_903 : vector<16xf32>
        %shift_left3A_905 = arith.constant 16 : i32
        %shift_left3A_906 = vector.broadcast %shift_left3A_905 : i32 to vector<16xi32>
        %shift_left3A_907 = arith.shli %get3A_877, %shift_left3A_906 : vector<16xi32>
        %bitcast3A_908 = vector.bitcast %shift_left3A_907 : vector<16xi32> to vector<16xf32>
        %mul3A_909 = arith.mulf %mul3A_259, %bitcast3A_908 : vector<16xf32>
        %add3A_910 = arith.addf %add3A_904, %mul3A_909 : vector<16xf32>
        %shift_left3A_911 = arith.constant 16 : i32
        %shift_left3A_912 = vector.broadcast %shift_left3A_911 : i32 to vector<16xi32>
        %shift_left3A_913 = arith.shli %get3A_882, %shift_left3A_912 : vector<16xi32>
        %bitcast3A_914 = vector.bitcast %shift_left3A_913 : vector<16xi32> to vector<16xf32>
        %mul3A_915 = arith.mulf %mul3A_265, %bitcast3A_914 : vector<16xf32>
        %add3A_916 = arith.addf %add3A_910, %mul3A_915 : vector<16xf32>
        %shift_left3A_917 = arith.constant 16 : i32
        %shift_left3A_918 = vector.broadcast %shift_left3A_917 : i32 to vector<16xi32>
        %shift_left3A_919 = arith.shli %get3A_887, %shift_left3A_918 : vector<16xi32>
        %bitcast3A_920 = vector.bitcast %shift_left3A_919 : vector<16xi32> to vector<16xf32>
        %mul3A_921 = arith.mulf %mul3A_271, %bitcast3A_920 : vector<16xf32>
        %add3A_922 = arith.addf %add3A_916, %mul3A_921 : vector<16xf32>
        %reduce_sum3A_923 = arith.constant true
        %reduce_sum3A_924 = vector.broadcast %reduce_sum3A_923 : i1 to vector<16xi1>
        %reduce_sum3A_925 = tpu.scan <sum>, %add3A_922 masked %reduce_sum3A_924 : vector<16xf32>, vector<16xi1> -> vector<16xf32>
        %reduce_sum3A_926 = vector.extract %reduce_sum3A_925[15] : f32 from vector<16xf32>
        %broadcast_in_dim3A_927 = vector.broadcast %reduce_sum3A_926 : f32 to vector<16xf32>
        %exp3A_928 = math.exp %broadcast_in_dim3A_927 : vector<16xf32>
        %add3A_929 = arith.addf %add3A_833, %exp3A_928 : vector<16xf32>
        %and3A_930 = arith.andi %get3A_862, %broadcast_in_dim3A_3 : vector<16xi32>
        %bitcast3A_931 = vector.bitcast %and3A_930 : vector<16xi32> to vector<16xf32>
        %mul3A_932 = arith.mulf %exp3A_928, %bitcast3A_931 : vector<16xf32>
        %add3A_933 = arith.addf %add3A_837, %mul3A_932 : vector<16xf32>
        %and3A_934 = arith.andi %get3A_867, %broadcast_in_dim3A_3 : vector<16xi32>
        %bitcast3A_935 = vector.bitcast %and3A_934 : vector<16xi32> to vector<16xf32>
        %mul3A_936 = arith.mulf %exp3A_928, %bitcast3A_935 : vector<16xf32>
        %add3A_937 = arith.addf %add3A_841, %mul3A_936 : vector<16xf32>
        %and3A_938 = arith.andi %get3A_872, %broadcast_in_dim3A_3 : vector<16xi32>
        %bitcast3A_939 = vector.bitcast %and3A_938 : vector<16xi32> to vector<16xf32>
        %mul3A_940 = arith.mulf %exp3A_928, %bitcast3A_939 : vector<16xf32>
        %add3A_941 = arith.addf %add3A_845, %mul3A_940 : vector<16xf32>
        %and3A_942 = arith.andi %get3A_877, %broadcast_in_dim3A_3 : vector<16xi32>
        %bitcast3A_943 = vector.bitcast %and3A_942 : vector<16xi32> to vector<16xf32>
        %mul3A_944 = arith.mulf %exp3A_928, %bitcast3A_943 : vector<16xf32>
        %add3A_945 = arith.addf %add3A_849, %mul3A_944 : vector<16xf32>
        %and3A_946 = arith.andi %get3A_882, %broadcast_in_dim3A_3 : vector<16xi32>
        %bitcast3A_947 = vector.bitcast %and3A_946 : vector<16xi32> to vector<16xf32>
        %mul3A_948 = arith.mulf %exp3A_928, %bitcast3A_947 : vector<16xf32>
        %add3A_949 = arith.addf %add3A_853, %mul3A_948 : vector<16xf32>
        %and3A_950 = arith.andi %get3A_887, %broadcast_in_dim3A_3 : vector<16xi32>
        %bitcast3A_951 = vector.bitcast %and3A_950 : vector<16xi32> to vector<16xf32>
        %mul3A_952 = arith.mulf %exp3A_928, %bitcast3A_951 : vector<16xf32>
        %add3A_953 = arith.addf %add3A_857, %mul3A_952 : vector<16xf32>
        %add3A_954 = arith.constant 7 : i32
        %add3A_955 = arith.addi %mul3A_236, %add3A_954 : i32
        %get3A_956 = arith.index_cast %add3A_955 : i32 to index
        %get3A_957 = arith.constant 0 : index
        %get3A_958 = tpu.vector_load %arg14[%get3A_956, %get3A_957] {strides = array<i32>} : memref<256x128xi32, #tpu.memory_space<vmem>>, vector<16xi32>,
        %add3A_959 = arith.constant 7 : i32
        %add3A_960 = arith.addi %mul3A_236, %add3A_959 : i32
        %get3A_961 = arith.index_cast %add3A_960 : i32 to index
        %get3A_962 = arith.constant 16 : index
        %get3A_963 = tpu.vector_load %arg14[%get3A_961, %get3A_962] {strides = array<i32>} : memref<256x128xi32, #tpu.memory_space<vmem>>, vector<16xi32>,
        %add3A_964 = arith.constant 7 : i32
        %add3A_965 = arith.addi %mul3A_236, %add3A_964 : i32
        %get3A_966 = arith.index_cast %add3A_965 : i32 to index
        %get3A_967 = arith.constant 32 : index
        %get3A_968 = tpu.vector_load %arg14[%get3A_966, %get3A_967] {strides = array<i32>} : memref<256x128xi32, #tpu.memory_space<vmem>>, vector<16xi32>,
        %add3A_969 = arith.constant 7 : i32
        %add3A_970 = arith.addi %mul3A_236, %add3A_969 : i32
        %get3A_971 = arith.index_cast %add3A_970 : i32 to index
        %get3A_972 = arith.constant 48 : index
        %get3A_973 = tpu.vector_load %arg14[%get3A_971, %get3A_972] {strides = array<i32>} : memref<256x128xi32, #tpu.memory_space<vmem>>, vector<16xi32>,
        %add3A_974 = arith.constant 7 : i32
        %add3A_975 = arith.addi %mul3A_236, %add3A_974 : i32
        %get3A_976 = arith.index_cast %add3A_975 : i32 to index
        %get3A_977 = arith.constant 64 : index
        %get3A_978 = tpu.vector_load %arg14[%get3A_976, %get3A_977] {strides = array<i32>} : memref<256x128xi32, #tpu.memory_space<vmem>>, vector<16xi32>,
        %add3A_979 = arith.constant 7 : i32
        %add3A_980 = arith.addi %mul3A_236, %add3A_979 : i32
        %get3A_981 = arith.index_cast %add3A_980 : i32 to index
        %get3A_982 = arith.constant 80 : index
        %get3A_983 = tpu.vector_load %arg14[%get3A_981, %get3A_982] {strides = array<i32>} : memref<256x128xi32, #tpu.memory_space<vmem>>, vector<16xi32>,
        %shift_left3A_984 = arith.constant 16 : i32
        %shift_left3A_985 = vector.broadcast %shift_left3A_984 : i32 to vector<16xi32>
        %shift_left3A_986 = arith.shli %get3A_958, %shift_left3A_985 : vector<16xi32>
        %bitcast3A_987 = vector.bitcast %shift_left3A_986 : vector<16xi32> to vector<16xf32>
        %mul3A_988 = arith.mulf %mul3A_241, %bitcast3A_987 : vector<16xf32>
        %shift_left3A_989 = arith.constant 16 : i32
        %shift_left3A_990 = vector.broadcast %shift_left3A_989 : i32 to vector<16xi32>
        %shift_left3A_991 = arith.shli %get3A_963, %shift_left3A_990 : vector<16xi32>
        %bitcast3A_992 = vector.bitcast %shift_left3A_991 : vector<16xi32> to vector<16xf32>
        %mul3A_993 = arith.mulf %mul3A_247, %bitcast3A_992 : vector<16xf32>
        %add3A_994 = arith.addf %mul3A_988, %mul3A_993 : vector<16xf32>
        %shift_left3A_995 = arith.constant 16 : i32
        %shift_left3A_996 = vector.broadcast %shift_left3A_995 : i32 to vector<16xi32>
        %shift_left3A_997 = arith.shli %get3A_968, %shift_left3A_996 : vector<16xi32>
        %bitcast3A_998 = vector.bitcast %shift_left3A_997 : vector<16xi32> to vector<16xf32>
        %mul3A_999 = arith.mulf %mul3A_253, %bitcast3A_998 : vector<16xf32>
        %add3A_1000 = arith.addf %add3A_994, %mul3A_999 : vector<16xf32>
        %shift_left3A_1001 = arith.constant 16 : i32
        %shift_left3A_1002 = vector.broadcast %shift_left3A_1001 : i32 to vector<16xi32>
        %shift_left3A_1003 = arith.shli %get3A_973, %shift_left3A_1002 : vector<16xi32>
        %bitcast3A_1004 = vector.bitcast %shift_left3A_1003 : vector<16xi32> to vector<16xf32>
        %mul3A_1005 = arith.mulf %mul3A_259, %bitcast3A_1004 : vector<16xf32>
        %add3A_1006 = arith.addf %add3A_1000, %mul3A_1005 : vector<16xf32>
        %shift_left3A_1007 = arith.constant 16 : i32
        %shift_left3A_1008 = vector.broadcast %shift_left3A_1007 : i32 to vector<16xi32>
        %shift_left3A_1009 = arith.shli %get3A_978, %shift_left3A_1008 : vector<16xi32>
        %bitcast3A_1010 = vector.bitcast %shift_left3A_1009 : vector<16xi32> to vector<16xf32>
        %mul3A_1011 = arith.mulf %mul3A_265, %bitcast3A_1010 : vector<16xf32>
        %add3A_1012 = arith.addf %add3A_1006, %mul3A_1011 : vector<16xf32>
        %shift_left3A_1013 = arith.constant 16 : i32
        %shift_left3A_1014 = vector.broadcast %shift_left3A_1013 : i32 to vector<16xi32>
        %shift_left3A_1015 = arith.shli %get3A_983, %shift_left3A_1014 : vector<16xi32>
        %bitcast3A_1016 = vector.bitcast %shift_left3A_1015 : vector<16xi32> to vector<16xf32>
        %mul3A_1017 = arith.mulf %mul3A_271, %bitcast3A_1016 : vector<16xf32>
        %add3A_1018 = arith.addf %add3A_1012, %mul3A_1017 : vector<16xf32>
        %reduce_sum3A_1019 = arith.constant true
        %reduce_sum3A_1020 = vector.broadcast %reduce_sum3A_1019 : i1 to vector<16xi1>
        %reduce_sum3A_1021 = tpu.scan <sum>, %add3A_1018 masked %reduce_sum3A_1020 : vector<16xf32>, vector<16xi1> -> vector<16xf32>
        %reduce_sum3A_1022 = vector.extract %reduce_sum3A_1021[15] : f32 from vector<16xf32>
        %broadcast_in_dim3A_1023 = vector.broadcast %reduce_sum3A_1022 : f32 to vector<16xf32>
        %exp3A_1024 = math.exp %broadcast_in_dim3A_1023 : vector<16xf32>
        %add3A_1025 = arith.addf %add3A_929, %exp3A_1024 : vector<16xf32>
        %and3A_1026 = arith.andi %get3A_958, %broadcast_in_dim3A_3 : vector<16xi32>
        %bitcast3A_1027 = vector.bitcast %and3A_1026 : vector<16xi32> to vector<16xf32>
        %mul3A_1028 = arith.mulf %exp3A_1024, %bitcast3A_1027 : vector<16xf32>
        %add3A_1029 = arith.addf %add3A_933, %mul3A_1028 : vector<16xf32>
        %and3A_1030 = arith.andi %get3A_963, %broadcast_in_dim3A_3 : vector<16xi32>
        %bitcast3A_1031 = vector.bitcast %and3A_1030 : vector<16xi32> to vector<16xf32>
        %mul3A_1032 = arith.mulf %exp3A_1024, %bitcast3A_1031 : vector<16xf32>
        %add3A_1033 = arith.addf %add3A_937, %mul3A_1032 : vector<16xf32>
        %and3A_1034 = arith.andi %get3A_968, %broadcast_in_dim3A_3 : vector<16xi32>
        %bitcast3A_1035 = vector.bitcast %and3A_1034 : vector<16xi32> to vector<16xf32>
        %mul3A_1036 = arith.mulf %exp3A_1024, %bitcast3A_1035 : vector<16xf32>
        %add3A_1037 = arith.addf %add3A_941, %mul3A_1036 : vector<16xf32>
        %and3A_1038 = arith.andi %get3A_973, %broadcast_in_dim3A_3 : vector<16xi32>
        %bitcast3A_1039 = vector.bitcast %and3A_1038 : vector<16xi32> to vector<16xf32>
        %mul3A_1040 = arith.mulf %exp3A_1024, %bitcast3A_1039 : vector<16xf32>
        %add3A_1041 = arith.addf %add3A_945, %mul3A_1040 : vector<16xf32>
        %and3A_1042 = arith.andi %get3A_978, %broadcast_in_dim3A_3 : vector<16xi32>
        %bitcast3A_1043 = vector.bitcast %and3A_1042 : vector<16xi32> to vector<16xf32>
        %mul3A_1044 = arith.mulf %exp3A_1024, %bitcast3A_1043 : vector<16xf32>
        %add3A_1045 = arith.addf %add3A_949, %mul3A_1044 : vector<16xf32>
        %and3A_1046 = arith.andi %get3A_983, %broadcast_in_dim3A_3 : vector<16xi32>
        %bitcast3A_1047 = vector.bitcast %and3A_1046 : vector<16xi32> to vector<16xf32>
        %mul3A_1048 = arith.mulf %exp3A_1024, %bitcast3A_1047 : vector<16xf32>
        %add3A_1049 = arith.addf %add3A_953, %mul3A_1048 : vector<16xf32>
        %broadcast_in_dim3A_1050 = arith.constant 1.000000e+00 : f32
        %broadcast_in_dim3A_1051 = vector.broadcast %broadcast_in_dim3A_1050 : f32 to vector<16xf32>
        %div3A = arith.divf %broadcast_in_dim3A_1051, %add3A_1025 : vector<16xf32>
        %get3A_1052 = arith.index_cast %scan3A_234 : i32 to index
        %get3A_1053 = arith.constant 0 : index
        %get3A_1054 = tpu.vector_load %arg15[%get3A_1052, %get3A_1053] {strides = array<i32>} : memref<32x128xf32, #tpu.memory_space<vmem>>, vector<16xf32>,
        %mul3A_1055 = arith.mulf %add3A_1029, %div3A : vector<16xf32>
        %add3A_1056 = arith.addf %get3A_1054, %mul3A_1055 : vector<16xf32>
        %swap3A = arith.index_cast %scan3A_234 : i32 to index
        %swap3A_1057 = arith.constant 0 : index
        %swap3A_1058 = tpu.vector_load %arg16[%swap3A, %swap3A_1057] {strides = array<i32>} : memref<32x128xf32, #tpu.memory_space<vmem>>, vector<16xf32>,
        tpu.vector_store %arg16[%swap3A, %swap3A_1057], %add3A_1056 {strides = array<i32>} : memref<32x128xf32, #tpu.memory_space<vmem>>, vector<16xf32>,
        %get3A_1059 = arith.index_cast %scan3A_234 : i32 to index
        %get3A_1060 = arith.constant 16 : index
        %get3A_1061 = tpu.vector_load %arg15[%get3A_1059, %get3A_1060] {strides = array<i32>} : memref<32x128xf32, #tpu.memory_space<vmem>>, vector<16xf32>,
        %mul3A_1062 = arith.mulf %add3A_1033, %div3A : vector<16xf32>
        %add3A_1063 = arith.addf %get3A_1061, %mul3A_1062 : vector<16xf32>
        %swap3A_1064 = arith.index_cast %scan3A_234 : i32 to index
        %swap3A_1065 = arith.constant 16 : index
        %swap3A_1066 = tpu.vector_load %arg16[%swap3A_1064, %swap3A_1065] {strides = array<i32>} : memref<32x128xf32, #tpu.memory_space<vmem>>, vector<16xf32>,
        tpu.vector_store %arg16[%swap3A_1064, %swap3A_1065], %add3A_1063 {strides = array<i32>} : memref<32x128xf32, #tpu.memory_space<vmem>>, vector<16xf32>,
        %get3A_1067 = arith.index_cast %scan3A_234 : i32 to index
        %get3A_1068 = arith.constant 32 : index
        %get3A_1069 = tpu.vector_load %arg15[%get3A_1067, %get3A_1068] {strides = array<i32>} : memref<32x128xf32, #tpu.memory_space<vmem>>, vector<16xf32>,
        %mul3A_1070 = arith.mulf %add3A_1037, %div3A : vector<16xf32>
        %add3A_1071 = arith.addf %get3A_1069, %mul3A_1070 : vector<16xf32>
        %swap3A_1072 = arith.index_cast %scan3A_234 : i32 to index
        %swap3A_1073 = arith.constant 32 : index
        %swap3A_1074 = tpu.vector_load %arg16[%swap3A_1072, %swap3A_1073] {strides = array<i32>} : memref<32x128xf32, #tpu.memory_space<vmem>>, vector<16xf32>,
        tpu.vector_store %arg16[%swap3A_1072, %swap3A_1073], %add3A_1071 {strides = array<i32>} : memref<32x128xf32, #tpu.memory_space<vmem>>, vector<16xf32>,
        %get3A_1075 = arith.index_cast %scan3A_234 : i32 to index
        %get3A_1076 = arith.constant 48 : index
        %get3A_1077 = tpu.vector_load %arg15[%get3A_1075, %get3A_1076] {strides = array<i32>} : memref<32x128xf32, #tpu.memory_space<vmem>>, vector<16xf32>,
        %mul3A_1078 = arith.mulf %add3A_1041, %div3A : vector<16xf32>
        %add3A_1079 = arith.addf %get3A_1077, %mul3A_1078 : vector<16xf32>
        %swap3A_1080 = arith.index_cast %scan3A_234 : i32 to index
        %swap3A_1081 = arith.constant 48 : index
        %swap3A_1082 = tpu.vector_load %arg16[%swap3A_1080, %swap3A_1081] {strides = array<i32>} : memref<32x128xf32, #tpu.memory_space<vmem>>, vector<16xf32>,
        tpu.vector_store %arg16[%swap3A_1080, %swap3A_1081], %add3A_1079 {strides = array<i32>} : memref<32x128xf32, #tpu.memory_space<vmem>>, vector<16xf32>,
        %get3A_1083 = arith.index_cast %scan3A_234 : i32 to index
        %get3A_1084 = arith.constant 64 : index
        %get3A_1085 = tpu.vector_load %arg15[%get3A_1083, %get3A_1084] {strides = array<i32>} : memref<32x128xf32, #tpu.memory_space<vmem>>, vector<16xf32>,
        %mul3A_1086 = arith.mulf %add3A_1045, %div3A : vector<16xf32>
        %add3A_1087 = arith.addf %get3A_1085, %mul3A_1086 : vector<16xf32>
        %swap3A_1088 = arith.index_cast %scan3A_234 : i32 to index
        %swap3A_1089 = arith.constant 64 : index
        %swap3A_1090 = tpu.vector_load %arg16[%swap3A_1088, %swap3A_1089] {strides = array<i32>} : memref<32x128xf32, #tpu.memory_space<vmem>>, vector<16xf32>,
        tpu.vector_store %arg16[%swap3A_1088, %swap3A_1089], %add3A_1087 {strides = array<i32>} : memref<32x128xf32, #tpu.memory_space<vmem>>, vector<16xf32>,
        %get3A_1091 = arith.index_cast %scan3A_234 : i32 to index
        %get3A_1092 = arith.constant 80 : index
        %get3A_1093 = tpu.vector_load %arg15[%get3A_1091, %get3A_1092] {strides = array<i32>} : memref<32x128xf32, #tpu.memory_space<vmem>>, vector<16xf32>,
        %mul3A_1094 = arith.mulf %add3A_1049, %div3A : vector<16xf32>
        %add3A_1095 = arith.addf %get3A_1093, %mul3A_1094 : vector<16xf32>
        %swap3A_1096 = arith.index_cast %scan3A_234 : i32 to index
        %swap3A_1097 = arith.constant 80 : index
        %swap3A_1098 = tpu.vector_load %arg16[%swap3A_1096, %swap3A_1097] {strides = array<i32>} : memref<32x128xf32, #tpu.memory_space<vmem>>, vector<16xf32>,
        tpu.vector_store %arg16[%swap3A_1096, %swap3A_1097], %add3A_1095 {strides = array<i32>} : memref<32x128xf32, #tpu.memory_space<vmem>>, vector<16xf32>,
      }
      %scan3A_229 = arith.constant 32 : i32
      %dma_start3A_230 = arith.constant 0 : i32
      %dma_start3A_231 = tpu.memref_slice %arg6[%add3A_218, %dma_start3A_230] : memref<8192x128xf32, #tpu.memory_space<hbm>> -> memref<32x128xf32, #tpu.memory_space<hbm>>
      %dma_start3A_232 = arith.constant 0 : i32
      %dma_start3A_233 = tpu.memref_slice %arg6[%add3A_218, %dma_start3A_232] : memref<8192x128xf32, #tpu.memory_space<hbm>> -> memref<32x128xf32, #tpu.memory_space<hbm>>
      tpu.enqueue_dma source(%arg16 : memref<32x128xf32, #tpu.memory_space<vmem>>) target(%dma_start3A_233 : memref<32x128xf32, #tpu.memory_space<hbm>>) target_semaphore(%arg24 : memref<!tpu.dma_semaphore, #tpu.memory_space<semaphore_mem>>)
    }
    %scan3A_44 = arith.constant 4 : i32
    %add3A_45 = arith.constant 192 : i32
    %add3A_46 = arith.addi %mul3A_2, %add3A_45 : i32
    %dma_wait3A = arith.constant 0 : i32
    %dma_wait3A_47 = tpu.memref_slice %arg6[%add3A_46, %dma_wait3A] : memref<8192x128xf32, #tpu.memory_space<hbm>> -> memref<32x128xf32, #tpu.memory_space<hbm>>
    %dma_wait3A_48 = arith.constant 0 : i32
    %dma_wait3A_49 = tpu.memref_slice %arg6[%add3A_46, %dma_wait3A_48] : memref<8192x128xf32, #tpu.memory_space<hbm>> -> memref<32x128xf32, #tpu.memory_space<hbm>>
    tpu.wait_dma2 semaphore(%arg20 : memref<!tpu.dma_semaphore, #tpu.memory_space<semaphore_mem>>) src(%arg11 : memref<32x128xf32, #tpu.memory_space<vmem>>) dst(%dma_wait3A_49 : memref<32x128xf32, #tpu.memory_space<hbm>>)
    %add3A_50 = arith.constant 224 : i32
    %add3A_51 = arith.addi %mul3A_2, %add3A_50 : i32
    %dma_wait3A_52 = arith.constant 0 : i32
    %dma_wait3A_53 = tpu.memref_slice %arg6[%add3A_51, %dma_wait3A_52] : memref<8192x128xf32, #tpu.memory_space<hbm>> -> memref<32x128xf32, #tpu.memory_space<hbm>>
    %dma_wait3A_54 = arith.constant 0 : i32
    %dma_wait3A_55 = tpu.memref_slice %arg6[%add3A_51, %dma_wait3A_54] : memref<8192x128xf32, #tpu.memory_space<hbm>> -> memref<32x128xf32, #tpu.memory_space<hbm>>
    tpu.wait_dma2 semaphore(%arg24 : memref<!tpu.dma_semaphore, #tpu.memory_space<semaphore_mem>>) src(%arg16 : memref<32x128xf32, #tpu.memory_space<vmem>>) dst(%dma_wait3A_55 : memref<32x128xf32, #tpu.memory_space<hbm>>)
    return
  }
}

module attributes {stable_mosaic.version = 14 : i64} {
  func.func @_proj_kernel(%arg0: i32, %arg1: memref<1x96x4096xf32, #tpu.memory_space<vmem>>, %arg2: memref<128x96xf32, #tpu.memory_space<vmem>>, %arg3: memref<128x96xf32, #tpu.memory_space<vmem>>, %arg4: memref<128x96xf32, #tpu.memory_space<vmem>>, %arg5: memref<1x128xf32, #tpu.memory_space<vmem>>, %arg6: memref<1x128xf32, #tpu.memory_space<vmem>>, %arg7: memref<1x128xf32, #tpu.memory_space<vmem>>, %arg8: memref<1x4096x128xf32, #tpu.memory_space<vmem>>, %arg9: memref<1x4096x128xi32, #tpu.memory_space<vmem>>) attributes {dimension_semantics = [#tpu.dimension_semantics<arbitrary>], iteration_bounds = array<i64: 2>, scalar_prefetch = 0 : i64, scratch_operands = 0 : i64, tpu.core_type = #tpu.core_type<tc>, window_params = [{transform_indices = @transform_0, window_bounds = array<i64: 1, 96, 4096>}, {pipeline_mode = #tpu.pipeline_mode<synchronous>, transform_indices = @transform_1, window_bounds = array<i64: 128, 96>}, {pipeline_mode = #tpu.pipeline_mode<synchronous>, transform_indices = @transform_2, window_bounds = array<i64: 128, 96>}, {pipeline_mode = #tpu.pipeline_mode<synchronous>, transform_indices = @transform_3, window_bounds = array<i64: 128, 96>}, {pipeline_mode = #tpu.pipeline_mode<synchronous>, transform_indices = @transform_4, window_bounds = array<i64: 1, 128>}, {pipeline_mode = #tpu.pipeline_mode<synchronous>, transform_indices = @transform_5, window_bounds = array<i64: 1, 128>}, {pipeline_mode = #tpu.pipeline_mode<synchronous>, transform_indices = @transform_6, window_bounds = array<i64: 1, 128>}, {transform_indices = @transform_7, window_bounds = array<i64: 1, 4096, 128>}, {transform_indices = @transform_8, window_bounds = array<i64: 1, 4096, 128>}]} {
    %get3A = arith.constant 0 : index
    %get3A_0 = arith.constant 0 : index
    %get3A_1 = arith.constant 0 : index
    %get3A_2 = vector.load %arg1[%get3A, %get3A_0, %get3A_1] : memref<1x96x4096xf32, #tpu.memory_space<vmem>>, vector<1x96x4096xf32>
    %get3A_3 = vector.shape_cast %get3A_2 : vector<1x96x4096xf32> to vector<96x4096xf32>
    %convert_element_type3A = arith.truncf %get3A_3 : vector<96x4096xf32> to vector<96x4096xbf16>
    %get3A_4 = arith.constant 0 : index
    %get3A_5 = arith.constant 0 : index
    %get3A_6 = vector.load %arg2[%get3A_4, %get3A_5] : memref<128x96xf32, #tpu.memory_space<vmem>>, vector<128x96xf32>
    %convert_element_type3A_7 = arith.truncf %get3A_6 : vector<128x96xf32> to vector<128x96xbf16>
    %dot_general3A = arith.constant dense<0.000000e+00> : vector<4096x128xf32>
    %dot_general3A_8 = tpu.matmul %convert_element_type3A, %convert_element_type3A_7, %dot_general3A {dimension_numbers = #tpu.dot_dimension_numbers<[0], [1], [1], [0], [0, 1, 1, 0], [], []>, transpose_lhs_hint = false} : vector<96x4096xbf16>, vector<128x96xbf16>, vector<4096x128xf32> -> vector<4096x128xf32>
    %get3A_9 = arith.constant 0 : index
    %get3A_10 = arith.constant 0 : index
    %get3A_11 = vector.load %arg5[%get3A_9, %get3A_10] : memref<1x128xf32, #tpu.memory_space<vmem>>, vector<1x128xf32>
    %add3A = vector.broadcast %get3A_11 : vector<1x128xf32> to vector<4096x128xf32>
    %add3A_12 = arith.addf %dot_general3A_8, %add3A : vector<4096x128xf32>
    %swap3A = arith.constant 0 : index
    %swap3A_13 = arith.constant 0 : index
    %swap3A_14 = arith.constant 0 : index
    %swap3A_15 = vector.load %arg8[%swap3A, %swap3A_13, %swap3A_14] : memref<1x4096x128xf32, #tpu.memory_space<vmem>>, vector<1x4096x128xf32>
    %swap3A_16 = vector.shape_cast %swap3A_15 : vector<1x4096x128xf32> to vector<4096x128xf32>
    %swap3A_17 = vector.shape_cast %add3A_12 : vector<4096x128xf32> to vector<1x4096x128xf32>
    tpu.vector_store %arg8[%swap3A, %swap3A_13, %swap3A_14], %swap3A_17 {strides = array<i32>} : memref<1x4096x128xf32, #tpu.memory_space<vmem>>, vector<1x4096x128xf32>,
    %get3A_18 = arith.constant 0 : index
    %get3A_19 = arith.constant 0 : index
    %get3A_20 = vector.load %arg3[%get3A_18, %get3A_19] : memref<128x96xf32, #tpu.memory_space<vmem>>, vector<128x96xf32>
    %convert_element_type3A_21 = arith.truncf %get3A_20 : vector<128x96xf32> to vector<128x96xbf16>
    %dot_general3A_22 = arith.constant dense<0.000000e+00> : vector<4096x128xf32>
    %dot_general3A_23 = tpu.matmul %convert_element_type3A, %convert_element_type3A_21, %dot_general3A_22 {dimension_numbers = #tpu.dot_dimension_numbers<[0], [1], [1], [0], [0, 1, 1, 0], [], []>, transpose_lhs_hint = false} : vector<96x4096xbf16>, vector<128x96xbf16>, vector<4096x128xf32> -> vector<4096x128xf32>
    %get3A_24 = arith.constant 0 : index
    %get3A_25 = arith.constant 0 : index
    %get3A_26 = vector.load %arg6[%get3A_24, %get3A_25] : memref<1x128xf32, #tpu.memory_space<vmem>>, vector<1x128xf32>
    %add3A_27 = vector.broadcast %get3A_26 : vector<1x128xf32> to vector<4096x128xf32>
    %add3A_28 = arith.addf %dot_general3A_23, %add3A_27 : vector<4096x128xf32>
    %convert_element_type3A_29 = arith.truncf %add3A_28 : vector<4096x128xf32> to vector<4096x128xbf16>
    %bitcast_convert_type3A = tpu.bitcast %convert_element_type3A_29 : vector<4096x128xbf16> -> vector<4096x128xi16>
    %convert_element_type3A_30 = arith.extui %bitcast_convert_type3A : vector<4096x128xi16> to vector<4096x128xi32>
    %get3A_31 = arith.constant 0 : index
    %get3A_32 = arith.constant 0 : index
    %get3A_33 = vector.load %arg4[%get3A_31, %get3A_32] : memref<128x96xf32, #tpu.memory_space<vmem>>, vector<128x96xf32>
    %convert_element_type3A_34 = arith.truncf %get3A_33 : vector<128x96xf32> to vector<128x96xbf16>
    %dot_general3A_35 = arith.constant dense<0.000000e+00> : vector<4096x128xf32>
    %dot_general3A_36 = tpu.matmul %convert_element_type3A, %convert_element_type3A_34, %dot_general3A_35 {dimension_numbers = #tpu.dot_dimension_numbers<[0], [1], [1], [0], [0, 1, 1, 0], [], []>, transpose_lhs_hint = false} : vector<96x4096xbf16>, vector<128x96xbf16>, vector<4096x128xf32> -> vector<4096x128xf32>
    %get3A_37 = arith.constant 0 : index
    %get3A_38 = arith.constant 0 : index
    %get3A_39 = vector.load %arg7[%get3A_37, %get3A_38] : memref<1x128xf32, #tpu.memory_space<vmem>>, vector<1x128xf32>
    %add3A_40 = vector.broadcast %get3A_39 : vector<1x128xf32> to vector<4096x128xf32>
    %add3A_41 = arith.addf %dot_general3A_36, %add3A_40 : vector<4096x128xf32>
    %convert_element_type3A_42 = arith.truncf %add3A_41 : vector<4096x128xf32> to vector<4096x128xbf16>
    %bitcast_convert_type3A_43 = tpu.bitcast %convert_element_type3A_42 : vector<4096x128xbf16> -> vector<4096x128xi16>
    %convert_element_type3A_44 = arith.extui %bitcast_convert_type3A_43 : vector<4096x128xi16> to vector<4096x128xi32>
    %shift_left3A = arith.constant 16 : i32
    %shift_left3A_45 = vector.broadcast %shift_left3A : i32 to vector<4096x128xi32>
    %shift_left3A_46 = arith.shli %convert_element_type3A_44, %shift_left3A_45 : vector<4096x128xi32>
    %or3A = arith.ori %shift_left3A_46, %convert_element_type3A_30 : vector<4096x128xi32>
    %bitcast_convert_type3A_47 = tpu.bitcast %or3A : vector<4096x128xi32> -> vector<4096x128xi32>
    %swap3A_48 = arith.constant 0 : index
    %swap3A_49 = arith.constant 0 : index
    %swap3A_50 = arith.constant 0 : index
    %swap3A_51 = vector.load %arg9[%swap3A_48, %swap3A_49, %swap3A_50] : memref<1x4096x128xi32, #tpu.memory_space<vmem>>, vector<1x4096x128xi32>
    %swap3A_52 = vector.shape_cast %swap3A_51 : vector<1x4096x128xi32> to vector<4096x128xi32>
    %swap3A_53 = vector.shape_cast %bitcast_convert_type3A_47 : vector<4096x128xi32> to vector<1x4096x128xi32>
    tpu.vector_store %arg9[%swap3A_48, %swap3A_49, %swap3A_50], %swap3A_53 {strides = array<i32>} : memref<1x4096x128xi32, #tpu.memory_space<vmem>>, vector<1x4096x128xi32>,
    return
  }
  func.func @transform_0(%arg0: i32) -> (i32, i32, i32) {
    %c0_i32 = arith.constant 0 : i32
    %c0_i32_0 = arith.constant 0 : i32
    %c0_i32_1 = arith.constant 0 : i32
    return %arg0, %c0_i32, %c0_i32_0 : i32, i32, i32
  }
  func.func @transform_1(%arg0: i32) -> (i32, i32) {
    %c0_i32 = arith.constant 0 : i32
    %c0_i32_0 = arith.constant 0 : i32
    %c0_i32_1 = arith.constant 0 : i32
    return %c0_i32, %c0_i32_0 : i32, i32
  }
  func.func @transform_2(%arg0: i32) -> (i32, i32) {
    %c0_i32 = arith.constant 0 : i32
    %c0_i32_0 = arith.constant 0 : i32
    %c0_i32_1 = arith.constant 0 : i32
    return %c0_i32, %c0_i32_0 : i32, i32
  }
  func.func @transform_3(%arg0: i32) -> (i32, i32) {
    %c0_i32 = arith.constant 0 : i32
    %c0_i32_0 = arith.constant 0 : i32
    %c0_i32_1 = arith.constant 0 : i32
    return %c0_i32, %c0_i32_0 : i32, i32
  }
  func.func @transform_4(%arg0: i32) -> (i32, i32) {
    %c0_i32 = arith.constant 0 : i32
    %c0_i32_0 = arith.constant 0 : i32
    %c0_i32_1 = arith.constant 0 : i32
    return %c0_i32, %c0_i32_0 : i32, i32
  }
  func.func @transform_5(%arg0: i32) -> (i32, i32) {
    %c0_i32 = arith.constant 0 : i32
    %c0_i32_0 = arith.constant 0 : i32
    %c0_i32_1 = arith.constant 0 : i32
    return %c0_i32, %c0_i32_0 : i32, i32
  }
  func.func @transform_6(%arg0: i32) -> (i32, i32) {
    %c0_i32 = arith.constant 0 : i32
    %c0_i32_0 = arith.constant 0 : i32
    %c0_i32_1 = arith.constant 0 : i32
    return %c0_i32, %c0_i32_0 : i32, i32
  }
  func.func @transform_7(%arg0: i32) -> (i32, i32, i32) {
    %c0_i32 = arith.constant 0 : i32
    %c0_i32_0 = arith.constant 0 : i32
    %c0_i32_1 = arith.constant 0 : i32
    return %arg0, %c0_i32, %c0_i32_0 : i32, i32, i32
  }
  func.func @transform_8(%arg0: i32) -> (i32, i32, i32) {
    %c0_i32 = arith.constant 0 : i32
    %c0_i32_0 = arith.constant 0 : i32
    %c0_i32_1 = arith.constant 0 : i32
    return %arg0, %c0_i32, %c0_i32_0 : i32, i32, i32
  }
}

</mosaic_0001>

<sc_bundles>
// kernel: kernel.4.cloned.1.call-start
scs
__scs_entry_jumppad:
0x0: {  	(pc) =	sbr.rel $0x88, $3  }
0x1: {  	(tag) =	ssettag $0x0;
	lr =	simm.s32 $0x1  }
0x2: {  	[smem:$0x3F9D] =	sst lr;
	_ =	strace $0xD0000000  }
0x3: {  	_ = 	snop  }
0x4: {  	_ = 	snop  }
0x5: {  	_ = 	snop  }
0x6: {  	_ = 	snop  }
0x7: {  	_ = 	snop  }
__scs_overlays_trampoline_lowered:
0x8: {  	[smem:$0x3FAC] =	sst s0  }
0x9: {  	[smem:$0x3FAD] =	sst s1  }
0xa: {  	[smem:$0x3FAE] =	sst s2  }
0xb: {  	[smem:$0x3FAF] =	sst s3  }
0xc: {  	[smem:$0x3FB0] =	sst s4  }
0xd: {  	[smem:$0x3FB1] =	sst s5  }
0xe: {  	[smem:$0x3FB2] =	sst s6  }
0xf: {  	[smem:$0x3FB3] =	sst s7  }
0x10: {  	[smem:$0x3FB4] =	sst s8  }
0x11: {  	[smem:$0x3FB5] =	sst s9;
	s0 =	simm.s32 @!p0 $0x0  }
0x12: {  	s1 =	sld [smem:$0x3F9B];
	s0 =	simm.s32 @p0 $0x1  }
0x13: {  	[smem:$0x3FB6] =	sst s0;
	s0 =	simm.s32 @!p1 $0x0  }
0x14: {  	s2 =	sld [smem:$0x3F9A];
	s0 =	simm.s32 @p1 $0x1  }
0x15: {  	[smem:$0x3FB7] =	sst s0;
	s0 =	simm.s32 @!p2 $0x0  }
0x16: {  	s3 =	sld [smem:$0x3FDB];
	s0 =	simm.s32 @p2 $0x1  }
0x17: {  	s4 =	simm.s32 $0x1BF5;
	[smem:$0x3FB9] =	sst s0  }
0x18: {  	s0 =	sld [smem:$0x3F9C];
	_ =	swait.ge [sflag:s4], $0x0  }
0x19: {  	s7 =	sld [smem:$0x3F9D]  }
0x1a: {  	s8 =	sadd.s32 $0xFFFFE003, lr  }
0x1b: {  	s9 =	sadd.s32 $0xFFFFFEF7, lr;
	s5 =	simm.s32 $0xFFFFFFFF;
	p2 =	slt.u32 s8, $0xFFFFF086  }
0x1c: {  	p1 =	slt.u32 s9, $0xF7A;
	s5 =	simm.s32 @!p2 $0x0  }
0x1d: {  	s5 =	simm.s32 @p1 $0x1;
	p0 =	seq.s32 s7, s2  }
0x1e: {  	s7 =	smul.u32 @!p0 $0xF7A, s2;
	p2 =	seq.s32 @!p0 s5, $0x0  }
0x1f: {  	s9 =	smul.u32 $0xF7A, s1;
	s8 =	simm.s32 @!p0 $0x1BF5;
	p2 =	por !p2, p0  }
0x20: {  	[sflag:s8] =	ssyncset.s32 @!p0 $0xFFFFF086;
	s6 =	sadd.s32 @!p0 s3, s7;
	s7 =	simm.s32 @!p0 $0x108  }
0x21: {  	s3 =	sadd.s32 s3, s9;
	s6 =	sadd.s32 @!p0 $0x88, s6;
	s7 =	simm.s32 @p2 $0x1082  }
0x22: {  	[simem:s7], [sflag:s8] =	dma.local @!p0 [hbm:s6], $0xF7A  }
0x23: {  	s9 =	sor.u32 $0xD0000000, s2;
	s6 =	simm.s32 $0x108;
	_ =	swait.ge @!p0 [sflag:s8], $0x0  }
0x24: {  	s3 =	sadd.s32 $0x88, s3;
	s6 =	simm.s32 @!p1 $0x1082;
	[sflag:s4] =	ssyncset.s32 $0xFFFFF086  }
0x25: {  	[simem:s6], [sflag:s4] =	dma.local [hbm:s3], $0xF7A  }
0x26: {  	[smem:$0x3F9D] =	sst s1;
	(tag) =	ssettag s2;
	_ =	strace s9  }
0x27: {  	s1 =	sld [smem:$0x3FAD]  }
0x28: {  	s2 =	sld [smem:$0x3FAE]  }
0x29: {  	s4 =	sld [smem:$0x3FB0]  }
0x2a: {  	p0 =	seq.s32 s5, $0x0;
	s5 =	sld [smem:$0x3FB1]  }
0x2b: {  	s6 =	sld [smem:$0x3FB2]  }
0x2c: {  	s7 =	sld [smem:$0x3FB3]  }
0x2d: {  	s3 =	simm.s32 $0x108;
	s8 =	sld [smem:$0x3FB4]  }
0x2e: {  	s3 =	simm.s32 @!p0 $0x1082;
	s9 =	sld [smem:$0x3FB5]  }
0x2f: {  	lr =	sadd.s32 s0, s3;
	s0 =	sld [smem:$0x3FAC]  }
0x30: {  	s3 =	sld [smem:$0x3FAF]  }
0x31: {  	[smem:$0x3FB8] =	sst s10  }
0x32: {  	s10 =	sld [smem:$0x3FB6];
	_ =	sdelay $0x3  }
0x33: {  	p0 =	seq.s32 s10, $0x1;
	s10 =	sld [smem:$0x3FB8];
	_ =	sdelay $0x3  }
0x34: {  	[smem:$0x3FB8] =	sst s10  }
0x35: {  	s10 =	sld [smem:$0x3FB7];
	_ =	sdelay $0x3  }
0x36: {  	p1 =	seq.s32 s10, $0x1;
	s10 =	sld [smem:$0x3FB8];
	_ =	sdelay $0x3  }
0x37: {  	[smem:$0x3FB8] =	sst s10  }
0x38: {  	s10 =	sld [smem:$0x3FB9]  }
0x39: {  	_ = 	snop;
	(pc) =	sbr.ind lr, $3  }
0x3a: {  	_ = 	snop  }
0x3b: {  	_ = 	snop  }
0x3c: {  	p2 =	seq.s32 s10, $0x1;
	s10 =	sld [smem:$0x3FB8]  }
0x3d: {  	_ =	shalt  }
0x3e: {  	_ =	shalt  }
0x3f: {  	_ =	shalt  }
0x40: {  	_ =	shalt  }
0x41: {  	_ =	shalt  }
0x42: {  	_ =	shalt  }
0x43: {  	_ =	shalt  }
0x44: {  	_ =	shalt  }
0x45: {  	_ =	shalt  }
0x46: {  	_ =	shalt  }
0x47: {  	_ =	shalt  }
0x48: {  	_ =	shalt  }
0x49: {  	_ =	shalt  }
0x4a: {  	_ =	shalt  }
0x4b: {  	_ =	shalt  }
0x4c: {  	_ =	shalt  }
0x4d: {  	_ =	shalt  }
0x4e: {  	_ =	shalt  }
0x4f: {  	_ =	shalt  }
0x50: {  	_ =	shalt  }
0x51: {  	_ =	shalt  }
0x52: {  	_ =	shalt  }
0x53: {  	_ =	shalt  }
0x54: {  	_ =	shalt  }
0x55: {  	_ =	shalt  }
0x56: {  	_ =	shalt  }
0x57: {  	_ =	shalt  }
0x58: {  	_ =	shalt  }
0x59: {  	_ =	shalt  }
0x5a: {  	_ =	shalt  }
0x5b: {  	_ =	shalt  }
0x5c: {  	_ =	shalt  }
0x5d: {  	_ =	shalt  }
0x5e: {  	_ =	shalt  }
0x5f: {  	_ =	shalt  }
0x60: {  	_ =	shalt  }
0x61: {  	_ =	shalt  }
0x62: {  	_ =	shalt  }
0x63: {  	_ =	shalt  }
0x64: {  	_ =	shalt  }
0x65: {  	_ =	shalt  }
0x66: {  	_ =	shalt  }
0x67: {  	_ =	shalt  }
0x68: {  	_ =	shalt  }
0x69: {  	_ =	shalt  }
0x6a: {  	_ =	shalt  }
0x6b: {  	_ =	shalt  }
0x6c: {  	_ =	shalt  }
0x6d: {  	_ =	shalt  }
0x6e: {  	_ =	shalt  }
0x6f: {  	_ =	shalt  }
0x70: {  	_ =	shalt  }
0x71: {  	_ =	shalt  }
0x72: {  	_ =	shalt  }
0x73: {  	_ =	shalt  }
0x74: {  	_ =	shalt  }
0x75: {  	_ =	shalt  }
0x76: {  	_ =	shalt  }
0x77: {  	_ =	shalt  }
0x78: {  	_ =	shalt  }
0x79: {  	_ =	shalt  }
0x7a: {  	_ =	shalt  }
0x7b: {  	_ =	shalt  }
0x7c: {  	_ =	shalt  }
0x7d: {  	_ =	shalt  }
0x7e: {  	_ =	shalt  }
0x7f: {  	_ =	shalt  }
0x80: {  	_ =	shalt  }
0x81: {  	_ =	shalt  }
0x82: {  	_ =	shalt  }
0x83: {  	_ =	shalt  }
0x84: {  	_ =	shalt  }
0x85: {  	_ =	shalt  }
0x86: {  	_ =	shalt  }
0x87: {  	_ =	shalt  }
.Lfunc_end0:
.L_simem_size_0:
called_computation_lowered:
.L_overlay_start_0:
0x88: {  	s2 =	sld [smem:$0x3FD9]  }
0x89: {  	s3 =	sld [smem:$0x3FFE];
	_ =	sdelay $0x1  }
0x8a: {  	s1 =	srdreg.scid  }
0x8b: {  	s0 =	sand.u32 $0x1, s1  }
0x8c: {  	s17 =	sshll.u32 s0, $0xA;
	s2 =	sadd.s32 s3, s2  }
0x8d: {  	s2 =	sadd.s32 s2, s17  }
0x8e: {  	[smem:$0x3FC4] =	sst s2  }
0x8f: {  	_ = 	snop  }
0x90: {  	s2 =	sld [smem:$0x3FD0];
	(tm) =	ssettm $0x1  }
0x91: {  	s18 =	sld [smem:$0x3FFB];
	_ =	sdelay $0x3  }
0x92: {  	_ =	strace s18  }
0x93: {  	s3 =	sld [smem:$0x3FFC];
	_ =	sdelay $0x3  }
0x94: {  	_ =	strace s3  }
0x95: {  	s3 =	sld [smem:$0x3FFD];
	_ =	sdelay $0x3  }
0x96: {  	_ =	strace s3  }
0x97: {  	_ =	strace $0x8FFFFFFF  }
0x98: {  	s19 =	sld [smem:$0x3FDB];
	_ =	sdelay $0x1  }
0x99: {  	s4 =	simm.s32 $_scs_section_size  }
0x9a: {  	s5 =	simm.s32 $_size__tile_overlayer_lowered;
	s6 =	simm.s32 $_tile_overlayer_lowered  }
0x9b: {  	s22 =	simm.s32 $0x1BFF;
	s21 =	sshll.u32 s6, $0x1;
	s3 =	sadd.s32 s4, s19  }
0x9c: {  	s7 =	simm.s32 $0x0;
	s20 =	sshll.u32 s5, $0x1;
	s5 =	sadd.s32 s21, s3  }
0x9d: {  	[timem:s7], [sflag:s22] =	dma.local [hbm:s5], s20  }
0x9e: {  	_ =	swait.ge [sflag:s22], s20  }
0x9f: {  	s4 =	ssub.s32 $0x0, s20;
	[sflag:s22] =	ssyncset.done $0x0  }
0xa0: {  	[sflag:s22] =	ssyncadd.s32 s4;
	_ =	sdelay $0x1  }
0xa1: {  	s23 =	simm.s32 $0x1B8B  }
0xa2: {  	_ =	swait.ge [sflag:s23], $0x1  }
0xa3: {  	[sflag:s23] =	ssyncset.done $0x0  }
0xa4: {  	s25 =	simm.s32 $0x1B8E;
	s24 =	sld [smem:$0x3FFE];
	[sflag:s23] =	ssyncadd.s32 $0xFFFFFFFF  }
0xa5: {  	s26 =	simm.s32 $execute0_lowered;
	[smem:$0x3FD2] =	sst s25  }
0xa6: {  	s5 =	sshll.u32 s26, $0x1;
	_ =	strace $0x80000046;
	[dreg:$0x1] =	wrdreg $0xFFFFFFFF  }
0xa7: {  	s28 =	simm.s32 $_size_execute0_lowered;
	s3 =	sadd.s32 s3, s5;
	[dreg:$0x0] =	wrdreg $0x0  }
0xa8: {  	s5 =	sshll.u32 s28, $0x1;
	[dreg:$0x2] =	wrdreg s3  }
0xa9: {  	[dreg:$0x3] =	wrdreg s5  }
0xaa: {  	[dreg:$0x4] =	wrdreg $0xC0  }
0xab: {  	_ =	task [dreg:s7], $0x5FFFF  }
0xac: {  	[dreg:$0x1] =	wrdreg $0xFFFFFFFF  }
0xad: {  	[dreg:$0x0] =	wrdreg $0x60  }
0xae: {  	[dreg:$0x2] =	wrdreg s2  }
0xaf: {  	[dreg:$0x3] =	wrdreg s24  }
0xb0: {  	[dreg:$0x4] =	wrdreg $0x9  }
0xb1: {  	_ =	task.clear_ibuf [dreg:s7], $0x5FFFF;
	_ =	strace $0x90000046  }
0xb2: {  	s29 =	simm.s32 $0x9;
	_ =	strace $0x80000048  }
0xb3: {  	_ =	swait.ge [sflag:s29], $0x1  }
0xb4: {  	[sflag:s29] =	ssyncadd.s32 $0xFFFFFFFF  }
0xb5: {  	_ =	strace $0x90000048  }
0xb6: {  	_ =	sfence  }
0xb7: {  	s30 =	sld [smem:$0x0];
	_ =	sdelay $0x2  }
0xb8: {  	s31 =	sshll.u32 s1, $0xD;
	s1 =	sshrl.u32 s1, $0x2  }
0xb9: {  	s3 =	sand.u32 $0x4000, s31;
	s1 =	sadd.s32 s1, s30  }
0xba: {  	s0 =	sor.u32 s3, s0;
	s1 =	sshll.u32 s1, $0x11  }
0xbb: {  	s0 =	sor.u32 s1, s0  }
0xbc: {  	s0 =	sadd.s32 $0x8F2B, s0  }
0xbd: {  	[sflag:s0] =	ssyncadd.remote.s32 $0x1  }
0xbe: {  	_ =	sfence.sel $0xFFFF  }
0xbf: {  	[dreg:$0x0] =	wrdreg $0xFFFFFFFF;
	(pc) =	sbr.abs _section_cstart, $3  }
0xc0: {  	[dreg:$0x1] =	wrdreg $0xFFFFFFFF  }
0xc1: {  	_ =	task.clear_ibuf [dreg:s7], $0x2FFFF;
	_ =	strace $0x9FFFFFFF  }
0xc2: {  	(tm) =	ssettm $0x7FFFFFFF  }
0xc3: {  	_ =	shalt  }
tec
execute0_lowered:
.L_overlay_start_1:
0x0: {  	(tag) =	ssettag $0x1  }
0x1: {  	s1 =	rddreg [dreg:$0x0]  }
0x2: {  	s0 =	rddreg [dreg:$0x1];
	s2 =	simm.s32 $0x0  }
0x3: {  	s3 =	srdreg.scid;
	s6 =	stileid.u32;
	s15 =	simm.s32 $0x9  }
0x4: {  	s16 =	simm.s32 $0x80;
	s21 =	simm.s32 $0xB100;
	s22 =	simm.s32 $0xC200  }
0x5: {  	s23 =	simm.s32 $0xB180;
	s28 =	simm.s32 $0x1;
	s29 =	simm.s32 $0x2  }
0x6: {  	s30 =	simm.s32 $0x3;
	s31 =	simm.s32 $0xA100;
	s17 =	simm.s32 $0x7  }
0x7: {  	s18 =	simm.s32 $0x15200;
	[smem:$0x7FF] =	sst s2;
	s4 =	sadd.s32 $0x11400, s0  }
0x8: {  	s5 =	sadd.s32 $0x31400, s0;
	s3 =	sand.u32 $0x1, s3;
	s7 =	sshll.u32 s6, $0x1  }
0x9: {  	s6 =	sadd.s32 $0x1400, s0;
	_ =	strace $0x80000047;
	s8 =	ssub.s32 $0x2, s3  }
0xa: {  	s3 =	sor.u32 s3, s7;
	s7 =	sadd.s32 $0x33400, s0;
	s24 =	sshrl.u32 s8, $0x1  }
0xb: {  	s9 =	sshll.u32 s3, $0xC;
	s3 =	sshll.u32 s3, $0x8;
	s0 =	ssub.s32 s8, s24  }
0xc: {  	s25 =	sand.u32 $0xF000, s9;
	s10 =	sadd.s32 s5, s3;
	s26 =	sadd.s32 s1, s9  }
0xd: {  	s11 =	sadd.s32 s7, s9;
	s12 =	sor.u32 $0x40, s3;
	s14 =	sor.u32 $0x20, s3  }
0xe: {  	s24 =	simm.s32 $0x10200;
	s3 =	simm.s32 $0x6;
	[dreg:$0x3] =	wrdreg s10  }
0xf: {  	[dreg:$0x4] =	wrdreg s26;
	s8 =	sadd.s32 s6, s25;
	s0 =	smax.u32 s0, $0x1  }
0x10: {  	s25 =	simm.s32 $0xB200;
	s26 =	simm.s32 $0x14200;
	[dreg:$0x5] =	wrdreg s8  }
0x11: {  	s10 =	simm.s32 $0x0;
	[dreg:$0x6] =	wrdreg s0;
	s0 =	simm.s32 $0x5  }
.LBB2_1:
0x12: {  	[dreg:$0x7] =	wrdreg s10  }
0x13: {  	s8 =	rddreg [dreg:$0x3]  }
0x14: {  	[tilespmem:s2], [sflag:$0x9] =	stream.linear.gather [hbm4b:s8+s2], $0x100, $0x38;
	[tilespmem:$0x16200] =	vst v63  }
0x15: {  	_ =	swait.ge [sflag:s15], $0x100  }
0x16: {  	[sflag:s15] =	ssyncset.done $0x0  }
0x17: {  	s9 =	simm.s32 $0x1100;
	[sflag:s15] =	ssyncadd.s32 $0xFFFFFF00  }
0x18: {  	[tilespmem:s9], [sflag:$0x1] =	stream.indirect.gather [hbm4b:s4+s16], $0x80, s2, s16, $0xb8;
	[tilespmem:$0x16200] =	vst v63  }
0x19: {  	s10 =	simm.s32 $0x5100  }
0x1a: {  	[tilespmem:s10], [sflag:$0x1] =	stream.indirect.gather [hbm4b:s4+s16], $0x80, s16, s16, $0xb8;
	[tilespmem:$0x16200] =	vst v63  }
0x1b: {  	s13 =	rddreg [dreg:$0x4];
	s9 =	simm.s32 $0x100  }
0x1c: {  	[tilespmem:s9], [sflag:$0x2] =	stream.linear.gather [hbm4b:s13+s2], $0x1000, $0x38;
	[tilespmem:$0x16200] =	vst v63  }
0x1d: {  	s20 =	simm.s32 $0x9100;
	s19 =	rddreg [dreg:$0x5];
	s9 =	simm.s32 $0x0  }
0x1e: {  	[tilespmem:s20], [sflag:$0x3] =	stream.linear.gather [hbm4b:s19+s2], $0x1000, $0x38;
	[tilespmem:$0x16200] =	vst v63  }
.LBB2_2:
0x1f: {  	s13 =	sshll.u32 s9, $0x6  }
0x20: {  	s8 =	sor.u32 s14, s13  }
0x21: {  	s10 =	sadd.s32 s5, s8  }
0x22: {  	[tilespmem:s21], [sflag:$0x9] =	stream.linear.gather [hbm4b:s10+s2], $0x100, $0x38;
	[tilespmem:$0x16200] =	vst v63  }
0x23: {  	_ =	swait.ge [sflag:s15], $0x100  }
0x24: {  	[sflag:s15] =	ssyncset.done $0x0  }
0x25: {  	[sflag:s15] =	ssyncadd.s32 $0xFFFFFF00  }
0x26: {  	[tilespmem:s22], [sflag:$0x5] =	stream.indirect.gather [hbm4b:s4+s16], $0x80, s21, s16, $0xb8;
	[tilespmem:$0x16200] =	vst v63  }
0x27: {  	s10 =	sshll.u32 s8, $0x4  }
0x28: {  	[tilespmem:s24], [sflag:$0x5] =	stream.indirect.gather [hbm4b:s4+s16], $0x80, s23, s16, $0xb8;
	[tilespmem:$0x16200] =	vst v63  }
0x29: {  	s8 =	sadd.s32 s1, s10;
	s20 =	sand.u32 $0xFE00, s10  }
0x2a: {  	[tilespmem:s25], [sflag:$0x6] =	stream.linear.gather [hbm4b:s8+s2], $0x1000, $0x38;
	[tilespmem:$0x16200] =	vst v63  }
0x2b: {  	s8 =	sadd.s32 s6, s20  }
0x2c: {  	[tilespmem:s26], [sflag:$0x7] =	stream.linear.gather [hbm4b:s8+s2], $0x1000, $0x38;
	[tilespmem:$0x16200] =	vst v63  }
0x2d: {  	_ =	swait.ge [sflag:s28], $0x4000  }
0x2e: {  	[sflag:s28] =	ssyncset.done $0x0  }
0x2f: {  	[sflag:s28] =	ssyncadd.s32 $0xFFFFC000  }
0x30: {  	_ =	swait.ge [sflag:s28], $0x4000  }
0x31: {  	[sflag:s28] =	ssyncset.done $0x0  }
0x32: {  	[sflag:s28] =	ssyncadd.s32 $0xFFFFC000  }
0x33: {  	_ =	swait.ge [sflag:s29], $0x1000  }
0x34: {  	[sflag:s29] =	ssyncset.done $0x0  }
0x35: {  	[sflag:s29] =	ssyncadd.s32 $0xFFFFF000  }
0x36: {  	_ =	swait.ge [sflag:s30], $0x1000  }
0x37: {  	p0 =	seq.s32 s9, $0x0;
	[sflag:s30] =	ssyncset.done $0x0  }
0x38: {  	s8 =	simm.s32 @!p0 $0x4;
	[sflag:s30] =	ssyncadd.s32 $0xFFFFF000  }
0x39: {  	_ =	swait.ge @!p0 [sflag:s8], $0x1000  }
0x3a: {  	[sflag:s8] =	ssyncset.done @!p0 $0x0  }
0x3b: {  	s19 =	simm.s32 $0x0;
	s20 =	simm.s32 $0x1300;
	[sflag:s8] =	ssyncadd.s32 @!p0 $0xFFFFF000  }
.LBB2_3:
0x3c: {  	v18 =	vld [tilespmem:s20+$0xFFFFFE00]  }
0x3d: {  	v19 =	vld [tilespmem:s20+$0xFFFFFE10]  }
0x3e: {  	v20 =	vld [tilespmem:s20+$0xFFFFFE20]  }
0x3f: {  	v21 =	vld [tilespmem:s20+$0xFFFFFE80]  }
0x40: {  	s8 =	sshra.s32 s19, $0x2;
	v22 =	vld [tilespmem:s20+$0xFFFFFE90]  }
0x41: {  	v0 =	vld [tilespmem:s8+$0x100]  }
0x42: {  	v1 =	vld [tilespmem:s8+$0x110]  }
0x43: {  	v2 =	vld [tilespmem:s8+$0x120]  }
0x44: {  	v23 =	vld [tilespmem:s20+$0xFFFFFE30]  }
0x45: {  	v3 =	vld [tilespmem:s8+$0x130]  }
0x46: {  	v5 =	vld [tilespmem:s8+$0x150]  }
0x47: {  	v24 =	vld [tilespmem:s20+$0xFFFFFEA0];
	v32 =	vshll.u32 v18, $0x10;
	v10 =	vmul.f32 $1.020620760e-01, v0;
	v9 =	vmul.f32 $1.020620760e-01, v1  }
0x48: {  	v4 =	vld [tilespmem:s8+$0x140];
	v33 =	vshll.u32 v19, $0x10;
	v35 =	vshll.u32 v20, $0x10;
	v2 =	vmul.f32 $1.020620760e-01, v2  }
0x49: {  	v25 =	vld [tilespmem:s20+$0xFFFFFE40];
	v36 =	vshll.u32 v21, $0x10;
	v6 =	vmul.f32 v32, v10;
	v7 =	vmul.f32 v33, v9  }
0x4a: {  	v26 =	vld [tilespmem:s20+$0xFFFFFEB0];
	v37 =	vshll.u32 v22, $0x10;
	v8 =	vshll.u32 v23, $0x10;
	v3 =	vmul.f32 $1.020620760e-01, v3  }
0x4b: {  	v27 =	vld [tilespmem:s20+$0xFFFFFE50];
	v0 =	vmul.f32 $1.020620760e-01, v5;
	v5 =	vmul.f32 v35, v2;
	v34 =	vadd.f32 v7, v6  }
0x4c: {  	v28 =	vld [tilespmem:s20+$0xFFFFFEC0];
	v39 =	vshll.u32 v24, $0x10;
	v6 =	vmul.f32 v36, v10;
	v7 =	vmul.f32 v37, v9  }
0x4d: {  	v1 =	vmul.f32 $1.020620760e-01, v4;
	v38 =	vmul.f32 v8, v3;
	v4 =	vadd.f32 v5, v34  }
0x4e: {  	v29 =	vld [tilespmem:s20+$0xFFFFFED0];
	v11 =	vshll.u32 v25, $0x10;
	v40 =	vmul.f32 v39, v2;
	v6 =	vadd.f32 v7, v6  }
0x4f: {  	v42 =	vshll.u32 v26, $0x10;
	v41 =	vmul.f32 v11, v1;
	v4 =	vadd.f32 v38, v4  }
0x50: {  	v43 =	vshll.u32 v27, $0x10;
	v44 =	vmul.f32 v42, v3;
	v6 =	vadd.f32 v40, v6  }
0x51: {  	v46 =	vshll.u32 v28, $0x10;
	v45 =	vmul.f32 v43, v0;
	v4 =	vadd.f32 v41, v4  }
0x52: {  	v47 =	vmul.f32 v46, v1;
	v6 =	vadd.f32 v44, v6  }
0x53: {  	v17 =	vld [tilespmem:s20+$0xFFFFFF00];
	v48 =	vshll.u32 v29, $0x10;
	v4 =	vadd.f32 v45, v4  }
0x54: {  	v15 =	vld [tilespmem:s20+$0xFFFFFF10];
	v5 =	vmul.f32 v48, v0;
	v6 =	vadd.f32 v47, v6  }
0x55: {  	v12 =	vld [tilespmem:s20+$0xFFFFFF20];
	(xrf2) =	vadd.scan.msk.f32 $0xffff, v4  }
0x56: {  	v14 =	vld [tilespmem:s20+$0xFFFFFF40];
	v49 =	vadd.f32 v5, v6  }
0x57: {  	v13 =	vld [tilespmem:s20+$0xFFFFFF30]  }
0x58: {  	v4 =	vld [tilespmem:s20+$0xFFFFFF80];
	(xrf2) =	vadd.scan.msk.f32 $0xffff, v49  }
0x59: {  	v55 =	vshll.u32 v17, $0x10;
	v57 =	vshll.u32 v15, $0x10;
	v5 =	vld [tilespmem:s20+$0xFFFFFF90]  }
0x5a: {  	v56 =	vmul.f32 v55, v10;
	v11 =	vld [tilespmem:s20+$0xFFFFFFB0];
	v31 =	vmul.f32 v57, v9  }
0x5b: {  	v61 =	vshll.u32 v14, $0x10;
	v33 =	vshll.u32 v12, $0x10;
	v6 =	vld [tilespmem:s20+$0xFFFFFFA0]  }
0x5c: {  	v33 =	vmul.f32 v33, v2;
	v31 =	vadd.f32 v31, v56;
	v36 =	vshll.u32 v13, $0x10  }
0x5d: {  	v8 =	vld [tilespmem:s20+$0xFFFFFFD0];
	v63 =	vmul.f32 v61, v1;
	v59 =	vmul.f32 v36, v3  }
0x5e: {  	v7 =	vld [tilespmem:s20+$0xFFFFFFC0];
	v31 =	vadd.f32 v33, v31;
	v16 =	vshll.u32 v4, $0x10;
	v32 =	vshll.u32 v5, $0x10  }
0x5f: {  	v60 =	vshll.u32 v11, $0x10;
	v34 =	vmul.f32 v16, v10;
	v32 =	vmul.f32 v32, v9;
	v16 =	vld [tilespmem:s20+$0xFFFFFF50];
	v50, _, _ =	vpop (xrf2)  }
0x60: {  	v31 =	vadd.f32 v59, v31;
	v35 =	vshll.u32 v6, $0x10;
	v51 =	vmul.f32 $1.442695020e+00, v50  }
0x61: {  	v62 =	vmul.f32 v60, v3;
	v58 =	vmul.f32 v35, v2;
	v32 =	vadd.f32 v32, v34  }
0x62: {  	v31 =	vadd.f32 v63, v31;
	v44 =	vshll.u32 v8, $0x10;
	v53, _, _ =	vpop (xrf2);
	v52 =	vbroadcast v51, $0xF  }
0x63: {  	v40 =	vshll.u32 v7, $0x10;
	v32 =	vadd.f32 v58, v32;
	v54 =	vmul.f32 $1.442695020e+00, v53  }
0x64: {  	v42 =	vmul.f32 v40, v1;
	v41 =	vshll.u32 v16, $0x10;
	(erf) = vpow2.f32 v52  }
0x65: {  	v32 =	vadd.f32 v62, v32;
	v43 =	vmul.f32 v41, v0;
	v30 =	vbroadcast v54, $0xF  }
0x66: {  	v46 =	vmul.f32 v44, v0  }
0x67: {  	v36 =	vld [tilespmem:s20+$0x40];
	v45 =	vadd.f32 v42, v32;
	v31 =	vadd.f32 v43, v31;
	(erf) = vpow2.f32 v30;
	_ =	sdelay $0x1  }
0x68: {  	v18 =	vand.u32 $0xFFFF0000, v18;
	v19 =	vand.u32 $0xFFFF0000, v19;
	(xrf2) =	vadd.scan.msk.f32 $0xffff, v31;
	v30 =	vadd.f32 v46, v45  }
0x69: {  	v20 =	vand.u32 $0xFFFF0000, v20;
	v23 =	vand.u32 $0xFFFF0000, v23;
	v25 =	vand.u32 $0xFFFF0000, v25  }
0x6a: {  	v21 =	vand.u32 $0xFFFF0000, v21;
	v22 =	vand.u32 $0xFFFF0000, v22;
	v24 =	vand.u32 $0xFFFF0000, v24;
	(xrf2) =	vadd.scan.msk.f32 $0xffff, v30  }
0x6b: {  	v29 =	vand.u32 $0xFFFF0000, v29;
	v17 =	vand.u32 $0xFFFF0000, v17;
	v46 =	vshll.u32 v36, $0x10  }
0x6c: {  	v56 =	vand.u32 $0xFFFF0000, v28;
	v51 =	vand.u32 $0xFFFF0000, v27;
	v46 =	vmul.f32 v46, v1;
	v47 =	vpop (erf)  }
0x6d: {  	v54 =	vand.u32 $0xFFFF0000, v26;
	v18 =	vmul.f32 v18, v47;
	v20 =	vmul.f32 v20, v47  }
0x6e: {  	v32 =	vld [tilespmem:s20+$0x30];
	v48 =	vadd.f32 $0.0e+00, v47;
	v19 =	vmul.f32 v19, v47;
	v23 =	vmul.f32 v23, v47  }
0x6f: {  	v25 =	vmul.f32 v25, v47;
	v52 =	vpop (erf);
	v18 =	vadd.f32 $0.0e+00, v18;
	v49 =	vadd.f32 $0.0e+00, v20;
	v20 =	vld [tilespmem:s20+$0x0]  }
0x70: {  	v19 =	vadd.f32 $0.0e+00, v19;
	v50 =	vadd.f32 $0.0e+00, v23;
	v21 =	vmul.f32 v21, v52;
	v23 =	vld [tilespmem:s20+$0x10]  }
0x71: {  	v37 =	vadd.f32 $0.0e+00, v25;
	v22 =	vmul.f32 v22, v52;
	v53 =	vmul.f32 v24, v52;
	v24 =	vld [tilespmem:s20+$0x20]  }
0x72: {  	v40 =	vmul.f32 v51, v47;
	v57, _, _ =	vpop (xrf2);
	v39 =	vadd.f32 v52, v48;
	v41 =	vadd.f32 v21, v18;
	v18 =	vld [tilespmem:s20+$0x80]  }
0x73: {  	v55 =	vmul.f32 v54, v52;
	v26 =	vmul.f32 $1.442695020e+00, v57;
	v42 =	vadd.f32 v22, v19;
	v19 =	vld [tilespmem:s20+$0x90]  }
0x74: {  	v38 =	vld [tilespmem:s20+$0x50];
	v30 =	vmul.f32 v56, v52;
	v45 =	vmul.f32 v29, v52;
	v43 =	vadd.f32 v53, v49;
	v58, _, _ =	vpop (xrf2)  }
0x75: {  	v21 =	vld [tilespmem:s20+$0xA0];
	v63 =	vbroadcast v26, $0xF;
	v53 =	vshll.u32 v32, $0x10;
	v59 =	vmul.f32 $1.442695020e+00, v58  }
0x76: {  	v35 =	vld [tilespmem:s20+$0x130];
	v33 =	vmul.f32 v53, v3;
	v60 =	vshll.u32 v20, $0x10;
	v61 =	vshll.u32 v23, $0x10  }
0x77: {  	v44 =	vadd.f32 v55, v50;
	v26 =	vld [tilespmem:s20+$0xB0];
	v62 =	vmul.f32 v60, v10;
	v28 =	vmul.f32 v61, v9  }
0x78: {  	v34 =	vld [tilespmem:s20+$0xD0];
	v50 =	vshll.u32 v24, $0x10;
	v51 =	vshll.u32 v18, $0x10;
	v52 =	vshll.u32 v19, $0x10  }
0x79: {  	v29 =	vld [tilespmem:s20+$0xC0];
	v49 =	vadd.f32 v28, v62;
	v28 =	vmul.f32 v51, v10;
	v31 =	vmul.f32 v52, v9  }
0x7a: {  	v25 =	vld [tilespmem:s20+$0x100];
	(erf) = vpow2.f32 v63;
	v27 =	vmul.f32 v50, v2;
	v55 =	vshll.u32 v21, $0x10  }
0x7b: {  	v22 =	vld [tilespmem:s20+$0x180];
	v48 =	vbroadcast v59, $0xF;
	v56 =	vmul.f32 v55, v2;
	v28 =	vadd.f32 v31, v28  }
0x7c: {  	v57 =	vshll.u32 v26, $0x10;
	v51 =	vadd.f32 v30, v37;
	v37 =	vld [tilespmem:s20+$0x140];
	v54 =	vadd.f32 v27, v49  }
0x7d: {  	v59 =	vshll.u32 v38, $0x10;
	v58 =	vmul.f32 v57, v3;
	v27 =	vld [tilespmem:s20+$0x110];
	v28 =	vadd.f32 v56, v28  }
0x7e: {  	v60 =	vmul.f32 v59, v0;
	v61 =	vshll.u32 v29, $0x10;
	v47 =	vadd.f32 v33, v54;
	v33 =	vld [tilespmem:s20+$0x120]  }
0x7f: {  	(erf) = vpow2.f32 v48;
	v62 =	vshll.u32 v34, $0x10;
	v31 =	vadd.f32 v58, v28;
	v28 =	vld [tilespmem:s20+$0x190]  }
0x80: {  	v48 =	vmul.f32 v61, v1;
	v52 =	vshll.u32 v22, $0x10;
	v63 =	vmul.f32 v62, v0  }
0x81: {  	v30 =	vld [tilespmem:s20+$0x1A0];
	v52 =	vmul.f32 v52, v10;
	v49 =	vshll.u32 v25, $0x10;
	v46 =	vadd.f32 v46, v47  }
0x82: {  	v49 =	vmul.f32 v49, v10;
	v10 =	vld [tilespmem:s20+$0x150];
	v56 =	vshll.u32 v35, $0x10;
	v50 =	vshll.u32 v27, $0x10  }
0x83: {  	v50 =	vmul.f32 v50, v9;
	v46 =	vadd.f32 v60, v46;
	v47 =	vadd.f32 v48, v31;
	v31 =	vld [tilespmem:s20+$0x1B0]  }
0x84: {  	v60 =	vshll.u32 v37, $0x10;
	v55 =	vshll.u32 v33, $0x10;
	v53 =	vshll.u32 v28, $0x10  }
0x85: {  	v49 =	vadd.f32 v50, v49;
	v50 =	vmul.f32 v55, v2;
	v53 =	vmul.f32 v53, v9;
	v9 =	vld [tilespmem:s20+$0x1C0]  }
0x86: {  	v59 =	vshll.u32 v30, $0x10;
	v58 =	vmul.f32 v56, v3;
	v61 =	vmul.f32 v60, v1  }
0x87: {  	(xrf2) =	vadd.scan.msk.f32 $0xffff, v46;
	v57 =	vadd.f32 v50, v49;
	v50 =	vmul.f32 v59, v2;
	v2 =	vld [tilespmem:s20+$0x1D0];
	v52 =	vadd.f32 v53, v52  }
0x88: {  	v47 =	vadd.f32 v63, v47;
	v63 =	vshll.u32 v10, $0x10;
	v62 =	vshll.u32 v31, $0x10  }
0x89: {  	v46 =	vadd.f32 v58, v57;
	v3 =	vmul.f32 v62, v3;
	v50 =	vadd.f32 v50, v52  }
0x8a: {  	v15 =	vand.u32 $0xFFFF0000, v15;
	v48 =	vmul.f32 v63, v0;
	v53 =	vshll.u32 v9, $0x10  }
0x8b: {  	v46 =	vadd.f32 v61, v46;
	v3 =	vadd.f32 v3, v50;
	v1 =	vmul.f32 v53, v1  }
0x8c: {  	v12 =	vand.u32 $0xFFFF0000, v12;
	v13 =	vand.u32 $0xFFFF0000, v13;
	(xrf2) =	vadd.scan.msk.f32 $0xffff, v47;
	v54 =	vshll.u32 v2, $0x10  }
0x8d: {  	v46 =	vadd.f32 v48, v46;
	v0 =	vmul.f32 v54, v0;
	v1 =	vadd.f32 v1, v3  }
0x8e: {  	v11 =	vand.u32 $0xFFFF0000, v11;
	v8 =	vand.u32 $0xFFFF0000, v8;
	v40 =	vadd.f32 $0.0e+00, v40  }
0x8f: {  	v7 =	vand.u32 $0xFFFF0000, v7;
	v4 =	vand.u32 $0xFFFF0000, v4;
	(xrf2) =	vadd.scan.msk.f32 $0xffff, v46;
	v0 =	vadd.f32 v0, v1  }
0x90: {  	v5 =	vand.u32 $0xFFFF0000, v5;
	v6 =	vand.u32 $0xFFFF0000, v6;
	v56 =	vadd.f32 v45, v40;
	v52 =	vpop (erf)  }
0x91: {  	v60 =	vand.u32 $0xFFFF0000, v14;
	v40 =	vand.u32 $0xFFFF0000, v33;
	v61 =	vand.u32 $0xFFFF0000, v16;
	v57, _, _ =	vpop (xrf2);
	(xrf2) =	vadd.scan.msk.f32 $0xffff, v0  }
0x92: {  	v16 =	vand.u32 $0xFFFF0000, v19;
	v9 =	vand.u32 $0xFFFF0000, v9;
	v17 =	vmul.f32 v17, v52  }
0x93: {  	v2 =	vand.u32 $0xFFFF0000, v2;
	v55 =	vmul.f32 v15, v52;
	v1 =	vmul.f32 $1.442695020e+00, v57  }
0x94: {  	v53 =	vand.u32 $0xFFFF0000, v23;
	v58 =	vmul.f32 v12, v52;
	v59 =	vmul.f32 v13, v52  }
0x95: {  	v23 =	vand.u32 $0xFFFF0000, v29;
	v13 =	vmul.f32 v60, v52;
	v1 =	vbroadcast v1, $0xF  }
0x96: {  	v62 =	vadd.f32 v52, v39;
	v14 =	vmul.f32 v61, v52;
	v0 =	vadd.f32 v58, v43;
	v43, _, _ =	vpop (xrf2)  }
0x97: {  	v52 =	vand.u32 $0xFFFF0000, v20;
	v15 =	vmul.f32 $1.442695020e+00, v43;
	(erf) = vpow2.f32 v1  }
0x98: {  	v61 =	vand.u32 $0xFFFF0000, v18;
	v39 =	vand.u32 $0xFFFF0000, v27;
	v17 =	vadd.f32 v17, v41  }
0x99: {  	v3 =	vadd.f32 v55, v42;
	v12 =	vadd.f32 v59, v44;
	v46 =	vbroadcast v15, $0xF;
	v44, _, _ =	vpop (xrf2)  }
0x9a: {  	v13 =	vadd.f32 v13, v51;
	v63 =	vadd.f32 v14, v56;
	v42 =	vpop (erf);
	v47 =	vmul.f32 $1.442695020e+00, v44  }
0x9b: {  	v55 =	vand.u32 $0xFFFF0000, v24;
	v45 =	vmul.f32 v11, v42;
	(erf) = vpow2.f32 v46;
	v50, _, _ =	vpop (xrf2)  }
0x9c: {  	v59 =	vand.u32 $0xFFFF0000, v38;
	v49 =	vbroadcast v47, $0xF;
	v11 =	vmul.f32 $1.442695020e+00, v50  }
0x9d: {  	v38 =	vand.u32 $0xFFFF0000, v25;
	v4 =	vmul.f32 v4, v42;
	v5 =	vmul.f32 v5, v42  }
0x9e: {  	v41 =	vand.u32 $0xFFFF0000, v35;
	(erf) = vpow2.f32 v49;
	v11 =	vbroadcast v11, $0xF  }
0x9f: {  	v6 =	vmul.f32 v6, v42;
	v48 =	vadd.f32 v42, v62;
	v7 =	vmul.f32 v7, v42  }
0xa0: {  	v8 =	vmul.f32 v8, v42;
	v4 =	vadd.f32 v4, v17;
	v51 =	vpop (erf);
	(erf) = vpow2.f32 v11  }
0xa1: {  	v57 =	vand.u32 $0xFFFF0000, v32;
	v3 =	vadd.f32 v5, v3;
	v5 =	vadd.f32 v45, v12  }
0xa2: {  	v7 =	vadd.f32 v7, v13;
	v58 =	vand.u32 $0xFFFF0000, v36;
	v17 =	vand.u32 $0xFFFF0000, v21  }
0xa3: {  	v21 =	vand.u32 $0xFFFF0000, v26;
	v36 =	vand.u32 $0xFFFF0000, v34;
	v45 =	vand.u32 $0xFFFF0000, v10  }
0xa4: {  	v43 =	vand.u32 $0xFFFF0000, v37;
	v0 =	vadd.f32 v6, v0;
	v12 =	vadd.f32 v51, v48  }
0xa5: {  	v1 =	vadd.f32 v8, v63;
	v46 =	vand.u32 $0xFFFF0000, v22;
	v14 =	vmul.f32 v52, v51;
	v60 =	vpop (erf)  }
0xa6: {  	v54 =	vmul.f32 v53, v51;
	v56 =	vmul.f32 v55, v51;
	v63 =	vadd.f32 v60, v12  }
0xa7: {  	v47 =	vand.u32 $0xFFFF0000, v28;
	v13 =	vmul.f32 v58, v51;
	v6 =	vmul.f32 v59, v51;
	v18 =	vpop (erf)  }
0xa8: {  	v48 =	vand.u32 $0xFFFF0000, v30;
	v4 =	vadd.f32 v14, v4;
	v8 =	vadd.f32 v18, v63  }
0xa9: {  	v3 =	vadd.f32 v54, v3;
	v0 =	vadd.f32 v56, v0;
	v11 =	vmul.f32 v57, v51;
	v29 =	vpop (erf)  }
0xaa: {  	v62 =	vmul.f32 v61, v60;
	v19 =	vmul.f32 v16, v60;
	v8 =	vadd.f32 v29, v8  }
0xab: {  	v7 =	vadd.f32 v13, v7;
	v20 =	vmul.f32 v17, v60;
	v24 =	vmul.f32 v21, v60  }
0xac: {  	v1 =	vadd.f32 v6, v1;
	v26 =	vmul.f32 v23, v60;
	(erf) = vrcp.f32 v8  }
0xad: {  	v51 =	vand.u32 $0xFFFF0000, v31;
	v5 =	vadd.f32 v11, v5;
	v4 =	vadd.f32 v62, v4  }
0xae: {  	v3 =	vadd.f32 v19, v3;
	v32 =	vadd.f32 v26, v7;
	v7 =	vmul.f32 v36, v60  }
0xaf: {  	v0 =	vadd.f32 v20, v0;
	v5 =	vadd.f32 v24, v5;
	v11 =	vmul.f32 v39, v18  }
0xb0: {  	v1 =	vadd.f32 v7, v1;
	v12 =	vmul.f32 v40, v18;
	v8 =	vmul.f32 v38, v18  }
0xb1: {  	v42 =	vmul.f32 v41, v18;
	v44 =	vmul.f32 v43, v18;
	v3 =	vadd.f32 v11, v3  }
0xb2: {  	v0 =	vadd.f32 v12, v0;
	v10 =	vmul.f32 v46, v29;
	v4 =	vadd.f32 v8, v4  }
0xb3: {  	v50 =	vld [tilespmem:s8+$0x9100];
	v5 =	vadd.f32 v42, v5;
	v6 =	vadd.f32 v44, v32;
	v11 =	vmul.f32 v47, v29  }
0xb4: {  	v52 =	vld [tilespmem:s8+$0x9110];
	v49 =	vmul.f32 v48, v29;
	v53 =	vmul.f32 v51, v29;
	v4 =	vadd.f32 v10, v4  }
0xb5: {  	v55 =	vld [tilespmem:s8+$0x9120];
	v9 =	vmul.f32 v9, v29;
	v3 =	vadd.f32 v11, v3;
	v8 =	vmul.f32 v45, v18;
	v54 =	vpop (erf)  }
0xb6: {  	v56 =	vld [tilespmem:s8+$0x9130];
	v2 =	vmul.f32 v2, v29;
	v0 =	vadd.f32 v49, v0;
	v4 =	vmul.f32 v54, v4  }
0xb7: {  	v57 =	vld [tilespmem:s8+$0x9140];
	v5 =	vadd.f32 v53, v5;
	v1 =	vadd.f32 v8, v1;
	v3 =	vmul.f32 v54, v3  }
0xb8: {  	v58 =	vld [tilespmem:s8+$0x9150];
	v6 =	vadd.f32 v9, v6;
	v0 =	vmul.f32 v54, v0;
	v4 =	vadd.f32 v4, v50  }
0xb9: {  	v1 =	vadd.f32 v2, v1;
	v60 =	vmul.f32 v54, v5;
	v59 =	vadd.f32 v3, v52  }
0xba: {  	p1 =	sne.s32 s19, $0x3E00;
	v61 =	vmul.f32 v54, v6;
	v0 =	vadd.f32 v0, v55;
	[tilespmem:s8+$0xA100] =	vst v4  }
.Ltmp0:
0xbb: {  	v1 =	vmul.f32 v54, v1;
	v62 =	vadd.f32 v60, v56;
	[tilespmem:s8+$0xA110] =	vst v59;
	(pc) =	sbr.rel @p1 .LBB2_3-.Ltmp0, $4  }
0xbc: {  	v63 =	vadd.f32 v61, v57;
	[tilespmem:s8+$0xA120] =	vst v0  }
0xbd: {  	v1 =	vadd.f32 v1, v58;
	[tilespmem:s8+$0xA130] =	vst v62  }
0xbe: {  	[tilespmem:s8+$0xA140] =	vst v63  }
0xbf: {  	s19 =	sadd.s32 $0x200, s19;
	s20 =	sadd.s32 $0x400, s20;
	[tilespmem:s8+$0xA150] =	vst v1  }
0xc0: {  	s8 =	sshll.u32 s9, $0xA  }
0xc1: {  	p1 =	seq.s32 s9, $0x3;
	s8 =	sadd.s32 s8, s11  }
0xc2: {  	[hbm4b:s8+s2] =	stream.linear.scatter [tilespmem:s31], [sflag:$0x4], $0x1000, $0x38;
	[tilespmem:$0x16200] =	vst v63  }
0xc3: {  	s8 =	sadd.s32 @!p1 s13, s12  }
0xc4: {  	s19 =	simm.s32 @!p1 $0x0;
	s13 =	sadd.s32 @!p1 s5, s8  }
0xc5: {  	[tilespmem:s19], [sflag:$0x9] =	stream.linear.gather @!p1 [hbm4b:s13+s19], $0x100, $0x38;
	[tilespmem:$0x16200] =	vst v63  }
0xc6: {  	s13 =	simm.s32 @!p1 $0x9  }
0xc7: {  	_ =	swait.ge @!p1 [sflag:s13], $0x100  }
0xc8: {  	[sflag:s13] =	ssyncset.done @!p1 $0x0  }
0xc9: {  	s20 =	simm.s32 @!p1 $0x1100;
	[sflag:s13] =	ssyncadd.s32 @!p1 $0xFFFFFF00;
	s13 =	simm.s32 @!p1 $0x80  }
0xca: {  	[tilespmem:s20], [sflag:$0x1] =	stream.indirect.gather @!p1 [hbm4b:s4+s13], $0x80, s19, s13, $0xb8;
	[tilespmem:$0x16200] =	vst v63  }
0xcb: {  	s8 =	sshll.u32 @!p1 s8, $0x4;
	s20 =	simm.s32 @!p1 $0x5100  }
0xcc: {  	[tilespmem:s20], [sflag:$0x1] =	stream.indirect.gather @!p1 [hbm4b:s4+s13], $0x80, s13, s13, $0xb8;
	[tilespmem:$0x16200] =	vst v63  }
0xcd: {  	s13 =	sadd.s32 @!p1 s1, s8;
	s20 =	simm.s32 @!p1 $0x100;
	s8 =	sand.u32 @!p1 $0xFC00, s8  }
0xce: {  	[tilespmem:s20], [sflag:$0x2] =	stream.linear.gather @!p1 [hbm4b:s13+s19], $0x1000, $0x38;
	[tilespmem:$0x16200] =	vst v63  }
0xcf: {  	s8 =	sadd.s32 @!p1 s6, s8;
	s13 =	simm.s32 @!p1 $0x9100  }
0xd0: {  	[tilespmem:s13], [sflag:$0x3] =	stream.linear.gather @!p1 [hbm4b:s8+s19], $0x1000, $0x38;
	[tilespmem:$0x16200] =	vst v63  }
0xd1: {  	_ =	swait.ge [sflag:s0], $0x4000  }
0xd2: {  	[sflag:s0] =	ssyncset.done $0x0  }
0xd3: {  	[sflag:s0] =	ssyncadd.s32 $0xFFFFC000  }
0xd4: {  	_ =	swait.ge [sflag:s0], $0x4000  }
0xd5: {  	[sflag:s0] =	ssyncset.done $0x0  }
0xd6: {  	[sflag:s0] =	ssyncadd.s32 $0xFFFFC000  }
0xd7: {  	_ =	swait.ge [sflag:s3], $0x1000  }
0xd8: {  	[sflag:s3] =	ssyncset.done $0x0  }
0xd9: {  	[sflag:s3] =	ssyncadd.s32 $0xFFFFF000  }
0xda: {  	_ =	swait.ge [sflag:s17], $0x1000  }
0xdb: {  	[sflag:s17] =	ssyncset.done $0x0  }
0xdc: {  	s8 =	simm.s32 @!p0 $0x8;
	[sflag:s17] =	ssyncadd.s32 $0xFFFFF000  }
0xdd: {  	_ =	swait.ge @!p0 [sflag:s8], $0x1000  }
0xde: {  	[sflag:s8] =	ssyncset.done @!p0 $0x0  }
0xdf: {  	s13 =	simm.s32 $0x0;
	s19 =	simm.s32 $0xC400;
	[sflag:s8] =	ssyncadd.s32 @!p0 $0xFFFFF000  }
.LBB2_5:
0xe0: {  	v18 =	vld [tilespmem:s19+$0xFFFFFE00]  }
0xe1: {  	v19 =	vld [tilespmem:s19+$0xFFFFFE10]  }
0xe2: {  	v20 =	vld [tilespmem:s19+$0xFFFFFE20]  }
0xe3: {  	v21 =	vld [tilespmem:s19+$0xFFFFFE80]  }
0xe4: {  	s8 =	sshra.s32 s13, $0x2;
	v22 =	vld [tilespmem:s19+$0xFFFFFE90]  }
0xe5: {  	v0 =	vld [tilespmem:s8+$0xB200]  }
0xe6: {  	v1 =	vld [tilespmem:s8+$0xB210]  }
0xe7: {  	v2 =	vld [tilespmem:s8+$0xB220]  }
0xe8: {  	v23 =	vld [tilespmem:s19+$0xFFFFFE30]  }
0xe9: {  	v3 =	vld [tilespmem:s8+$0xB230]  }
0xea: {  	v5 =	vld [tilespmem:s8+$0xB250]  }
0xeb: {  	v24 =	vld [tilespmem:s19+$0xFFFFFEA0];
	v32 =	vshll.u32 v18, $0x10;
	v10 =	vmul.f32 $1.020620760e-01, v0;
	v9 =	vmul.f32 $1.020620760e-01, v1  }
0xec: {  	v4 =	vld [tilespmem:s8+$0xB240];
	v33 =	vshll.u32 v19, $0x10;
	v35 =	vshll.u32 v20, $0x10;
	v2 =	vmul.f32 $1.020620760e-01, v2  }
0xed: {  	v25 =	vld [tilespmem:s19+$0xFFFFFE40];
	v36 =	vshll.u32 v21, $0x10;
	v6 =	vmul.f32 v32, v10;
	v7 =	vmul.f32 v33, v9  }
0xee: {  	v26 =	vld [tilespmem:s19+$0xFFFFFEB0];
	v37 =	vshll.u32 v22, $0x10;
	v8 =	vshll.u32 v23, $0x10;
	v3 =	vmul.f32 $1.020620760e-01, v3  }
0xef: {  	v27 =	vld [tilespmem:s19+$0xFFFFFE50];
	v0 =	vmul.f32 $1.020620760e-01, v5;
	v5 =	vmul.f32 v35, v2;
	v34 =	vadd.f32 v7, v6  }
0xf0: {  	v28 =	vld [tilespmem:s19+$0xFFFFFEC0];
	v39 =	vshll.u32 v24, $0x10;
	v6 =	vmul.f32 v36, v10;
	v7 =	vmul.f32 v37, v9  }
0xf1: {  	v1 =	vmul.f32 $1.020620760e-01, v4;
	v38 =	vmul.f32 v8, v3;
	v4 =	vadd.f32 v5, v34  }
0xf2: {  	v29 =	vld [tilespmem:s19+$0xFFFFFED0];
	v11 =	vshll.u32 v25, $0x10;
	v40 =	vmul.f32 v39, v2;
	v6 =	vadd.f32 v7, v6  }
0xf3: {  	v42 =	vshll.u32 v26, $0x10;
	v41 =	vmul.f32 v11, v1;
	v4 =	vadd.f32 v38, v4  }
0xf4: {  	v43 =	vshll.u32 v27, $0x10;
	v44 =	vmul.f32 v42, v3;
	v6 =	vadd.f32 v40, v6  }
0xf5: {  	v46 =	vshll.u32 v28, $0x10;
	v45 =	vmul.f32 v43, v0;
	v4 =	vadd.f32 v41, v4  }
0xf6: {  	v47 =	vmul.f32 v46, v1;
	v6 =	vadd.f32 v44, v6  }
0xf7: {  	v17 =	vld [tilespmem:s19+$0xFFFFFF00];
	v48 =	vshll.u32 v29, $0x10;
	v4 =	vadd.f32 v45, v4  }
0xf8: {  	v15 =	vld [tilespmem:s19+$0xFFFFFF10];
	v5 =	vmul.f32 v48, v0;
	v6 =	vadd.f32 v47, v6  }
0xf9: {  	v12 =	vld [tilespmem:s19+$0xFFFFFF20];
	(xrf2) =	vadd.scan.msk.f32 $0xffff, v4  }
0xfa: {  	v14 =	vld [tilespmem:s19+$0xFFFFFF40];
	v49 =	vadd.f32 v5, v6  }
0xfb: {  	v13 =	vld [tilespmem:s19+$0xFFFFFF30]  }
0xfc: {  	v4 =	vld [tilespmem:s19+$0xFFFFFF80];
	(xrf2) =	vadd.scan.msk.f32 $0xffff, v49  }
0xfd: {  	v55 =	vshll.u32 v17, $0x10;
	v57 =	vshll.u32 v15, $0x10;
	v5 =	vld [tilespmem:s19+$0xFFFFFF90]  }
0xfe: {  	v56 =	vmul.f32 v55, v10;
	v11 =	vld [tilespmem:s19+$0xFFFFFFB0];
	v31 =	vmul.f32 v57, v9  }
0xff: {  	v61 =	vshll.u32 v14, $0x10;
	v33 =	vshll.u32 v12, $0x10;
	v6 =	vld [tilespmem:s19+$0xFFFFFFA0]  }
0x100: {  	v33 =	vmul.f32 v33, v2;
	v31 =	vadd.f32 v31, v56;
	v36 =	vshll.u32 v13, $0x10  }
0x101: {  	v8 =	vld [tilespmem:s19+$0xFFFFFFD0];
	v63 =	vmul.f32 v61, v1;
	v59 =	vmul.f32 v36, v3  }
0x102: {  	v7 =	vld [tilespmem:s19+$0xFFFFFFC0];
	v31 =	vadd.f32 v33, v31;
	v16 =	vshll.u32 v4, $0x10;
	v32 =	vshll.u32 v5, $0x10  }
0x103: {  	v60 =	vshll.u32 v11, $0x10;
	v34 =	vmul.f32 v16, v10;
	v32 =	vmul.f32 v32, v9;
	v16 =	vld [tilespmem:s19+$0xFFFFFF50];
	v50, _, _ =	vpop (xrf2)  }
0x104: {  	v31 =	vadd.f32 v59, v31;
	v35 =	vshll.u32 v6, $0x10;
	v51 =	vmul.f32 $1.442695020e+00, v50  }
0x105: {  	v62 =	vmul.f32 v60, v3;
	v58 =	vmul.f32 v35, v2;
	v32 =	vadd.f32 v32, v34  }
0x106: {  	v31 =	vadd.f32 v63, v31;
	v44 =	vshll.u32 v8, $0x10;
	v53, _, _ =	vpop (xrf2);
	v52 =	vbroadcast v51, $0xF  }
0x107: {  	v40 =	vshll.u32 v7, $0x10;
	v32 =	vadd.f32 v58, v32;
	v54 =	vmul.f32 $1.442695020e+00, v53  }
0x108: {  	v42 =	vmul.f32 v40, v1;
	v41 =	vshll.u32 v16, $0x10;
	(erf) = vpow2.f32 v52  }
0x109: {  	v32 =	vadd.f32 v62, v32;
	v43 =	vmul.f32 v41, v0;
	v30 =	vbroadcast v54, $0xF  }
0x10a: {  	v46 =	vmul.f32 v44, v0  }
0x10b: {  	v36 =	vld [tilespmem:s19+$0x40];
	v45 =	vadd.f32 v42, v32;
	v31 =	vadd.f32 v43, v31;
	(erf) = vpow2.f32 v30;
	_ =	sdelay $0x1  }
0x10c: {  	v18 =	vand.u32 $0xFFFF0000, v18;
	v19 =	vand.u32 $0xFFFF0000, v19;
	(xrf2) =	vadd.scan.msk.f32 $0xffff, v31;
	v30 =	vadd.f32 v46, v45  }
0x10d: {  	v20 =	vand.u32 $0xFFFF0000, v20;
	v23 =	vand.u32 $0xFFFF0000, v23;
	v25 =	vand.u32 $0xFFFF0000, v25  }
0x10e: {  	v21 =	vand.u32 $0xFFFF0000, v21;
	v22 =	vand.u32 $0xFFFF0000, v22;
	v24 =	vand.u32 $0xFFFF0000, v24;
	(xrf2) =	vadd.scan.msk.f32 $0xffff, v30  }
0x10f: {  	v29 =	vand.u32 $0xFFFF0000, v29;
	v17 =	vand.u32 $0xFFFF0000, v17;
	v46 =	vshll.u32 v36, $0x10  }
0x110: {  	v56 =	vand.u32 $0xFFFF0000, v28;
	v51 =	vand.u32 $0xFFFF0000, v27;
	v46 =	vmul.f32 v46, v1;
	v47 =	vpop (erf)  }
0x111: {  	v54 =	vand.u32 $0xFFFF0000, v26;
	v18 =	vmul.f32 v18, v47;
	v20 =	vmul.f32 v20, v47  }
0x112: {  	v32 =	vld [tilespmem:s19+$0x30];
	v48 =	vadd.f32 $0.0e+00, v47;
	v19 =	vmul.f32 v19, v47;
	v23 =	vmul.f32 v23, v47  }
0x113: {  	v25 =	vmul.f32 v25, v47;
	v52 =	vpop (erf);
	v18 =	vadd.f32 $0.0e+00, v18;
	v49 =	vadd.f32 $0.0e+00, v20;
	v20 =	vld [tilespmem:s19+$0x0]  }
0x114: {  	v19 =	vadd.f32 $0.0e+00, v19;
	v50 =	vadd.f32 $0.0e+00, v23;
	v21 =	vmul.f32 v21, v52;
	v23 =	vld [tilespmem:s19+$0x10]  }
0x115: {  	v37 =	vadd.f32 $0.0e+00, v25;
	v22 =	vmul.f32 v22, v52;
	v53 =	vmul.f32 v24, v52;
	v24 =	vld [tilespmem:s19+$0x20]  }
0x116: {  	v40 =	vmul.f32 v51, v47;
	v57, _, _ =	vpop (xrf2);
	v39 =	vadd.f32 v52, v48;
	v41 =	vadd.f32 v21, v18;
	v18 =	vld [tilespmem:s19+$0x80]  }
0x117: {  	v55 =	vmul.f32 v54, v52;
	v26 =	vmul.f32 $1.442695020e+00, v57;
	v42 =	vadd.f32 v22, v19;
	v19 =	vld [tilespmem:s19+$0x90]  }
0x118: {  	v38 =	vld [tilespmem:s19+$0x50];
	v30 =	vmul.f32 v56, v52;
	v45 =	vmul.f32 v29, v52;
	v43 =	vadd.f32 v53, v49;
	v58, _, _ =	vpop (xrf2)  }
0x119: {  	v21 =	vld [tilespmem:s19+$0xA0];
	v63 =	vbroadcast v26, $0xF;
	v53 =	vshll.u32 v32, $0x10;
	v59 =	vmul.f32 $1.442695020e+00, v58  }
0x11a: {  	v35 =	vld [tilespmem:s19+$0x130];
	v33 =	vmul.f32 v53, v3;
	v60 =	vshll.u32 v20, $0x10;
	v61 =	vshll.u32 v23, $0x10  }
0x11b: {  	v44 =	vadd.f32 v55, v50;
	v26 =	vld [tilespmem:s19+$0xB0];
	v62 =	vmul.f32 v60, v10;
	v28 =	vmul.f32 v61, v9  }
0x11c: {  	v34 =	vld [tilespmem:s19+$0xD0];
	v50 =	vshll.u32 v24, $0x10;
	v51 =	vshll.u32 v18, $0x10;
	v52 =	vshll.u32 v19, $0x10  }
0x11d: {  	v29 =	vld [tilespmem:s19+$0xC0];
	v49 =	vadd.f32 v28, v62;
	v28 =	vmul.f32 v51, v10;
	v31 =	vmul.f32 v52, v9  }
0x11e: {  	v25 =	vld [tilespmem:s19+$0x100];
	(erf) = vpow2.f32 v63;
	v27 =	vmul.f32 v50, v2;
	v55 =	vshll.u32 v21, $0x10  }
0x11f: {  	v22 =	vld [tilespmem:s19+$0x180];
	v48 =	vbroadcast v59, $0xF;
	v56 =	vmul.f32 v55, v2;
	v28 =	vadd.f32 v31, v28  }
0x120: {  	v57 =	vshll.u32 v26, $0x10;
	v51 =	vadd.f32 v30, v37;
	v37 =	vld [tilespmem:s19+$0x140];
	v54 =	vadd.f32 v27, v49  }
0x121: {  	v59 =	vshll.u32 v38, $0x10;
	v58 =	vmul.f32 v57, v3;
	v27 =	vld [tilespmem:s19+$0x110];
	v28 =	vadd.f32 v56, v28  }
0x122: {  	v60 =	vmul.f32 v59, v0;
	v61 =	vshll.u32 v29, $0x10;
	v47 =	vadd.f32 v33, v54;
	v33 =	vld [tilespmem:s19+$0x120]  }
0x123: {  	(erf) = vpow2.f32 v48;
	v62 =	vshll.u32 v34, $0x10;
	v31 =	vadd.f32 v58, v28;
	v28 =	vld [tilespmem:s19+$0x190]  }
0x124: {  	v48 =	vmul.f32 v61, v1;
	v52 =	vshll.u32 v22, $0x10;
	v63 =	vmul.f32 v62, v0  }
0x125: {  	v30 =	vld [tilespmem:s19+$0x1A0];
	v52 =	vmul.f32 v52, v10;
	v49 =	vshll.u32 v25, $0x10;
	v46 =	vadd.f32 v46, v47  }
0x126: {  	v49 =	vmul.f32 v49, v10;
	v10 =	vld [tilespmem:s19+$0x150];
	v56 =	vshll.u32 v35, $0x10;
	v50 =	vshll.u32 v27, $0x10  }
0x127: {  	v50 =	vmul.f32 v50, v9;
	v46 =	vadd.f32 v60, v46;
	v47 =	vadd.f32 v48, v31;
	v31 =	vld [tilespmem:s19+$0x1B0]  }
0x128: {  	v60 =	vshll.u32 v37, $0x10;
	v55 =	vshll.u32 v33, $0x10;
	v53 =	vshll.u32 v28, $0x10  }
0x129: {  	v49 =	vadd.f32 v50, v49;
	v50 =	vmul.f32 v55, v2;
	v53 =	vmul.f32 v53, v9;
	v9 =	vld [tilespmem:s19+$0x1C0]  }
0x12a: {  	v59 =	vshll.u32 v30, $0x10;
	v58 =	vmul.f32 v56, v3;
	v61 =	vmul.f32 v60, v1  }
0x12b: {  	(xrf2) =	vadd.scan.msk.f32 $0xffff, v46;
	v57 =	vadd.f32 v50, v49;
	v50 =	vmul.f32 v59, v2;
	v2 =	vld [tilespmem:s19+$0x1D0];
	v52 =	vadd.f32 v53, v52  }
0x12c: {  	v47 =	vadd.f32 v63, v47;
	v63 =	vshll.u32 v10, $0x10;
	v62 =	vshll.u32 v31, $0x10  }
0x12d: {  	v46 =	vadd.f32 v58, v57;
	v3 =	vmul.f32 v62, v3;
	v50 =	vadd.f32 v50, v52  }
0x12e: {  	v15 =	vand.u32 $0xFFFF0000, v15;
	v48 =	vmul.f32 v63, v0;
	v53 =	vshll.u32 v9, $0x10  }
0x12f: {  	v46 =	vadd.f32 v61, v46;
	v3 =	vadd.f32 v3, v50;
	v1 =	vmul.f32 v53, v1  }
0x130: {  	v12 =	vand.u32 $0xFFFF0000, v12;
	v13 =	vand.u32 $0xFFFF0000, v13;
	(xrf2) =	vadd.scan.msk.f32 $0xffff, v47;
	v54 =	vshll.u32 v2, $0x10  }
0x131: {  	v46 =	vadd.f32 v48, v46;
	v0 =	vmul.f32 v54, v0;
	v1 =	vadd.f32 v1, v3  }
0x132: {  	v11 =	vand.u32 $0xFFFF0000, v11;
	v8 =	vand.u32 $0xFFFF0000, v8;
	v40 =	vadd.f32 $0.0e+00, v40  }
0x133: {  	v7 =	vand.u32 $0xFFFF0000, v7;
	v4 =	vand.u32 $0xFFFF0000, v4;
	(xrf2) =	vadd.scan.msk.f32 $0xffff, v46;
	v0 =	vadd.f32 v0, v1  }
0x134: {  	v5 =	vand.u32 $0xFFFF0000, v5;
	v6 =	vand.u32 $0xFFFF0000, v6;
	v56 =	vadd.f32 v45, v40;
	v52 =	vpop (erf)  }
0x135: {  	v60 =	vand.u32 $0xFFFF0000, v14;
	v40 =	vand.u32 $0xFFFF0000, v33;
	v61 =	vand.u32 $0xFFFF0000, v16;
	v57, _, _ =	vpop (xrf2);
	(xrf2) =	vadd.scan.msk.f32 $0xffff, v0  }
0x136: {  	v16 =	vand.u32 $0xFFFF0000, v19;
	v9 =	vand.u32 $0xFFFF0000, v9;
	v17 =	vmul.f32 v17, v52  }
0x137: {  	v2 =	vand.u32 $0xFFFF0000, v2;
	v55 =	vmul.f32 v15, v52;
	v1 =	vmul.f32 $1.442695020e+00, v57  }
0x138: {  	v53 =	vand.u32 $0xFFFF0000, v23;
	v58 =	vmul.f32 v12, v52;
	v59 =	vmul.f32 v13, v52  }
0x139: {  	v23 =	vand.u32 $0xFFFF0000, v29;
	v13 =	vmul.f32 v60, v52;
	v1 =	vbroadcast v1, $0xF  }
0x13a: {  	v62 =	vadd.f32 v52, v39;
	v14 =	vmul.f32 v61, v52;
	v0 =	vadd.f32 v58, v43;
	v43, _, _ =	vpop (xrf2)  }
0x13b: {  	v52 =	vand.u32 $0xFFFF0000, v20;
	v15 =	vmul.f32 $1.442695020e+00, v43;
	(erf) = vpow2.f32 v1  }
0x13c: {  	v61 =	vand.u32 $0xFFFF0000, v18;
	v39 =	vand.u32 $0xFFFF0000, v27;
	v17 =	vadd.f32 v17, v41  }
0x13d: {  	v3 =	vadd.f32 v55, v42;
	v12 =	vadd.f32 v59, v44;
	v46 =	vbroadcast v15, $0xF;
	v44, _, _ =	vpop (xrf2)  }
0x13e: {  	v13 =	vadd.f32 v13, v51;
	v63 =	vadd.f32 v14, v56;
	v42 =	vpop (erf);
	v47 =	vmul.f32 $1.442695020e+00, v44  }
0x13f: {  	v55 =	vand.u32 $0xFFFF0000, v24;
	v45 =	vmul.f32 v11, v42;
	(erf) = vpow2.f32 v46;
	v50, _, _ =	vpop (xrf2)  }
0x140: {  	v59 =	vand.u32 $0xFFFF0000, v38;
	v49 =	vbroadcast v47, $0xF;
	v11 =	vmul.f32 $1.442695020e+00, v50  }
0x141: {  	v38 =	vand.u32 $0xFFFF0000, v25;
	v4 =	vmul.f32 v4, v42;
	v5 =	vmul.f32 v5, v42  }
0x142: {  	v41 =	vand.u32 $0xFFFF0000, v35;
	(erf) = vpow2.f32 v49;
	v11 =	vbroadcast v11, $0xF  }
0x143: {  	v6 =	vmul.f32 v6, v42;
	v48 =	vadd.f32 v42, v62;
	v7 =	vmul.f32 v7, v42  }
0x144: {  	v8 =	vmul.f32 v8, v42;
	v4 =	vadd.f32 v4, v17;
	v51 =	vpop (erf);
	(erf) = vpow2.f32 v11  }
0x145: {  	v57 =	vand.u32 $0xFFFF0000, v32;
	v3 =	vadd.f32 v5, v3;
	v5 =	vadd.f32 v45, v12  }
0x146: {  	v7 =	vadd.f32 v7, v13;
	v58 =	vand.u32 $0xFFFF0000, v36;
	v17 =	vand.u32 $0xFFFF0000, v21  }
0x147: {  	v21 =	vand.u32 $0xFFFF0000, v26;
	v36 =	vand.u32 $0xFFFF0000, v34;
	v45 =	vand.u32 $0xFFFF0000, v10  }
0x148: {  	v43 =	vand.u32 $0xFFFF0000, v37;
	v0 =	vadd.f32 v6, v0;
	v12 =	vadd.f32 v51, v48  }
0x149: {  	v1 =	vadd.f32 v8, v63;
	v46 =	vand.u32 $0xFFFF0000, v22;
	v14 =	vmul.f32 v52, v51;
	v60 =	vpop (erf)  }
0x14a: {  	v54 =	vmul.f32 v53, v51;
	v56 =	vmul.f32 v55, v51;
	v63 =	vadd.f32 v60, v12  }
0x14b: {  	v47 =	vand.u32 $0xFFFF0000, v28;
	v13 =	vmul.f32 v58, v51;
	v6 =	vmul.f32 v59, v51;
	v18 =	vpop (erf)  }
0x14c: {  	v48 =	vand.u32 $0xFFFF0000, v30;
	v4 =	vadd.f32 v14, v4;
	v8 =	vadd.f32 v18, v63  }
0x14d: {  	v3 =	vadd.f32 v54, v3;
	v0 =	vadd.f32 v56, v0;
	v11 =	vmul.f32 v57, v51;
	v29 =	vpop (erf)  }
0x14e: {  	v62 =	vmul.f32 v61, v60;
	v19 =	vmul.f32 v16, v60;
	v8 =	vadd.f32 v29, v8  }
0x14f: {  	v7 =	vadd.f32 v13, v7;
	v20 =	vmul.f32 v17, v60;
	v24 =	vmul.f32 v21, v60  }
0x150: {  	v1 =	vadd.f32 v6, v1;
	v26 =	vmul.f32 v23, v60;
	(erf) = vrcp.f32 v8  }
0x151: {  	v51 =	vand.u32 $0xFFFF0000, v31;
	v5 =	vadd.f32 v11, v5;
	v4 =	vadd.f32 v62, v4  }
0x152: {  	v3 =	vadd.f32 v19, v3;
	v32 =	vadd.f32 v26, v7;
	v7 =	vmul.f32 v36, v60  }
0x153: {  	v0 =	vadd.f32 v20, v0;
	v5 =	vadd.f32 v24, v5;
	v11 =	vmul.f32 v39, v18  }
0x154: {  	v1 =	vadd.f32 v7, v1;
	v12 =	vmul.f32 v40, v18;
	v8 =	vmul.f32 v38, v18  }
0x155: {  	v42 =	vmul.f32 v41, v18;
	v44 =	vmul.f32 v43, v18;
	v3 =	vadd.f32 v11, v3  }
0x156: {  	v0 =	vadd.f32 v12, v0;
	v10 =	vmul.f32 v46, v29;
	v4 =	vadd.f32 v8, v4  }
0x157: {  	v50 =	vld [tilespmem:s8+$0x14200];
	v5 =	vadd.f32 v42, v5;
	v6 =	vadd.f32 v44, v32;
	v11 =	vmul.f32 v47, v29  }
0x158: {  	v52 =	vld [tilespmem:s8+$0x14210];
	v49 =	vmul.f32 v48, v29;
	v53 =	vmul.f32 v51, v29;
	v4 =	vadd.f32 v10, v4  }
0x159: {  	v55 =	vld [tilespmem:s8+$0x14220];
	v9 =	vmul.f32 v9, v29;
	v3 =	vadd.f32 v11, v3;
	v8 =	vmul.f32 v45, v18;
	v54 =	vpop (erf)  }
0x15a: {  	v56 =	vld [tilespmem:s8+$0x14230];
	v2 =	vmul.f32 v2, v29;
	v0 =	vadd.f32 v49, v0;
	v4 =	vmul.f32 v54, v4  }
0x15b: {  	v57 =	vld [tilespmem:s8+$0x14240];
	v5 =	vadd.f32 v53, v5;
	v1 =	vadd.f32 v8, v1;
	v3 =	vmul.f32 v54, v3  }
0x15c: {  	v58 =	vld [tilespmem:s8+$0x14250];
	v6 =	vadd.f32 v9, v6;
	v0 =	vmul.f32 v54, v0;
	v4 =	vadd.f32 v4, v50  }
0x15d: {  	v1 =	vadd.f32 v2, v1;
	v60 =	vmul.f32 v54, v5;
	v59 =	vadd.f32 v3, v52  }
0x15e: {  	p0 =	sne.s32 s13, $0x3E00;
	v61 =	vmul.f32 v54, v6;
	v0 =	vadd.f32 v0, v55;
	[tilespmem:s8+$0x15200] =	vst v4  }
.Ltmp1:
0x15f: {  	v1 =	vmul.f32 v54, v1;
	v62 =	vadd.f32 v60, v56;
	[tilespmem:s8+$0x15210] =	vst v59;
	(pc) =	sbr.rel @p0 .LBB2_5-.Ltmp1, $4  }
0x160: {  	v63 =	vadd.f32 v61, v57;
	[tilespmem:s8+$0x15220] =	vst v0  }
0x161: {  	v1 =	vadd.f32 v1, v58;
	[tilespmem:s8+$0x15230] =	vst v62  }
0x162: {  	[tilespmem:s8+$0x15240] =	vst v63  }
0x163: {  	s13 =	sadd.s32 $0x200, s13;
	s19 =	sadd.s32 $0x400, s19;
	[tilespmem:s8+$0x15250] =	vst v1  }
0x164: {  	s9 =	sadd.s32 $0x1, s9  }
0x165: {  	p0 =	sne.s32 s9, $0x4  }
.Ltmp2:
0x166: {  	_ = 	snop;
	(pc) =	sbr.rel @p0 .LBB2_2-.Ltmp2, $3  }
0x167: {  	_ =	sdelay $0x1  }
0x168: {  	s8 =	sadd.s32 s7, s10  }
0x169: {  	[hbm4b:s8+s2] =	stream.linear.scatter [tilespmem:s18], [sflag:$0x8], $0x1000, $0x38;
	[tilespmem:$0x16200] =	vst v63  }
0x16a: {  	s8 =	simm.s32 $0x4  }
0x16b: {  	_ =	swait.ge [sflag:s8], $0x1000  }
0x16c: {  	[sflag:s8] =	ssyncset.done $0x0  }
0x16d: {  	s9 =	simm.s32 $0x8;
	[sflag:s8] =	ssyncadd.s32 $0xFFFFF000  }
0x16e: {  	_ =	swait.ge [sflag:s9], $0x1000  }
0x16f: {  	s10 =	rddreg [dreg:$0x7]  }
0x170: {  	s20 =	rddreg [dreg:$0x6];
	s10 =	sadd.s32 $0x1, s10  }
0x171: {  	p0 =	sne.s32 s10, s20  }
.Ltmp3:
0x172: {  	_ = 	snop;
	(pc) =	sbr.rel @p0 .LBB2_1-.Ltmp3, $3  }
0x173: {  	_ =	sdelay $0x1  }
0x174: {  	[sflag:s9] =	ssyncset.done $0x0  }
0x175: {  	[sflag:s9] =	ssyncadd.s32 $0xFFFFF000  }
0x176: {  	_ =	sfence.sel $0x180000  }
0x177: {  	[bflag:$0x0] =	sbarrier.arrive $0xFFFF  }
0x178: {  	_ =	strace $0x90000047  }
0x179: {  	s0 =	stileid.u32;
	[bflag:$0x2] =	sbarrier.arrive $0xFFFF  }
0x17a: {  	p0 =	sne.s32 s0, $0x0;
	s0 =	rddreg [dreg:$0x2]  }
0x17b: {  	s0 =	sadd.s32 @!p0 $0x100000, s0  }
0x17c: {  	[sflag:s0] =	ssyncadd.tile.s32 @!p0 $0x1;
	_ =	shalt  }
.Lfunc_end2:
_tile_overlayer_lowered:
.L_overlay_start_2:
0x17d: {  	(tag) =	ssettag $0x2  }
0x17e: {  	s0 =	rddreg [dreg:$0x0];
	s2 =	stileid.u32  }
0x17f: {  	s1 =	rddreg [dreg:$0x1];
	p0 =	sne.s32 s2, $0x0  }
0x180: {  	s3 =	rddreg [dreg:$0x2];
	[bflag:$0x3] =	sbarrier.arrive $0xFFFF;
	s2 =	simm.s32 @!p0 $0x1C09  }
0x181: {  	[timem:s3], [sflag:s2] =	dma.local @!p0 [hbm:s0], s1  }
0x182: {  	s0 =	simm.s32 @!p0 $0x9  }
0x183: {  	_ =	swait.ge @!p0 [sflag:s0], s1  }
0x184: {  	s1 =	ssub.s32 @!p0 $0x0, s1;
	[sflag:s0] =	ssyncset.done @!p0 $0x0  }
0x185: {  	[sflag:s0] =	ssyncadd.s32 @!p0 s1  }
0x186: {  	[bflag:$0x3] =	sbarrier.arrive $0xFFFF  }
0x187: {  	_ =	shalt  }

</sc_bundles>
